<compile_context>
chip_gen: v7x
topology: tpu7x:2x2x1
jax: 0.10.2.dev20260603
libtpu: 0.0.44.dev20260713+nightly
codegen_flags: <defaults>
</compile_context>

<pallas_src>
import functools

import jax
import jax.numpy as jnp
import numpy as np
from jax.experimental import pallas as pl
from jax.experimental.pallas import tpu as pltpu
from jax import lax
from jax.experimental.pallas import tpu_sc as plsc

_HIDDEN = 256
_NUM_CLASSES = 80
_NUM_QUERIES = 300
_ANCHOR_EPS = 0.01
_SHAPES = [(80, 80), (40, 40), (20, 20)]
_B = 16
_S = 8400
_SBLK = 1680
_QBLK = 1200


def _anchors_and_mask(spatial_shapes):
    anchors = []
    masks = []
    for level, (h, w) in enumerate(_SHAPES):
        gy, gx = jnp.meshgrid(jnp.arange(h, dtype=jnp.float32),
                              jnp.arange(w, dtype=jnp.float32), indexing='ij')
        grid_xy = jnp.stack((gx, gy), axis=-1)
        valid_wh = spatial_shapes[level, ::-1].astype(jnp.float32)
        centers = (grid_xy + 0.5) / valid_wh
        wh = jnp.ones_like(centers) * (0.05 * 2.0 ** level)
        anchor = jnp.concatenate((centers, wh), axis=-1).reshape(h * w, 4)
        mask = jnp.all((anchor > _ANCHOR_EPS) & (anchor < 1.0 - _ANCHOR_EPS),
                       axis=-1, keepdims=True)
        a = jnp.clip(anchor, 1e-4, 1.0 - 1e-4)
        anchors.append(jnp.log(a / (1.0 - a)))
        masks.append(mask)
    return jnp.concatenate(anchors, axis=0), jnp.concatenate(masks, axis=0)


def _ln(x, g, b):
    mu = jnp.mean(x, axis=-1, keepdims=True)
    xc = x - mu
    var = jnp.mean(xc * xc, axis=-1, keepdims=True)
    return xc / jnp.sqrt(var + 1e-5) * g + b


def _stage1_body(mem_ref, mask_ref, wp_ref, bp_ref, g_ref, be_ref,
                 ws_ref, bs_ref, masked_ref, cls_ref):
    x = mem_ref[0] * mask_ref[...]
    masked_ref[0] = x
    enc = _ln(jnp.dot(x, wp_ref[...], preferred_element_type=jnp.float32)
              + bp_ref[...], g_ref[...], be_ref[...])
    sc = jnp.dot(enc, ws_ref[...], preferred_element_type=jnp.float32) + bs_ref[...]
    cls_ref[0, 0, :] = jnp.max(sc, axis=-1)


def _stage1(memory, maskf, W_proj, b_proj, g_proj, be_proj, W_score, b_score):
    n_s = _S // _SBLK
    grid = (_B, n_s)
    return pl.pallas_call(
        _stage1_body,
        grid=grid,
        in_specs=[
            pl.BlockSpec((1, _SBLK, _HIDDEN), lambda b, s: (b, s, 0)),
            pl.BlockSpec((_SBLK, 1), lambda b, s: (s, 0)),
            pl.BlockSpec((_HIDDEN, _HIDDEN), lambda b, s: (0, 0)),
            pl.BlockSpec((1, _HIDDEN), lambda b, s: (0, 0)),
            pl.BlockSpec((1, _HIDDEN), lambda b, s: (0, 0)),
            pl.BlockSpec((1, _HIDDEN), lambda b, s: (0, 0)),
            pl.BlockSpec((_HIDDEN, _NUM_CLASSES), lambda b, s: (0, 0)),
            pl.BlockSpec((1, _NUM_CLASSES), lambda b, s: (0, 0)),
        ],
        out_specs=[
            pl.BlockSpec((1, _SBLK, _HIDDEN), lambda b, s: (b, s, 0)),
            pl.BlockSpec((1, 1, _SBLK), lambda b, s: (b * n_s + s, 0, 0)),
        ],
        out_shape=[
            jax.ShapeDtypeStruct((_B, _S, _HIDDEN), jnp.float32),
            jax.ShapeDtypeStruct((_B * n_s, 1, _SBLK), jnp.float32),
        ],
    )(memory, maskf, W_proj, b_proj, g_proj, be_proj, W_score, b_score)


_NSEL = 304
_PADIDX = 0x40000000


def _keyify(v):
    u = lax.bitcast_convert_type(v, jnp.uint32)
    neg = (u >> jnp.uint32(31)) == jnp.uint32(1)
    return jnp.where(neg, ~u, u | jnp.uint32(0x80000000))


def _digit(k, lvl):
    return ((k >> jnp.uint32(24 - 8 * lvl)) & jnp.uint32(0xFF)).astype(jnp.int32)


def _sum16(v_i32):
    return jnp.sum(v_i32)


def _sc_body(cls_hbm, mem_hbm, anch_hbm, rows_out, anchg_out,
             keys_v, ck1, ci1, ck2, ci2, hist, sel_k, sel_i, ord_v,
             flat_a, flat_b, orda_v, ordb_v, rows_v, anch_v, sem):
    cid = lax.axis_index("c")
    sid = lax.axis_index("s")
    wid = sid * 2 + cid

    @pl.when(wid < _B)
    def _work():
        b = wid
        lanes = lax.iota(jnp.int32, 16)
        ones = jnp.ones((16,), jnp.int32)
        zeros_i = jnp.zeros((16,), jnp.int32)

        pltpu.sync_copy(cls_hbm.at[b], keys_v)

        def init_sel(j, _):
            sel_k[pl.ds(j * 16, 16)] = jnp.zeros((16,), jnp.int32)
            sel_i[pl.ds(j * 16, 16)] = _PADIDX + j * 16 + lanes
            return 0
        lax.fori_loop(0, _NSEL // 16, init_sel, 0)

        def zero_hist(j, _):
            hist[pl.ds(j * 16, 16)] = zeros_i
            return 0

        def find_bin(k_rem):
            def stp(t, carry):
                cum, bsel, above, found = carry
                j = 255 - t
                s = _sum16(hist[pl.ds(j * 16, 16)])
                ncum = cum + s
                hit = jnp.logical_and(found == 0, ncum >= k_rem)
                bsel = jnp.where(hit, j, bsel)
                above = jnp.where(hit, cum, above)
                found = jnp.where(hit, jnp.int32(1), found)
                return (ncum, bsel, above, found)
            _, bsel, above, _ = lax.fori_loop(
                0, 256, stp,
                (jnp.int32(0), jnp.int32(0), jnp.int32(0), jnp.int32(0)))
            return bsel, above

        def run_level(lvl, ck_a, ci_a, ck_b, ci_b, n_cand, sel_n, k_rem, last):
            nv = (n_cand + 15) // 16

            def load_kv(j):
                if lvl == 0:
                    return _keyify(keys_v[pl.ds(j * 16, 16)]), j * 16 + lanes
                return lax.bitcast_convert_type(ck_a[pl.ds(j * 16, 16)], jnp.uint32), ci_a[pl.ds(j * 16, 16)]

            if lvl > 0:
                base = pl.multiple_of(nv * 16 - 16, 16)
                m_pad = (base + lanes) >= n_cand
                ck_a[pl.ds(base, 16)] = jnp.where(
                    m_pad, jnp.int32(0), ck_a[pl.ds(base, 16)])
                ci_a[pl.ds(base, 16)] = jnp.where(
                    m_pad, _PADIDX + base + lanes, ci_a[pl.ds(base, 16)])

            lax.fori_loop(0, 256, zero_hist, 0)

            def lh(j, _):
                k, _i = load_kv(j)
                d = _digit(k, lvl)
                plsc.addupdate_scatter(hist, [d * 16 + lanes], ones)
                return 0
            lax.fori_loop(0, nv, lh, 0)

            bl, above = find_bin(k_rem)
            k_rem2 = k_rem - above

            def le(j, carry):
                sel_n, cn, eqtaken = carry
                k, idx = load_kv(j)
                d = _digit(k, lvl)
                m_ab = d > bl
                m_eq = d == bl
                if last:
                    c_eq = plsc.cumsum(m_eq.astype(jnp.int32))
                    m_take = jnp.logical_or(
                        m_ab, jnp.logical_and(m_eq, (eqtaken + c_eq) <= k_rem2))
                    c_t = plsc.cumsum(m_take.astype(jnp.int32))
                    plsc.store_scatter(sel_k, [sel_n + c_t - 1], lax.bitcast_convert_type(k, jnp.int32), mask=m_take)
                    plsc.store_scatter(sel_i, [sel_n + c_t - 1], idx, mask=m_take)
                    return (sel_n + _sum16(m_take.astype(jnp.int32)), cn,
                            eqtaken + _sum16(m_eq.astype(jnp.int32)))
                c_ab = plsc.cumsum(m_ab.astype(jnp.int32))
                c_eq = plsc.cumsum(m_eq.astype(jnp.int32))
                plsc.store_scatter(sel_k, [sel_n + c_ab - 1], lax.bitcast_convert_type(k, jnp.int32), mask=m_ab)
                plsc.store_scatter(sel_i, [sel_n + c_ab - 1], idx, mask=m_ab)
                plsc.store_scatter(ck_b, [cn + c_eq - 1], lax.bitcast_convert_type(k, jnp.int32), mask=m_eq)
                plsc.store_scatter(ci_b, [cn + c_eq - 1], idx, mask=m_eq)
                return (sel_n + _sum16(m_ab.astype(jnp.int32)),
                        cn + _sum16(m_eq.astype(jnp.int32)), eqtaken)

            sel_n, n2, _ = lax.fori_loop(
                0, nv, le, (sel_n, jnp.int32(0), jnp.int32(0)))
            return n2, sel_n, k_rem2

        n, sel_n, k_rem = run_level(0, None, None, ck1, ci1,
                                    jnp.int32(_S), jnp.int32(0),
                                    jnp.int32(_NUM_QUERIES), False)
        n, sel_n, k_rem = run_level(1, ck1, ci1, ck2, ci2, n, sel_n, k_rem, False)
        n, sel_n, k_rem = run_level(2, ck2, ci2, ck1, ci1, n, sel_n, k_rem, False)
        n, sel_n, k_rem = run_level(3, ck1, ci1, None, None, n, sel_n, k_rem, True)

        def rank_one(e, _):
            eb = pl.multiple_of((e // 16) * 16, 16)
            el = e - eb
            kvec = sel_k[pl.ds(eb, 16)]
            ivec = sel_i[pl.ds(eb, 16)]
            msel = lanes == el
            ke = jnp.sum(jnp.where(msel, kvec, 0))
            ie = jnp.sum(jnp.where(msel, ivec, 0))
            keu = lax.bitcast_convert_type(ke, jnp.uint32)

            def acc_j(j, acc):
                kv = lax.bitcast_convert_type(sel_k[pl.ds(j * 16, 16)], jnp.uint32)
                iv = sel_i[pl.ds(j * 16, 16)]
                gt = (kv > keu).astype(jnp.int32)
                eqlt = jnp.logical_and(kv == keu, iv < ie).astype(jnp.int32)
                return acc + gt + eqlt
            acc = lax.fori_loop(0, _NSEL // 16, acc_j, zeros_i)
            r = _sum16(acc)
            plsc.store_scatter(ord_v, [jnp.full((16,), r, jnp.int32)],
                               jnp.full((16,), ie, jnp.int32),
                               mask=lanes == 0)
            return 0
        lax.fori_loop(0, _NSEL, rank_one, 0)

        tailb = _NSEL - 16
        tv = ord_v[pl.ds(tailb, 16)]
        ord_v[pl.ds(tailb, 16)] = jnp.where((tailb + lanes) >= _NUM_QUERIES,
                                            jnp.int32(0), tv)

        for j in range(_NSEL // 16):
            ov = ord_v[pl.ds(j * 16, 16)]
            if j < 10:
                flat_a[pl.ds(j * 16, 16)] = ov + b * _S
                orda_v[pl.ds(j * 16, 16)] = ov
            else:
                flat_b[pl.ds((j - 10) * 16, 16)] = ov + b * _S
                ordb_v[pl.ds((j - 10) * 16, 16)] = ov

        pltpu.async_copy(mem_hbm.at[flat_a], rows_v, sem).wait()
        pltpu.sync_copy(rows_v, rows_out.at[b, pl.ds(0, 160)])
        pltpu.async_copy(mem_hbm.at[flat_b], rows_v.at[pl.ds(0, 144)], sem).wait()
        pltpu.sync_copy(rows_v.at[pl.ds(0, 144)], rows_out.at[b, pl.ds(160, 144)])
        pltpu.async_copy(anch_hbm.at[orda_v], anch_v, sem).wait()
        pltpu.sync_copy(anch_v, anchg_out.at[b, pl.ds(0, 160)])
        pltpu.async_copy(anch_hbm.at[ordb_v], anch_v.at[pl.ds(0, 144)], sem).wait()
        pltpu.sync_copy(anch_v.at[pl.ds(0, 144)], anchg_out.at[b, pl.ds(160, 144)])


def sc_topk_gather(cls_max, mem_flat, anchors):
    mesh = plsc.VectorSubcoreMesh(core_axis_name="c", subcore_axis_name="s", num_cores=2, num_subcores=16)
    f = pl.kernel(
        _sc_body,
        out_type=[
            jax.ShapeDtypeStruct((_B, _NSEL, _HIDDEN), jnp.float32),
            jax.ShapeDtypeStruct((_B, _NSEL, 128), jnp.float32),
        ],
        mesh=mesh,
        compiler_params=pltpu.CompilerParams(needs_layout_passes=False),
        scratch_types=[
            pltpu.VMEM((_S,), jnp.float32),
            pltpu.VMEM((_S,), jnp.int32),
            pltpu.VMEM((_S,), jnp.int32),
            pltpu.VMEM((_S,), jnp.int32),
            pltpu.VMEM((_S,), jnp.int32),
            pltpu.VMEM((4096,), jnp.int32),
            pltpu.VMEM((_NSEL,), jnp.int32),
            pltpu.VMEM((_NSEL,), jnp.int32),
            pltpu.VMEM((_NSEL,), jnp.int32),
            pltpu.VMEM((160,), jnp.int32),
            pltpu.VMEM((144,), jnp.int32),
            pltpu.VMEM((160,), jnp.int32),
            pltpu.VMEM((144,), jnp.int32),
            pltpu.VMEM((160, _HIDDEN), jnp.float32),
            pltpu.VMEM((160, 128), jnp.float32),
            pltpu.SemaphoreType.DMA,
        ],
    )
    return f(cls_max, mem_flat, anchors)




def _stage4_body(x_ref, anch_ref, wp_ref, bp_ref, g_ref, be_ref, ws_ref, bs_ref,
                 w1_ref, b1_ref, w2_ref, b2_ref, w3_ref, b3_ref,
                 tgt_ref, logits_ref, refp_ref, boxes_ref):
    x = x_ref[...]
    enc = _ln(jnp.dot(x, wp_ref[...], preferred_element_type=jnp.float32)
              + bp_ref[...], g_ref[...], be_ref[...])
    tgt_ref[...] = enc
    logits_ref[...] = jnp.dot(enc, ws_ref[...], preferred_element_type=jnp.float32) + bs_ref[...]
    h = jax.nn.relu(jnp.dot(enc, w1_ref[...], preferred_element_type=jnp.float32) + b1_ref[...])
    h = jax.nn.relu(jnp.dot(h, w2_ref[...], preferred_element_type=jnp.float32) + b2_ref[...])
    bu = jnp.dot(h, w3_ref[...], preferred_element_type=jnp.float32) + b3_ref[...] + anch_ref[...]
    refp_ref[...] = bu
    boxes_ref[...] = jax.nn.sigmoid(bu)


def _stage4(x, anch, W_proj, b_proj, g_proj, be_proj, W_score, b_score,
            W1, b1, W2, b2, W3, b3):
    n = _B * _NUM_QUERIES
    grid = (n // _QBLK,)
    full = lambda r, c: pl.BlockSpec((r, c), lambda i: (0, 0))
    return pl.pallas_call(
        _stage4_body,
        grid=grid,
        in_specs=[
            pl.BlockSpec((_QBLK, _HIDDEN), lambda i: (i, 0)),
            pl.BlockSpec((_QBLK, 4), lambda i: (i, 0)),
            full(_HIDDEN, _HIDDEN), full(1, _HIDDEN), full(1, _HIDDEN), full(1, _HIDDEN),
            full(_HIDDEN, _NUM_CLASSES), full(1, _NUM_CLASSES),
            full(_HIDDEN, _HIDDEN), full(1, _HIDDEN),
            full(_HIDDEN, _HIDDEN), full(1, _HIDDEN),
            full(_HIDDEN, 4), full(1, 4),
        ],
        out_specs=[
            pl.BlockSpec((_QBLK, _HIDDEN), lambda i: (i, 0)),
            pl.BlockSpec((_QBLK, _NUM_CLASSES), lambda i: (i, 0)),
            pl.BlockSpec((_QBLK, 4), lambda i: (i, 0)),
            pl.BlockSpec((_QBLK, 4), lambda i: (i, 0)),
        ],
        out_shape=[
            jax.ShapeDtypeStruct((n, _HIDDEN), jnp.float32),
            jax.ShapeDtypeStruct((n, _NUM_CLASSES), jnp.float32),
            jax.ShapeDtypeStruct((n, 4), jnp.float32),
            jax.ShapeDtypeStruct((n, 4), jnp.float32),
        ],
    )(x, anch, W_proj, b_proj, g_proj, be_proj, W_score, b_score,
      W1, b1, W2, b2, W3, b3)


def kernel(memory, spatial_shapes, W_proj, b_proj, g_proj, be_proj, W_score,
           b_score, W1, b1, W2, b2, W3, b3, Wm, bm, gm, bem):
    anchors, valid_mask = _anchors_and_mask(spatial_shapes)
    maskf = valid_mask.astype(jnp.float32)

    masked_memory, cls_blk = _stage1(
        memory, maskf, W_proj, b_proj.reshape(1, -1), g_proj.reshape(1, -1),
        be_proj.reshape(1, -1), W_score, b_score.reshape(1, -1))

    anchors_pad = jnp.zeros((_S, 128), jnp.float32).at[:, :4].set(anchors)
    rows_pad, anch_pad = sc_topk_gather(
        cls_blk.reshape(_B, _S),
        masked_memory.reshape(_B * _S, _HIDDEN), anchors_pad)
    rows = rows_pad[:, :_NUM_QUERIES]
    anch_g = anch_pad[:, :_NUM_QUERIES, :4]

    target, logits, refp, boxes = _stage4(
        rows.reshape(_B * _NUM_QUERIES, _HIDDEN),
        anch_g.reshape(_B * _NUM_QUERIES, 4),
        W_proj, b_proj.reshape(1, -1), g_proj.reshape(1, -1),
        be_proj.reshape(1, -1), W_score, b_score.reshape(1, -1),
        W1, b1.reshape(1, -1), W2, b2.reshape(1, -1), W3, b3.reshape(1, -1))

    shp = (_B, _NUM_QUERIES)
    return (target.reshape(*shp, _HIDDEN),
            refp.reshape(*shp, 4),
            boxes.reshape(*shp, 4),
            logits.reshape(*shp, _NUM_CLASSES),
            masked_memory)

# --- scband reference (transcript-rebuilt; emitter-appended) ---
"""Pipeline reference for scband-query-selection-68092411510991 (READ-ONLY COPY).

The authoritative reference and input builder live on the scoring server;
editing this copy changes nothing except your own understanding.
"""

import jax, jax.numpy as jnp
import numpy as np

HIDDEN = 256
NUM_CLASSES = 80
NUM_QUERIES = 300
ANCHOR_EPS = 0.01
SHAPES = [(80, 80), (40, 40), (20, 20)]
BIAS_CLS = float(-np.log((1.0 - 0.01) / 0.01))


def _layer_norm(x, g, b):
    mu = jnp.mean(x, axis=-1, keepdims=True)
    var = jnp.var(x, axis=-1, keepdims=True)
    return (x - mu) / jnp.sqrt(var + 1e-5) * g + b


def _generate_anchors(shapes, eps, spatial_shapes):
    anchors = []
    masks = []
    for level, (h, w) in enumerate(shapes):
        gy, gx = jnp.meshgrid(jnp.arange(h, dtype=jnp.float32), jnp.arange(w, dtype=jnp.float32), indexing='ij')
        grid_xy = jnp.stack((gx, gy), axis=-1)
        valid_wh = spatial_shapes[level, ::-1].astype(jnp.float32)
        centers = (grid_xy + 0.5) / valid_wh
        wh = jnp.ones_like(centers) * (0.05 * 2.0 ** level)
        anchor = jnp.concatenate((centers, wh), axis=-1).reshape(1, h * w, 4)
        mask = jnp.all((anchor > eps) & (anchor < 1.0 - eps), axis=-1, keepdims=True)
        a = jnp.clip(anchor, 1e-4, 1.0 - 1e-4)
        anchors.append(jnp.log(a / (1.0 - a)))
        masks.append(mask)
    return jnp.concatenate(anchors, axis=1), jnp.concatenate(masks, axis=1)


def setup_inputs(seed: int = 0) -> dict:
    key = jax.random.key(seed)
    ks = jax.random.split(key, 12)
    B, S, D, C = 16, 8400, HIDDEN, NUM_CLASSES
    inp = {}
    inp['memory'] = jax.random.normal(ks[0], (B, S, D), dtype=jnp.float32)
    inp['spatial_shapes'] = jnp.array(SHAPES, dtype=jnp.int32)
    def w(k, shape, scale=0.02):
        return jax.random.normal(k, shape, dtype=jnp.float32) * scale
    inp['W_proj'] = w(ks[1], (D, D)); inp['b_proj'] = jnp.zeros((D,), jnp.float32)
    inp['g_proj'] = jnp.ones((D,), jnp.float32); inp['be_proj'] = jnp.zeros((D,), jnp.float32)
    inp['W_score'] = w(ks[2], (D, C)); inp['b_score'] = jnp.full((C,), BIAS_CLS, jnp.float32)
    inp['W1'] = w(ks[3], (D, D)); inp['b1'] = jnp.zeros((D,), jnp.float32)
    inp['W2'] = w(ks[4], (D, D)); inp['b2'] = jnp.zeros((D,), jnp.float32)
    inp['W3'] = w(ks[5], (D, 4)); inp['b3'] = jnp.zeros((4,), jnp.float32)
    inp['Wm'] = w(ks[6], (D, D)); inp['bm'] = jnp.zeros((D,), jnp.float32)
    inp['gm'] = jnp.ones((D,), jnp.float32); inp['bem'] = jnp.zeros((D,), jnp.float32)
    return inp


def reference(memory, spatial_shapes, W_proj, b_proj, g_proj, be_proj, W_score, b_score, W1, b1, W2, b2, W3, b3, Wm, bm, gm, bem):
    anchors, valid_mask = _generate_anchors(SHAPES, ANCHOR_EPS, spatial_shapes)
    masked_memory = jnp.where(valid_mask, memory, jnp.zeros_like(memory))
    # map_memory over detached masked memory (unused in eval primary path, kept for faithfulness)
    mapped_memory = _layer_norm(jax.lax.stop_gradient(masked_memory) @ Wm + bm, gm, bem)
    del mapped_memory
    # single active group (eval mode), primary o2o group
    encoded = _layer_norm(masked_memory @ W_proj + b_proj, g_proj, be_proj)
    scores = encoded @ W_score + b_score
    h = jax.nn.relu(encoded @ W1 + b1)
    h = jax.nn.relu(h @ W2 + b2)
    box_unact = (h @ W3 + b3) + anchors
    cls_max = jnp.max(scores, axis=-1)
    _, topk = jax.lax.top_k(cls_max, NUM_QUERIES)
    def gather_batch(x):
        return jnp.take_along_axis(x, topk[:, :, None], axis=1)
    encoder_boxes = gather_batch(jax.nn.sigmoid(box_unact))
    encoder_logits = gather_batch(scores)
    target = gather_batch(encoded)  # learnt_init_query=False, primary -> source is encoded
    reference_points_unact = gather_batch(box_unact)
    return (target, reference_points_unact, encoder_boxes, encoder_logits, masked_memory)

if __name__ == "__main__":
    import jax
    _d = setup_inputs()
    print(jax.jit(kernel)(*tuple(_d.values())))

</pallas_src>

<mosaic_0001>
#map = affine_map<(d0, d1) -> (0, 0)>
#map1 = affine_map<(d0, d1) -> (0, 0, 0)>
module attributes {stable_mosaic.version = 14 : i64} {
  func.func @_sc_body(%arg0: i32, %arg1: i32, %arg2: memref<16x8400xf32, #tpu.memory_space<hbm>>, %arg3: memref<134400x256xf32, #tpu.memory_space<hbm>>, %arg4: memref<8400x128xf32, #tpu.memory_space<hbm>>, %arg5: memref<16x304x256xf32, #tpu.memory_space<hbm>>, %arg6: memref<16x304x128xf32, #tpu.memory_space<hbm>>, %arg7: memref<8400xf32, #tpu.memory_space<vmem>>, %arg8: memref<8400xi32, #tpu.memory_space<vmem>>, %arg9: memref<8400xi32, #tpu.memory_space<vmem>>, %arg10: memref<8400xi32, #tpu.memory_space<vmem>>, %arg11: memref<8400xi32, #tpu.memory_space<vmem>>, %arg12: memref<4096xi32, #tpu.memory_space<vmem>>, %arg13: memref<304xi32, #tpu.memory_space<vmem>>, %arg14: memref<304xi32, #tpu.memory_space<vmem>>, %arg15: memref<304xi32, #tpu.memory_space<vmem>>, %arg16: memref<160xi32, #tpu.memory_space<vmem>>, %arg17: memref<144xi32, #tpu.memory_space<vmem>>, %arg18: memref<160xi32, #tpu.memory_space<vmem>>, %arg19: memref<144xi32, #tpu.memory_space<vmem>>, %arg20: memref<160x256xf32, #tpu.memory_space<vmem>>, %arg21: memref<160x128xf32, #tpu.memory_space<vmem>>, %arg22: memref<!tpu.dma_semaphore, #tpu.memory_space<semaphore_mem>>) attributes {dimension_semantics = [#tpu.dimension_semantics<core_parallel>, #tpu.dimension_semantics<subcore_parallel>], iteration_bounds = array<i64: 2, 16>, scalar_prefetch = 0 : i64, scratch_operands = 16 : i64, tpu.core_type = #tpu.core_type<sc_vector_subcore>, window_params = [{transform_indices = #map}, {transform_indices = #map}, {transform_indices = #map}, {transform_indices = #map1}, {transform_indices = #map1}]} {
    %mul3A = arith.constant 2 : i32
    %mul3A_0 = arith.muli %arg1, %mul3A : i32
    %add3A = arith.addi %mul3A_0, %arg0 : i32
    %lt3A = arith.constant 16 : i32
    %lt3A_1 = arith.cmpi slt, %add3A, %lt3A : i32
    %convert_element_type3A = arith.extui %lt3A_1 : i1 to i32
    %cond3A = arith.constant 0 : i32
    %cond3A_2 = arith.cmpi ne, %convert_element_type3A, %cond3A : i32
    scf.if %cond3A_2 {
      %iota3A = tpu.iota {dimensions = array<i32: 0>} : vector<16xi32>
      %broadcast_in_dim3A = arith.constant 1 : i32
      %broadcast_in_dim3A_3 = vector.broadcast %broadcast_in_dim3A : i32 to vector<16xi32>
      %broadcast_in_dim3A_4 = arith.constant 0 : i32
      %broadcast_in_dim3A_5 = vector.broadcast %broadcast_in_dim3A_4 : i32 to vector<16xi32>
      "tpu.region"() ({
        %run_scoped3A = tpu.sem_alloc : memref<!tpu.dma_semaphore, #tpu.memory_space<semaphore_mem>>
        %dma_start3A_598 = arith.constant 0 : i32
        %dma_start3A_599 = tpu.memref_slice %arg2[%add3A, %dma_start3A_598] : memref<16x8400xf32, #tpu.memory_space<hbm>> -> memref<1x8400xf32, #tpu.memory_space<hbm>>
        %dma_start3A_600 = tpu.memref_squeeze %dma_start3A_599 : memref<1x8400xf32, #tpu.memory_space<hbm>> -> memref<8400xf32, #tpu.memory_space<hbm>>
        %dma_start3A_601 = arith.constant 0 : i32
        %dma_start3A_602 = tpu.memref_slice %arg2[%add3A, %dma_start3A_601] : memref<16x8400xf32, #tpu.memory_space<hbm>> -> memref<1x8400xf32, #tpu.memory_space<hbm>>
        %dma_start3A_603 = tpu.memref_squeeze %dma_start3A_602 : memref<1x8400xf32, #tpu.memory_space<hbm>> -> memref<8400xf32, #tpu.memory_space<hbm>>
        tpu.enqueue_dma source(%dma_start3A_603 : memref<8400xf32, #tpu.memory_space<hbm>>) target(%arg7 : memref<8400xf32, #tpu.memory_space<vmem>>) target_semaphore(%run_scoped3A : memref<!tpu.dma_semaphore, #tpu.memory_space<semaphore_mem>>)
        %dma_wait3A_604 = arith.constant 0 : i32
        %dma_wait3A_605 = tpu.memref_slice %arg2[%add3A, %dma_wait3A_604] : memref<16x8400xf32, #tpu.memory_space<hbm>> -> memref<1x8400xf32, #tpu.memory_space<hbm>>
        %dma_wait3A_606 = tpu.memref_squeeze %dma_wait3A_605 : memref<1x8400xf32, #tpu.memory_space<hbm>> -> memref<8400xf32, #tpu.memory_space<hbm>>
        %dma_wait3A_607 = arith.constant 0 : i32
        %dma_wait3A_608 = tpu.memref_slice %arg2[%add3A, %dma_wait3A_607] : memref<16x8400xf32, #tpu.memory_space<hbm>> -> memref<1x8400xf32, #tpu.memory_space<hbm>>
        %dma_wait3A_609 = tpu.memref_squeeze %dma_wait3A_608 : memref<1x8400xf32, #tpu.memory_space<hbm>> -> memref<8400xf32, #tpu.memory_space<hbm>>
        tpu.wait_dma2 semaphore(%run_scoped3A : memref<!tpu.dma_semaphore, #tpu.memory_space<semaphore_mem>>) src(%dma_wait3A_609 : memref<8400xf32, #tpu.memory_space<hbm>>) dst(%arg7 : memref<8400xf32, #tpu.memory_space<vmem>>)
        tpu.yield
      }) : () -> ()
      %scan3A = arith.constant 0 : i32
      %scan3A_6 = arith.constant 0 : i32
      %scan3A_7 = arith.constant 19 : i32
      %scan3A_8 = arith.addi %scan3A_6, %scan3A_7 : i32
      %scan3A_9 = arith.constant 1 : i32
      %scan3A_10 = scf.for %scan3A_598 = %scan3A_6 to %scan3A_8 step %scan3A_9 iter_args(%scan3A_599 = %scan3A) -> (i32)  : i32 {
        %broadcast_in_dim3A_600 = arith.constant 0 : i32
        %broadcast_in_dim3A_601 = vector.broadcast %broadcast_in_dim3A_600 : i32 to vector<16xi32>
        %mul3A_602 = arith.constant 16 : i32
        %mul3A_603 = arith.muli %scan3A_598, %mul3A_602 : i32
        %swap3A_604 = arith.index_cast %mul3A_603 : i32 to index
        %swap3A_605 = tpu.vector_load %arg13[%swap3A_604] {strides = array<i32>} : memref<304xi32, #tpu.memory_space<vmem>>, vector<16xi32>,
        tpu.vector_store %arg13[%swap3A_604], %broadcast_in_dim3A_601 {strides = array<i32>} : memref<304xi32, #tpu.memory_space<vmem>>, vector<16xi32>,
        %mul3A_606 = arith.constant 16 : i32
        %mul3A_607 = arith.muli %scan3A_598, %mul3A_606 : i32
        %add3A_608 = arith.constant 1073741824 : i32
        %add3A_609 = arith.addi %add3A_608, %mul3A_607 : i32
        %add3A_610 = vector.broadcast %add3A_609 : i32 to vector<16xi32>
        %add3A_611 = arith.addi %add3A_610, %iota3A : vector<16xi32>
        %mul3A_612 = arith.constant 16 : i32
        %mul3A_613 = arith.muli %scan3A_598, %mul3A_612 : i32
        %swap3A_614 = arith.index_cast %mul3A_613 : i32 to index
        %swap3A_615 = tpu.vector_load %arg14[%swap3A_614] {strides = array<i32>} : memref<304xi32, #tpu.memory_space<vmem>>, vector<16xi32>,
        tpu.vector_store %arg14[%swap3A_614], %add3A_611 {strides = array<i32>} : memref<304xi32, #tpu.memory_space<vmem>>, vector<16xi32>,
        %scan3A_616 = arith.constant 0 : i32
        scf.yield %scan3A_616 : i32
      }
      %scan3A_11 = arith.constant 19 : i32
      %add3A_12 = arith.constant 8400 : i32
      %add3A_13 = arith.constant 15 : i32
      %add3A_14 = arith.addi %add3A_12, %add3A_13 : i32
      %jit3A = arith.constant 16 : i32
      %div3A = arith.divsi %add3A_14, %jit3A : i32
      %sign3A = arith.constant 0 : i32
      %sign3A_15 = arith.cmpi sgt, %add3A_14, %sign3A : i32
      %sign3A_16 = arith.extui %sign3A_15 : i1 to i32
      %sign3A_17 = arith.constant 0 : i32
      %sign3A_18 = arith.cmpi slt, %add3A_14, %sign3A_17 : i32
      %sign3A_19 = arith.extui %sign3A_18 : i1 to i32
      %sign3A_20 = arith.subi %sign3A_16, %sign3A_19 : i32
      %sign3A_21 = arith.constant 0 : i32
      %sign3A_22 = arith.cmpi sgt, %jit3A, %sign3A_21 : i32
      %sign3A_23 = arith.extui %sign3A_22 : i1 to i32
      %sign3A_24 = arith.constant 0 : i32
      %sign3A_25 = arith.cmpi slt, %jit3A, %sign3A_24 : i32
      %sign3A_26 = arith.extui %sign3A_25 : i1 to i32
      %sign3A_27 = arith.subi %sign3A_23, %sign3A_26 : i32
      %ne3A = arith.cmpi ne, %sign3A_20, %sign3A_27 : i32
      %rem3A = arith.remsi %add3A_14, %jit3A : i32
      %ne3A_28 = arith.constant 0 : i32
      %ne3A_29 = arith.cmpi ne, %rem3A, %ne3A_28 : i32
      %and3A = arith.andi %ne3A, %ne3A_29 : i1
      %sub3A = arith.constant 1 : i32
      %sub3A_30 = arith.subi %div3A, %sub3A : i32
      %select_n3A = arith.select %and3A, %sub3A_30, %div3A : i32
      %scan3A_31 = arith.constant 0 : i32
      %scan3A_32 = arith.constant 0 : i32
      %scan3A_33 = arith.constant 256 : i32
      %scan3A_34 = arith.addi %scan3A_32, %scan3A_33 : i32
      %scan3A_35 = arith.constant 1 : i32
      %scan3A_36 = scf.for %scan3A_598 = %scan3A_32 to %scan3A_34 step %scan3A_35 iter_args(%scan3A_599 = %scan3A_31) -> (i32)  : i32 {
        %mul3A_600 = arith.constant 16 : i32
        %mul3A_601 = arith.muli %scan3A_598, %mul3A_600 : i32
        %swap3A_602 = arith.index_cast %mul3A_601 : i32 to index
        %swap3A_603 = tpu.vector_load %arg12[%swap3A_602] {strides = array<i32>} : memref<4096xi32, #tpu.memory_space<vmem>>, vector<16xi32>,
        tpu.vector_store %arg12[%swap3A_602], %broadcast_in_dim3A_5 {strides = array<i32>} : memref<4096xi32, #tpu.memory_space<vmem>>, vector<16xi32>,
        %scan3A_604 = arith.constant 0 : i32
        scf.yield %scan3A_604 : i32
      }
      %scan3A_37 = arith.constant 256 : i32
      %while3A = arith.constant 0 : i32
      %while3A_38 = arith.constant 0 : i32
      %while3A_39 = arith.subi %select_n3A, %while3A : i32
      %while3A_40 = arith.addi %while3A, %while3A_39 : i32
      %while3A_41 = arith.constant 1 : i32
      %while3A_42 = arith.divsi %while3A_39, %while3A_41 : i32
      %while3A_43 = arith.muli %while3A_42, %while3A_41 : i32
      %while3A_44 = arith.addi %while3A, %while3A_43 : i32
      %while3A_45 = arith.constant 1 : i32
      %while3A_46 = scf.for %while3A_598 = %while3A to %while3A_44 step %while3A_45 iter_args(%while3A_599 = %while3A_38) -> (i32)  : i32 {
        %mul3A_600 = arith.constant 16 : i32
        %mul3A_601 = arith.muli %while3A_598, %mul3A_600 : i32
        %get3A_602 = arith.index_cast %mul3A_601 : i32 to index
        %get3A_603 = tpu.vector_load %arg7[%get3A_602] {strides = array<i32>} : memref<8400xf32, #tpu.memory_space<vmem>>, vector<16xf32>,
        %bitcast_convert_type3A = tpu.bitcast %get3A_603 : vector<16xf32> -> vector<16xi32>
        %shift_right_logical3A = arith.constant 31 : i32
        %shift_right_logical3A_604 = vector.broadcast %shift_right_logical3A : i32 to vector<16xi32>
        %shift_right_logical3A_605 = arith.shrui %bitcast_convert_type3A, %shift_right_logical3A_604 : vector<16xi32>
        %eq3A = arith.constant 1 : i32
        %eq3A_606 = vector.broadcast %eq3A : i32 to vector<16xi32>
        %eq3A_607 = arith.cmpi eq, %shift_right_logical3A_605, %eq3A_606 : vector<16xi32>
        %not3A = arith.constant dense<-1> : vector<16xi32>
        %not3A_608 = arith.xori %bitcast_convert_type3A, %not3A : vector<16xi32>
        %or3A = arith.constant -2147483648 : i32
        %or3A_609 = vector.broadcast %or3A : i32 to vector<16xi32>
        %or3A_610 = arith.ori %bitcast_convert_type3A, %or3A_609 : vector<16xi32>
        %select_n3A_611 = arith.select %eq3A_607, %not3A_608, %or3A_610 : vector<16xi1>, vector<16xi32>
        %mul3A_612 = arith.constant 16 : i32
        %mul3A_613 = arith.muli %while3A_598, %mul3A_612 : i32
        %add3A_614 = vector.broadcast %mul3A_613 : i32 to vector<16xi32>
        %add3A_615 = arith.addi %add3A_614, %iota3A : vector<16xi32>
        %shift_right_logical3A_616 = arith.constant 24 : i32
        %shift_right_logical3A_617 = vector.broadcast %shift_right_logical3A_616 : i32 to vector<16xi32>
        %shift_right_logical3A_618 = arith.shrui %select_n3A_611, %shift_right_logical3A_617 : vector<16xi32>
        %and3A_619 = arith.constant 255 : i32
        %and3A_620 = vector.broadcast %and3A_619 : i32 to vector<16xi32>
        %and3A_621 = arith.andi %shift_right_logical3A_618, %and3A_620 : vector<16xi32>
        %mul3A_622 = arith.constant 16 : i32
        %mul3A_623 = vector.broadcast %mul3A_622 : i32 to vector<16xi32>
        %mul3A_624 = arith.muli %and3A_621, %mul3A_623 : vector<16xi32>
        %add3A_625 = arith.addi %mul3A_624, %iota3A : vector<16xi32>
        tpu.vector_store_idx %arg12[%add3A_625], %broadcast_in_dim3A_3 {add = true} : memref<4096xi32, #tpu.memory_space<vmem>>[vector<16xi32>], vector<16xi32>,
        %while3A_626 = arith.constant 0 : i32
        scf.yield %while3A_626 : i32
      }
      %while3A_47 = arith.constant 1 : i32
      %while3A_48 = scf.for %while3A_598 = %while3A_44 to %while3A_40 step %while3A_47 iter_args(%while3A_599 = %while3A_46) -> (i32)  : i32 {
        %mul3A_600 = arith.constant 16 : i32
        %mul3A_601 = arith.muli %while3A_598, %mul3A_600 : i32
        %get3A_602 = arith.index_cast %mul3A_601 : i32 to index
        %get3A_603 = tpu.vector_load %arg7[%get3A_602] {strides = array<i32>} : memref<8400xf32, #tpu.memory_space<vmem>>, vector<16xf32>,
        %bitcast_convert_type3A = tpu.bitcast %get3A_603 : vector<16xf32> -> vector<16xi32>
        %shift_right_logical3A = arith.constant 31 : i32
        %shift_right_logical3A_604 = vector.broadcast %shift_right_logical3A : i32 to vector<16xi32>
        %shift_right_logical3A_605 = arith.shrui %bitcast_convert_type3A, %shift_right_logical3A_604 : vector<16xi32>
        %eq3A = arith.constant 1 : i32
        %eq3A_606 = vector.broadcast %eq3A : i32 to vector<16xi32>
        %eq3A_607 = arith.cmpi eq, %shift_right_logical3A_605, %eq3A_606 : vector<16xi32>
        %not3A = arith.constant dense<-1> : vector<16xi32>
        %not3A_608 = arith.xori %bitcast_convert_type3A, %not3A : vector<16xi32>
        %or3A = arith.constant -2147483648 : i32
        %or3A_609 = vector.broadcast %or3A : i32 to vector<16xi32>
        %or3A_610 = arith.ori %bitcast_convert_type3A, %or3A_609 : vector<16xi32>
        %select_n3A_611 = arith.select %eq3A_607, %not3A_608, %or3A_610 : vector<16xi1>, vector<16xi32>
        %mul3A_612 = arith.constant 16 : i32
        %mul3A_613 = arith.muli %while3A_598, %mul3A_612 : i32
        %add3A_614 = vector.broadcast %mul3A_613 : i32 to vector<16xi32>
        %add3A_615 = arith.addi %add3A_614, %iota3A : vector<16xi32>
        %shift_right_logical3A_616 = arith.constant 24 : i32
        %shift_right_logical3A_617 = vector.broadcast %shift_right_logical3A_616 : i32 to vector<16xi32>
        %shift_right_logical3A_618 = arith.shrui %select_n3A_611, %shift_right_logical3A_617 : vector<16xi32>
        %and3A_619 = arith.constant 255 : i32
        %and3A_620 = vector.broadcast %and3A_619 : i32 to vector<16xi32>
        %and3A_621 = arith.andi %shift_right_logical3A_618, %and3A_620 : vector<16xi32>
        %mul3A_622 = arith.constant 16 : i32
        %mul3A_623 = vector.broadcast %mul3A_622 : i32 to vector<16xi32>
        %mul3A_624 = arith.muli %and3A_621, %mul3A_623 : vector<16xi32>
        %add3A_625 = arith.addi %mul3A_624, %iota3A : vector<16xi32>
        tpu.vector_store_idx %arg12[%add3A_625], %broadcast_in_dim3A_3 {add = true} : memref<4096xi32, #tpu.memory_space<vmem>>[vector<16xi32>], vector<16xi32>,
        %while3A_626 = arith.constant 0 : i32
        scf.yield %while3A_626 : i32
      }
      %scan3A_49 = arith.constant 300 : i32
      %scan3A_50 = arith.constant 0 : i32
      %scan3A_51 = arith.constant 0 : i32
      %scan3A_52 = arith.constant 0 : i32
      %scan3A_53 = arith.constant 0 : i32
      %scan3A_54 = arith.constant 0 : i32
      %scan3A_55 = arith.constant 256 : i32
      %scan3A_56 = arith.addi %scan3A_54, %scan3A_55 : i32
      %scan3A_57 = arith.constant 1 : i32
      %scan3A_58:4 = scf.for %scan3A_598 = %scan3A_54 to %scan3A_56 step %scan3A_57 iter_args(%scan3A_599 = %scan3A_50, %scan3A_600 = %scan3A_51, %scan3A_601 = %scan3A_52, %scan3A_602 = %scan3A_53) -> (i32, i32, i32, i32)  : i32 {
        %sub3A_603 = arith.constant 255 : i32
        %sub3A_604 = arith.subi %sub3A_603, %scan3A_598 : i32
        %mul3A_605 = arith.constant 16 : i32
        %mul3A_606 = arith.muli %sub3A_604, %mul3A_605 : i32
        %get3A_607 = arith.index_cast %mul3A_606 : i32 to index
        %get3A_608 = tpu.vector_load %arg12[%get3A_607] {strides = array<i32>} : memref<4096xi32, #tpu.memory_space<vmem>>, vector<16xi32>,
        %reduce_sum3A = arith.constant true
        %reduce_sum3A_609 = vector.broadcast %reduce_sum3A : i1 to vector<16xi1>
        %reduce_sum3A_610 = tpu.scan <sum>, %get3A_608 masked %reduce_sum3A_609 : vector<16xi32>, vector<16xi1> -> vector<16xi32>
        %reduce_sum3A_611 = vector.extract %reduce_sum3A_610[15] : i32 from vector<16xi32>
        %add3A_612 = arith.addi %scan3A_599, %reduce_sum3A_611 : i32
        %eq3A = arith.constant 0 : i32
        %eq3A_613 = arith.cmpi eq, %scan3A_602, %eq3A : i32
        %ge3A_614 = arith.cmpi sge, %add3A_612, %scan3A_49 : i32
        %and3A_615 = arith.andi %eq3A_613, %ge3A_614 : i1
        %select_n3A_616 = arith.select %and3A_615, %sub3A_604, %scan3A_600 : i32
        %select_n3A_617 = arith.select %and3A_615, %scan3A_599, %scan3A_601 : i32
        %jit3A_618 = arith.constant 1 : i32
        %select_n3A_619 = arith.select %and3A_615, %jit3A_618, %scan3A_602 : i32
        scf.yield %add3A_612, %select_n3A_616, %select_n3A_617, %select_n3A_619 : i32, i32, i32, i32
      }
      %scan3A_59 = arith.constant 256 : i32
      %sub3A_60 = arith.constant 300 : i32
      %sub3A_61 = arith.subi %sub3A_60, %scan3A_58#2 : i32
      %while3A_62 = arith.constant 0 : i32
      %while3A_63 = arith.constant 0 : i32
      %while3A_64 = arith.constant 0 : i32
      %while3A_65 = arith.constant 0 : i32
      %while3A_66 = arith.subi %select_n3A, %while3A_63 : i32
      %while3A_67 = arith.addi %while3A_63, %while3A_66 : i32
      %while3A_68 = arith.constant 1 : i32
      %while3A_69 = arith.divsi %while3A_66, %while3A_68 : i32
      %while3A_70 = arith.muli %while3A_69, %while3A_68 : i32
      %while3A_71 = arith.addi %while3A_63, %while3A_70 : i32
      %while3A_72 = arith.constant 1 : i32
      %while3A_73:2 = scf.for %while3A_598 = %while3A_63 to %while3A_71 step %while3A_72 iter_args(%while3A_599 = %while3A_64, %while3A_600 = %while3A_65) -> (i32, i32)  : i32 {
        %mul3A_601 = arith.constant 16 : i32
        %mul3A_602 = arith.muli %while3A_598, %mul3A_601 : i32
        %get3A_603 = arith.index_cast %mul3A_602 : i32 to index
        %get3A_604 = tpu.vector_load %arg7[%get3A_603] {strides = array<i32>} : memref<8400xf32, #tpu.memory_space<vmem>>, vector<16xf32>,
        %bitcast_convert_type3A = tpu.bitcast %get3A_604 : vector<16xf32> -> vector<16xi32>
        %shift_right_logical3A = arith.constant 31 : i32
        %shift_right_logical3A_605 = vector.broadcast %shift_right_logical3A : i32 to vector<16xi32>
        %shift_right_logical3A_606 = arith.shrui %bitcast_convert_type3A, %shift_right_logical3A_605 : vector<16xi32>
        %eq3A = arith.constant 1 : i32
        %eq3A_607 = vector.broadcast %eq3A : i32 to vector<16xi32>
        %eq3A_608 = arith.cmpi eq, %shift_right_logical3A_606, %eq3A_607 : vector<16xi32>
        %not3A = arith.constant dense<-1> : vector<16xi32>
        %not3A_609 = arith.xori %bitcast_convert_type3A, %not3A : vector<16xi32>
        %or3A = arith.constant -2147483648 : i32
        %or3A_610 = vector.broadcast %or3A : i32 to vector<16xi32>
        %or3A_611 = arith.ori %bitcast_convert_type3A, %or3A_610 : vector<16xi32>
        %select_n3A_612 = arith.select %eq3A_608, %not3A_609, %or3A_611 : vector<16xi1>, vector<16xi32>
        %mul3A_613 = arith.constant 16 : i32
        %mul3A_614 = arith.muli %while3A_598, %mul3A_613 : i32
        %add3A_615 = vector.broadcast %mul3A_614 : i32 to vector<16xi32>
        %add3A_616 = arith.addi %add3A_615, %iota3A : vector<16xi32>
        %shift_right_logical3A_617 = arith.constant 24 : i32
        %shift_right_logical3A_618 = vector.broadcast %shift_right_logical3A_617 : i32 to vector<16xi32>
        %shift_right_logical3A_619 = arith.shrui %select_n3A_612, %shift_right_logical3A_618 : vector<16xi32>
        %and3A_620 = arith.constant 255 : i32
        %and3A_621 = vector.broadcast %and3A_620 : i32 to vector<16xi32>
        %and3A_622 = arith.andi %shift_right_logical3A_619, %and3A_621 : vector<16xi32>
        %gt3A = vector.broadcast %scan3A_58#1 : i32 to vector<16xi32>
        %gt3A_623 = arith.cmpi sgt, %and3A_622, %gt3A : vector<16xi32>
        %eq3A_624 = vector.broadcast %scan3A_58#1 : i32 to vector<16xi32>
        %eq3A_625 = arith.cmpi eq, %and3A_622, %eq3A_624 : vector<16xi32>
        %convert_element_type3A_626 = arith.extui %gt3A_623 : vector<16xi1> to vector<16xi32>
        %broadcast_in_dim3A_627 = arith.constant true
        %broadcast_in_dim3A_628 = vector.broadcast %broadcast_in_dim3A_627 : i1 to vector<16xi1>
        %masked_cumsum3A = tpu.scan <sum>, %convert_element_type3A_626 masked %broadcast_in_dim3A_628 : vector<16xi32>, vector<16xi1> -> vector<16xi32>
        %convert_element_type3A_629 = arith.extui %eq3A_625 : vector<16xi1> to vector<16xi32>
        %broadcast_in_dim3A_630 = arith.constant true
        %broadcast_in_dim3A_631 = vector.broadcast %broadcast_in_dim3A_630 : i1 to vector<16xi1>
        %masked_cumsum3A_632 = tpu.scan <sum>, %convert_element_type3A_629 masked %broadcast_in_dim3A_631 : vector<16xi32>, vector<16xi1> -> vector<16xi32>
        %add3A_633 = vector.broadcast %while3A_599 : i32 to vector<16xi32>
        %add3A_634 = arith.addi %add3A_633, %masked_cumsum3A : vector<16xi32>
        %sub3A_635 = arith.constant 1 : i32
        %sub3A_636 = vector.broadcast %sub3A_635 : i32 to vector<16xi32>
        %sub3A_637 = arith.subi %add3A_634, %sub3A_636 : vector<16xi32>
        %bitcast_convert_type3A_638 = tpu.bitcast %select_n3A_612 : vector<16xi32> -> vector<16xi32>
        tpu.vector_store_idx %arg13[%sub3A_637], %bitcast_convert_type3A_638 masked %gt3A_623 : memref<304xi32, #tpu.memory_space<vmem>>[vector<16xi32>], vector<16xi32>, vector<16xi1>
        %add3A_639 = vector.broadcast %while3A_599 : i32 to vector<16xi32>
        %add3A_640 = arith.addi %add3A_639, %masked_cumsum3A : vector<16xi32>
        %sub3A_641 = arith.constant 1 : i32
        %sub3A_642 = vector.broadcast %sub3A_641 : i32 to vector<16xi32>
        %sub3A_643 = arith.subi %add3A_640, %sub3A_642 : vector<16xi32>
        tpu.vector_store_idx %arg14[%sub3A_643], %add3A_616 masked %gt3A_623 : memref<304xi32, #tpu.memory_space<vmem>>[vector<16xi32>], vector<16xi32>, vector<16xi1>
        %add3A_644 = vector.broadcast %while3A_600 : i32 to vector<16xi32>
        %add3A_645 = arith.addi %add3A_644, %masked_cumsum3A_632 : vector<16xi32>
        %sub3A_646 = arith.constant 1 : i32
        %sub3A_647 = vector.broadcast %sub3A_646 : i32 to vector<16xi32>
        %sub3A_648 = arith.subi %add3A_645, %sub3A_647 : vector<16xi32>
        %bitcast_convert_type3A_649 = tpu.bitcast %select_n3A_612 : vector<16xi32> -> vector<16xi32>
        tpu.vector_store_idx %arg8[%sub3A_648], %bitcast_convert_type3A_649 masked %eq3A_625 : memref<8400xi32, #tpu.memory_space<vmem>>[vector<16xi32>], vector<16xi32>, vector<16xi1>
        %add3A_650 = vector.broadcast %while3A_600 : i32 to vector<16xi32>
        %add3A_651 = arith.addi %add3A_650, %masked_cumsum3A_632 : vector<16xi32>
        %sub3A_652 = arith.constant 1 : i32
        %sub3A_653 = vector.broadcast %sub3A_652 : i32 to vector<16xi32>
        %sub3A_654 = arith.subi %add3A_651, %sub3A_653 : vector<16xi32>
        tpu.vector_store_idx %arg9[%sub3A_654], %add3A_616 masked %eq3A_625 : memref<8400xi32, #tpu.memory_space<vmem>>[vector<16xi32>], vector<16xi32>, vector<16xi1>
        %convert_element_type3A_655 = arith.extui %gt3A_623 : vector<16xi1> to vector<16xi32>
        %reduce_sum3A = arith.constant true
        %reduce_sum3A_656 = vector.broadcast %reduce_sum3A : i1 to vector<16xi1>
        %reduce_sum3A_657 = tpu.scan <sum>, %convert_element_type3A_655 masked %reduce_sum3A_656 : vector<16xi32>, vector<16xi1> -> vector<16xi32>
        %reduce_sum3A_658 = vector.extract %reduce_sum3A_657[15] : i32 from vector<16xi32>
        %add3A_659 = arith.addi %while3A_599, %reduce_sum3A_658 : i32
        %convert_element_type3A_660 = arith.extui %eq3A_625 : vector<16xi1> to vector<16xi32>
        %reduce_sum3A_661 = arith.constant true
        %reduce_sum3A_662 = vector.broadcast %reduce_sum3A_661 : i1 to vector<16xi1>
        %reduce_sum3A_663 = tpu.scan <sum>, %convert_element_type3A_660 masked %reduce_sum3A_662 : vector<16xi32>, vector<16xi1> -> vector<16xi32>
        %reduce_sum3A_664 = vector.extract %reduce_sum3A_663[15] : i32 from vector<16xi32>
        %add3A_665 = arith.addi %while3A_600, %reduce_sum3A_664 : i32
        scf.yield %add3A_659, %add3A_665 : i32, i32
      }
      %while3A_74 = arith.constant 1 : i32
      %while3A_75:2 = scf.for %while3A_598 = %while3A_71 to %while3A_67 step %while3A_74 iter_args(%while3A_599 = %while3A_73#0, %while3A_600 = %while3A_73#1) -> (i32, i32)  : i32 {
        %mul3A_601 = arith.constant 16 : i32
        %mul3A_602 = arith.muli %while3A_598, %mul3A_601 : i32
        %get3A_603 = arith.index_cast %mul3A_602 : i32 to index
        %get3A_604 = tpu.vector_load %arg7[%get3A_603] {strides = array<i32>} : memref<8400xf32, #tpu.memory_space<vmem>>, vector<16xf32>,
        %bitcast_convert_type3A = tpu.bitcast %get3A_604 : vector<16xf32> -> vector<16xi32>
        %shift_right_logical3A = arith.constant 31 : i32
        %shift_right_logical3A_605 = vector.broadcast %shift_right_logical3A : i32 to vector<16xi32>
        %shift_right_logical3A_606 = arith.shrui %bitcast_convert_type3A, %shift_right_logical3A_605 : vector<16xi32>
        %eq3A = arith.constant 1 : i32
        %eq3A_607 = vector.broadcast %eq3A : i32 to vector<16xi32>
        %eq3A_608 = arith.cmpi eq, %shift_right_logical3A_606, %eq3A_607 : vector<16xi32>
        %not3A = arith.constant dense<-1> : vector<16xi32>
        %not3A_609 = arith.xori %bitcast_convert_type3A, %not3A : vector<16xi32>
        %or3A = arith.constant -2147483648 : i32
        %or3A_610 = vector.broadcast %or3A : i32 to vector<16xi32>
        %or3A_611 = arith.ori %bitcast_convert_type3A, %or3A_610 : vector<16xi32>
        %select_n3A_612 = arith.select %eq3A_608, %not3A_609, %or3A_611 : vector<16xi1>, vector<16xi32>
        %mul3A_613 = arith.constant 16 : i32
        %mul3A_614 = arith.muli %while3A_598, %mul3A_613 : i32
        %add3A_615 = vector.broadcast %mul3A_614 : i32 to vector<16xi32>
        %add3A_616 = arith.addi %add3A_615, %iota3A : vector<16xi32>
        %shift_right_logical3A_617 = arith.constant 24 : i32
        %shift_right_logical3A_618 = vector.broadcast %shift_right_logical3A_617 : i32 to vector<16xi32>
        %shift_right_logical3A_619 = arith.shrui %select_n3A_612, %shift_right_logical3A_618 : vector<16xi32>
        %and3A_620 = arith.constant 255 : i32
        %and3A_621 = vector.broadcast %and3A_620 : i32 to vector<16xi32>
        %and3A_622 = arith.andi %shift_right_logical3A_619, %and3A_621 : vector<16xi32>
        %gt3A = vector.broadcast %scan3A_58#1 : i32 to vector<16xi32>
        %gt3A_623 = arith.cmpi sgt, %and3A_622, %gt3A : vector<16xi32>
        %eq3A_624 = vector.broadcast %scan3A_58#1 : i32 to vector<16xi32>
        %eq3A_625 = arith.cmpi eq, %and3A_622, %eq3A_624 : vector<16xi32>
        %convert_element_type3A_626 = arith.extui %gt3A_623 : vector<16xi1> to vector<16xi32>
        %broadcast_in_dim3A_627 = arith.constant true
        %broadcast_in_dim3A_628 = vector.broadcast %broadcast_in_dim3A_627 : i1 to vector<16xi1>
        %masked_cumsum3A = tpu.scan <sum>, %convert_element_type3A_626 masked %broadcast_in_dim3A_628 : vector<16xi32>, vector<16xi1> -> vector<16xi32>
        %convert_element_type3A_629 = arith.extui %eq3A_625 : vector<16xi1> to vector<16xi32>
        %broadcast_in_dim3A_630 = arith.constant true
        %broadcast_in_dim3A_631 = vector.broadcast %broadcast_in_dim3A_630 : i1 to vector<16xi1>
        %masked_cumsum3A_632 = tpu.scan <sum>, %convert_element_type3A_629 masked %broadcast_in_dim3A_631 : vector<16xi32>, vector<16xi1> -> vector<16xi32>
        %add3A_633 = vector.broadcast %while3A_599 : i32 to vector<16xi32>
        %add3A_634 = arith.addi %add3A_633, %masked_cumsum3A : vector<16xi32>
        %sub3A_635 = arith.constant 1 : i32
        %sub3A_636 = vector.broadcast %sub3A_635 : i32 to vector<16xi32>
        %sub3A_637 = arith.subi %add3A_634, %sub3A_636 : vector<16xi32>
        %bitcast_convert_type3A_638 = tpu.bitcast %select_n3A_612 : vector<16xi32> -> vector<16xi32>
        tpu.vector_store_idx %arg13[%sub3A_637], %bitcast_convert_type3A_638 masked %gt3A_623 : memref<304xi32, #tpu.memory_space<vmem>>[vector<16xi32>], vector<16xi32>, vector<16xi1>
        %add3A_639 = vector.broadcast %while3A_599 : i32 to vector<16xi32>
        %add3A_640 = arith.addi %add3A_639, %masked_cumsum3A : vector<16xi32>
        %sub3A_641 = arith.constant 1 : i32
        %sub3A_642 = vector.broadcast %sub3A_641 : i32 to vector<16xi32>
        %sub3A_643 = arith.subi %add3A_640, %sub3A_642 : vector<16xi32>
        tpu.vector_store_idx %arg14[%sub3A_643], %add3A_616 masked %gt3A_623 : memref<304xi32, #tpu.memory_space<vmem>>[vector<16xi32>], vector<16xi32>, vector<16xi1>
        %add3A_644 = vector.broadcast %while3A_600 : i32 to vector<16xi32>
        %add3A_645 = arith.addi %add3A_644, %masked_cumsum3A_632 : vector<16xi32>
        %sub3A_646 = arith.constant 1 : i32
        %sub3A_647 = vector.broadcast %sub3A_646 : i32 to vector<16xi32>
        %sub3A_648 = arith.subi %add3A_645, %sub3A_647 : vector<16xi32>
        %bitcast_convert_type3A_649 = tpu.bitcast %select_n3A_612 : vector<16xi32> -> vector<16xi32>
        tpu.vector_store_idx %arg8[%sub3A_648], %bitcast_convert_type3A_649 masked %eq3A_625 : memref<8400xi32, #tpu.memory_space<vmem>>[vector<16xi32>], vector<16xi32>, vector<16xi1>
        %add3A_650 = vector.broadcast %while3A_600 : i32 to vector<16xi32>
        %add3A_651 = arith.addi %add3A_650, %masked_cumsum3A_632 : vector<16xi32>
        %sub3A_652 = arith.constant 1 : i32
        %sub3A_653 = vector.broadcast %sub3A_652 : i32 to vector<16xi32>
        %sub3A_654 = arith.subi %add3A_651, %sub3A_653 : vector<16xi32>
        tpu.vector_store_idx %arg9[%sub3A_654], %add3A_616 masked %eq3A_625 : memref<8400xi32, #tpu.memory_space<vmem>>[vector<16xi32>], vector<16xi32>, vector<16xi1>
        %convert_element_type3A_655 = arith.extui %gt3A_623 : vector<16xi1> to vector<16xi32>
        %reduce_sum3A = arith.constant true
        %reduce_sum3A_656 = vector.broadcast %reduce_sum3A : i1 to vector<16xi1>
        %reduce_sum3A_657 = tpu.scan <sum>, %convert_element_type3A_655 masked %reduce_sum3A_656 : vector<16xi32>, vector<16xi1> -> vector<16xi32>
        %reduce_sum3A_658 = vector.extract %reduce_sum3A_657[15] : i32 from vector<16xi32>
        %add3A_659 = arith.addi %while3A_599, %reduce_sum3A_658 : i32
        %convert_element_type3A_660 = arith.extui %eq3A_625 : vector<16xi1> to vector<16xi32>
        %reduce_sum3A_661 = arith.constant true
        %reduce_sum3A_662 = vector.broadcast %reduce_sum3A_661 : i1 to vector<16xi1>
        %reduce_sum3A_663 = tpu.scan <sum>, %convert_element_type3A_660 masked %reduce_sum3A_662 : vector<16xi32>, vector<16xi1> -> vector<16xi32>
        %reduce_sum3A_664 = vector.extract %reduce_sum3A_663[15] : i32 from vector<16xi32>
        %add3A_665 = arith.addi %while3A_600, %reduce_sum3A_664 : i32
        scf.yield %add3A_659, %add3A_665 : i32, i32
      }
      %add3A_76 = arith.constant 15 : i32
      %add3A_77 = arith.addi %while3A_75#1, %add3A_76 : i32
      %jit3A_78 = arith.constant 16 : i32
      %div3A_79 = arith.divsi %add3A_77, %jit3A_78 : i32
      %sign3A_80 = arith.constant 0 : i32
      %sign3A_81 = arith.cmpi sgt, %add3A_77, %sign3A_80 : i32
      %sign3A_82 = arith.extui %sign3A_81 : i1 to i32
      %sign3A_83 = arith.constant 0 : i32
      %sign3A_84 = arith.cmpi slt, %add3A_77, %sign3A_83 : i32
      %sign3A_85 = arith.extui %sign3A_84 : i1 to i32
      %sign3A_86 = arith.subi %sign3A_82, %sign3A_85 : i32
      %sign3A_87 = arith.constant 0 : i32
      %sign3A_88 = arith.cmpi sgt, %jit3A_78, %sign3A_87 : i32
      %sign3A_89 = arith.extui %sign3A_88 : i1 to i32
      %sign3A_90 = arith.constant 0 : i32
      %sign3A_91 = arith.cmpi slt, %jit3A_78, %sign3A_90 : i32
      %sign3A_92 = arith.extui %sign3A_91 : i1 to i32
      %sign3A_93 = arith.subi %sign3A_89, %sign3A_92 : i32
      %ne3A_94 = arith.cmpi ne, %sign3A_86, %sign3A_93 : i32
      %rem3A_95 = arith.remsi %add3A_77, %jit3A_78 : i32
      %ne3A_96 = arith.constant 0 : i32
      %ne3A_97 = arith.cmpi ne, %rem3A_95, %ne3A_96 : i32
      %and3A_98 = arith.andi %ne3A_94, %ne3A_97 : i1
      %sub3A_99 = arith.constant 1 : i32
      %sub3A_100 = arith.subi %div3A_79, %sub3A_99 : i32
      %select_n3A_101 = arith.select %and3A_98, %sub3A_100, %div3A_79 : i32
      %mul3A_102 = arith.constant 16 : i32
      %mul3A_103 = arith.muli %select_n3A_101, %mul3A_102 : i32
      %sub3A_104 = arith.constant 16 : i32
      %sub3A_105 = arith.subi %mul3A_103, %sub3A_104 : i32
      %multiple_of3A = tpu.assume_multiple %sub3A_105, 16 : i32
      %add3A_106 = vector.broadcast %multiple_of3A : i32 to vector<16xi32>
      %add3A_107 = arith.addi %add3A_106, %iota3A : vector<16xi32>
      %ge3A = vector.broadcast %while3A_75#1 : i32 to vector<16xi32>
      %ge3A_108 = arith.cmpi sge, %add3A_107, %ge3A : vector<16xi32>
      %get3A = arith.index_cast %multiple_of3A : i32 to index
      %get3A_109 = tpu.vector_load %arg8[%get3A] {strides = array<i32>} : memref<8400xi32, #tpu.memory_space<vmem>>, vector<16xi32>,
      %jit3A_110 = arith.constant 0 : i32
      %broadcast_in_dim3A_111 = vector.broadcast %jit3A_110 : i32 to vector<16xi32>
      %select_n3A_112 = arith.select %ge3A_108, %broadcast_in_dim3A_111, %get3A_109 : vector<16xi1>, vector<16xi32>
      %swap3A = arith.index_cast %multiple_of3A : i32 to index
      %swap3A_113 = tpu.vector_load %arg8[%swap3A] {strides = array<i32>} : memref<8400xi32, #tpu.memory_space<vmem>>, vector<16xi32>,
      tpu.vector_store %arg8[%swap3A], %select_n3A_112 {strides = array<i32>} : memref<8400xi32, #tpu.memory_space<vmem>>, vector<16xi32>,
      %add3A_114 = arith.constant 1073741824 : i32
      %add3A_115 = arith.addi %add3A_114, %multiple_of3A : i32
      %add3A_116 = vector.broadcast %add3A_115 : i32 to vector<16xi32>
      %add3A_117 = arith.addi %add3A_116, %iota3A : vector<16xi32>
      %get3A_118 = arith.index_cast %multiple_of3A : i32 to index
      %get3A_119 = tpu.vector_load %arg9[%get3A_118] {strides = array<i32>} : memref<8400xi32, #tpu.memory_space<vmem>>, vector<16xi32>,
      %select_n3A_120 = arith.select %ge3A_108, %add3A_117, %get3A_119 : vector<16xi1>, vector<16xi32>
      %swap3A_121 = arith.index_cast %multiple_of3A : i32 to index
      %swap3A_122 = tpu.vector_load %arg9[%swap3A_121] {strides = array<i32>} : memref<8400xi32, #tpu.memory_space<vmem>>, vector<16xi32>,
      tpu.vector_store %arg9[%swap3A_121], %select_n3A_120 {strides = array<i32>} : memref<8400xi32, #tpu.memory_space<vmem>>, vector<16xi32>,
      %scan3A_123 = arith.constant 0 : i32
      %scan3A_124 = arith.constant 0 : i32
      %scan3A_125 = arith.constant 256 : i32
      %scan3A_126 = arith.addi %scan3A_124, %scan3A_125 : i32
      %scan3A_127 = arith.constant 1 : i32
      %scan3A_128 = scf.for %scan3A_598 = %scan3A_124 to %scan3A_126 step %scan3A_127 iter_args(%scan3A_599 = %scan3A_123) -> (i32)  : i32 {
        %mul3A_600 = arith.constant 16 : i32
        %mul3A_601 = arith.muli %scan3A_598, %mul3A_600 : i32
        %swap3A_602 = arith.index_cast %mul3A_601 : i32 to index
        %swap3A_603 = tpu.vector_load %arg12[%swap3A_602] {strides = array<i32>} : memref<4096xi32, #tpu.memory_space<vmem>>, vector<16xi32>,
        tpu.vector_store %arg12[%swap3A_602], %broadcast_in_dim3A_5 {strides = array<i32>} : memref<4096xi32, #tpu.memory_space<vmem>>, vector<16xi32>,
        %scan3A_604 = arith.constant 0 : i32
        scf.yield %scan3A_604 : i32
      }
      %scan3A_129 = arith.constant 256 : i32
      %while3A_130 = arith.constant 0 : i32
      %while3A_131 = arith.constant 0 : i32
      %while3A_132 = arith.subi %select_n3A_101, %while3A_130 : i32
      %while3A_133 = arith.addi %while3A_130, %while3A_132 : i32
      %while3A_134 = arith.constant 1 : i32
      %while3A_135 = arith.divsi %while3A_132, %while3A_134 : i32
      %while3A_136 = arith.muli %while3A_135, %while3A_134 : i32
      %while3A_137 = arith.addi %while3A_130, %while3A_136 : i32
      %while3A_138 = arith.constant 1 : i32
      %while3A_139 = scf.for %while3A_598 = %while3A_130 to %while3A_137 step %while3A_138 iter_args(%while3A_599 = %while3A_131) -> (i32)  : i32 {
        %mul3A_600 = arith.constant 16 : i32
        %mul3A_601 = arith.muli %while3A_598, %mul3A_600 : i32
        %get3A_602 = arith.index_cast %mul3A_601 : i32 to index
        %get3A_603 = tpu.vector_load %arg8[%get3A_602] {strides = array<i32>} : memref<8400xi32, #tpu.memory_space<vmem>>, vector<16xi32>,
        %bitcast_convert_type3A = tpu.bitcast %get3A_603 : vector<16xi32> -> vector<16xi32>
        %mul3A_604 = arith.constant 16 : i32
        %mul3A_605 = arith.muli %while3A_598, %mul3A_604 : i32
        %get3A_606 = arith.index_cast %mul3A_605 : i32 to index
        %get3A_607 = tpu.vector_load %arg9[%get3A_606] {strides = array<i32>} : memref<8400xi32, #tpu.memory_space<vmem>>, vector<16xi32>,
        %shift_right_logical3A = arith.constant 16 : i32
        %shift_right_logical3A_608 = vector.broadcast %shift_right_logical3A : i32 to vector<16xi32>
        %shift_right_logical3A_609 = arith.shrui %bitcast_convert_type3A, %shift_right_logical3A_608 : vector<16xi32>
        %and3A_610 = arith.constant 255 : i32
        %and3A_611 = vector.broadcast %and3A_610 : i32 to vector<16xi32>
        %and3A_612 = arith.andi %shift_right_logical3A_609, %and3A_611 : vector<16xi32>
        %mul3A_613 = arith.constant 16 : i32
        %mul3A_614 = vector.broadcast %mul3A_613 : i32 to vector<16xi32>
        %mul3A_615 = arith.muli %and3A_612, %mul3A_614 : vector<16xi32>
        %add3A_616 = arith.addi %mul3A_615, %iota3A : vector<16xi32>
        tpu.vector_store_idx %arg12[%add3A_616], %broadcast_in_dim3A_3 {add = true} : memref<4096xi32, #tpu.memory_space<vmem>>[vector<16xi32>], vector<16xi32>,
        %while3A_617 = arith.constant 0 : i32
        scf.yield %while3A_617 : i32
      }
      %while3A_140 = arith.constant 1 : i32
      %while3A_141 = scf.for %while3A_598 = %while3A_137 to %while3A_133 step %while3A_140 iter_args(%while3A_599 = %while3A_139) -> (i32)  : i32 {
        %mul3A_600 = arith.constant 16 : i32
        %mul3A_601 = arith.muli %while3A_598, %mul3A_600 : i32
        %get3A_602 = arith.index_cast %mul3A_601 : i32 to index
        %get3A_603 = tpu.vector_load %arg8[%get3A_602] {strides = array<i32>} : memref<8400xi32, #tpu.memory_space<vmem>>, vector<16xi32>,
        %bitcast_convert_type3A = tpu.bitcast %get3A_603 : vector<16xi32> -> vector<16xi32>
        %mul3A_604 = arith.constant 16 : i32
        %mul3A_605 = arith.muli %while3A_598, %mul3A_604 : i32
        %get3A_606 = arith.index_cast %mul3A_605 : i32 to index
        %get3A_607 = tpu.vector_load %arg9[%get3A_606] {strides = array<i32>} : memref<8400xi32, #tpu.memory_space<vmem>>, vector<16xi32>,
        %shift_right_logical3A = arith.constant 16 : i32
        %shift_right_logical3A_608 = vector.broadcast %shift_right_logical3A : i32 to vector<16xi32>
        %shift_right_logical3A_609 = arith.shrui %bitcast_convert_type3A, %shift_right_logical3A_608 : vector<16xi32>
        %and3A_610 = arith.constant 255 : i32
        %and3A_611 = vector.broadcast %and3A_610 : i32 to vector<16xi32>
        %and3A_612 = arith.andi %shift_right_logical3A_609, %and3A_611 : vector<16xi32>
        %mul3A_613 = arith.constant 16 : i32
        %mul3A_614 = vector.broadcast %mul3A_613 : i32 to vector<16xi32>
        %mul3A_615 = arith.muli %and3A_612, %mul3A_614 : vector<16xi32>
        %add3A_616 = arith.addi %mul3A_615, %iota3A : vector<16xi32>
        tpu.vector_store_idx %arg12[%add3A_616], %broadcast_in_dim3A_3 {add = true} : memref<4096xi32, #tpu.memory_space<vmem>>[vector<16xi32>], vector<16xi32>,
        %while3A_617 = arith.constant 0 : i32
        scf.yield %while3A_617 : i32
      }
      %scan3A_142 = arith.constant 0 : i32
      %scan3A_143 = arith.constant 0 : i32
      %scan3A_144 = arith.constant 0 : i32
      %scan3A_145 = arith.constant 0 : i32
      %scan3A_146 = arith.constant 0 : i32
      %scan3A_147 = arith.constant 256 : i32
      %scan3A_148 = arith.addi %scan3A_146, %scan3A_147 : i32
      %scan3A_149 = arith.constant 1 : i32
      %scan3A_150:4 = scf.for %scan3A_598 = %scan3A_146 to %scan3A_148 step %scan3A_149 iter_args(%scan3A_599 = %scan3A_142, %scan3A_600 = %scan3A_143, %scan3A_601 = %scan3A_144, %scan3A_602 = %scan3A_145) -> (i32, i32, i32, i32)  : i32 {
        %sub3A_603 = arith.constant 255 : i32
        %sub3A_604 = arith.subi %sub3A_603, %scan3A_598 : i32
        %mul3A_605 = arith.constant 16 : i32
        %mul3A_606 = arith.muli %sub3A_604, %mul3A_605 : i32
        %get3A_607 = arith.index_cast %mul3A_606 : i32 to index
        %get3A_608 = tpu.vector_load %arg12[%get3A_607] {strides = array<i32>} : memref<4096xi32, #tpu.memory_space<vmem>>, vector<16xi32>,
        %reduce_sum3A = arith.constant true
        %reduce_sum3A_609 = vector.broadcast %reduce_sum3A : i1 to vector<16xi1>
        %reduce_sum3A_610 = tpu.scan <sum>, %get3A_608 masked %reduce_sum3A_609 : vector<16xi32>, vector<16xi1> -> vector<16xi32>
        %reduce_sum3A_611 = vector.extract %reduce_sum3A_610[15] : i32 from vector<16xi32>
        %add3A_612 = arith.addi %scan3A_599, %reduce_sum3A_611 : i32
        %eq3A = arith.constant 0 : i32
        %eq3A_613 = arith.cmpi eq, %scan3A_602, %eq3A : i32
        %ge3A_614 = arith.cmpi sge, %add3A_612, %sub3A_61 : i32
        %and3A_615 = arith.andi %eq3A_613, %ge3A_614 : i1
        %select_n3A_616 = arith.select %and3A_615, %sub3A_604, %scan3A_600 : i32
        %select_n3A_617 = arith.select %and3A_615, %scan3A_599, %scan3A_601 : i32
        %jit3A_618 = arith.constant 1 : i32
        %select_n3A_619 = arith.select %and3A_615, %jit3A_618, %scan3A_602 : i32
        scf.yield %add3A_612, %select_n3A_616, %select_n3A_617, %select_n3A_619 : i32, i32, i32, i32
      }
      %scan3A_151 = arith.constant 256 : i32
      %sub3A_152 = arith.subi %sub3A_61, %scan3A_150#2 : i32
      %while3A_153 = arith.constant 0 : i32
      %while3A_154 = arith.constant 0 : i32
      %while3A_155 = arith.constant 0 : i32
      %while3A_156 = arith.subi %select_n3A_101, %while3A_154 : i32
      %while3A_157 = arith.addi %while3A_154, %while3A_156 : i32
      %while3A_158 = arith.constant 1 : i32
      %while3A_159 = arith.divsi %while3A_156, %while3A_158 : i32
      %while3A_160 = arith.muli %while3A_159, %while3A_158 : i32
      %while3A_161 = arith.addi %while3A_154, %while3A_160 : i32
      %while3A_162 = arith.constant 1 : i32
      %while3A_163:2 = scf.for %while3A_598 = %while3A_154 to %while3A_161 step %while3A_162 iter_args(%while3A_599 = %while3A_75#0, %while3A_600 = %while3A_155) -> (i32, i32)  : i32 {
        %mul3A_601 = arith.constant 16 : i32
        %mul3A_602 = arith.muli %while3A_598, %mul3A_601 : i32
        %get3A_603 = arith.index_cast %mul3A_602 : i32 to index
        %get3A_604 = tpu.vector_load %arg8[%get3A_603] {strides = array<i32>} : memref<8400xi32, #tpu.memory_space<vmem>>, vector<16xi32>,
        %bitcast_convert_type3A = tpu.bitcast %get3A_604 : vector<16xi32> -> vector<16xi32>
        %mul3A_605 = arith.constant 16 : i32
        %mul3A_606 = arith.muli %while3A_598, %mul3A_605 : i32
        %get3A_607 = arith.index_cast %mul3A_606 : i32 to index
        %get3A_608 = tpu.vector_load %arg9[%get3A_607] {strides = array<i32>} : memref<8400xi32, #tpu.memory_space<vmem>>, vector<16xi32>,
        %shift_right_logical3A = arith.constant 16 : i32
        %shift_right_logical3A_609 = vector.broadcast %shift_right_logical3A : i32 to vector<16xi32>
        %shift_right_logical3A_610 = arith.shrui %bitcast_convert_type3A, %shift_right_logical3A_609 : vector<16xi32>
        %and3A_611 = arith.constant 255 : i32
        %and3A_612 = vector.broadcast %and3A_611 : i32 to vector<16xi32>
        %and3A_613 = arith.andi %shift_right_logical3A_610, %and3A_612 : vector<16xi32>
        %gt3A = vector.broadcast %scan3A_150#1 : i32 to vector<16xi32>
        %gt3A_614 = arith.cmpi sgt, %and3A_613, %gt3A : vector<16xi32>
        %eq3A = vector.broadcast %scan3A_150#1 : i32 to vector<16xi32>
        %eq3A_615 = arith.cmpi eq, %and3A_613, %eq3A : vector<16xi32>
        %convert_element_type3A_616 = arith.extui %gt3A_614 : vector<16xi1> to vector<16xi32>
        %broadcast_in_dim3A_617 = arith.constant true
        %broadcast_in_dim3A_618 = vector.broadcast %broadcast_in_dim3A_617 : i1 to vector<16xi1>
        %masked_cumsum3A = tpu.scan <sum>, %convert_element_type3A_616 masked %broadcast_in_dim3A_618 : vector<16xi32>, vector<16xi1> -> vector<16xi32>
        %convert_element_type3A_619 = arith.extui %eq3A_615 : vector<16xi1> to vector<16xi32>
        %broadcast_in_dim3A_620 = arith.constant true
        %broadcast_in_dim3A_621 = vector.broadcast %broadcast_in_dim3A_620 : i1 to vector<16xi1>
        %masked_cumsum3A_622 = tpu.scan <sum>, %convert_element_type3A_619 masked %broadcast_in_dim3A_621 : vector<16xi32>, vector<16xi1> -> vector<16xi32>
        %add3A_623 = vector.broadcast %while3A_599 : i32 to vector<16xi32>
        %add3A_624 = arith.addi %add3A_623, %masked_cumsum3A : vector<16xi32>
        %sub3A_625 = arith.constant 1 : i32
        %sub3A_626 = vector.broadcast %sub3A_625 : i32 to vector<16xi32>
        %sub3A_627 = arith.subi %add3A_624, %sub3A_626 : vector<16xi32>
        %bitcast_convert_type3A_628 = tpu.bitcast %bitcast_convert_type3A : vector<16xi32> -> vector<16xi32>
        tpu.vector_store_idx %arg13[%sub3A_627], %bitcast_convert_type3A_628 masked %gt3A_614 : memref<304xi32, #tpu.memory_space<vmem>>[vector<16xi32>], vector<16xi32>, vector<16xi1>
        %add3A_629 = vector.broadcast %while3A_599 : i32 to vector<16xi32>
        %add3A_630 = arith.addi %add3A_629, %masked_cumsum3A : vector<16xi32>
        %sub3A_631 = arith.constant 1 : i32
        %sub3A_632 = vector.broadcast %sub3A_631 : i32 to vector<16xi32>
        %sub3A_633 = arith.subi %add3A_630, %sub3A_632 : vector<16xi32>
        tpu.vector_store_idx %arg14[%sub3A_633], %get3A_608 masked %gt3A_614 : memref<304xi32, #tpu.memory_space<vmem>>[vector<16xi32>], vector<16xi32>, vector<16xi1>
        %add3A_634 = vector.broadcast %while3A_600 : i32 to vector<16xi32>
        %add3A_635 = arith.addi %add3A_634, %masked_cumsum3A_622 : vector<16xi32>
        %sub3A_636 = arith.constant 1 : i32
        %sub3A_637 = vector.broadcast %sub3A_636 : i32 to vector<16xi32>
        %sub3A_638 = arith.subi %add3A_635, %sub3A_637 : vector<16xi32>
        %bitcast_convert_type3A_639 = tpu.bitcast %bitcast_convert_type3A : vector<16xi32> -> vector<16xi32>
        tpu.vector_store_idx %arg10[%sub3A_638], %bitcast_convert_type3A_639 masked %eq3A_615 : memref<8400xi32, #tpu.memory_space<vmem>>[vector<16xi32>], vector<16xi32>, vector<16xi1>
        %add3A_640 = vector.broadcast %while3A_600 : i32 to vector<16xi32>
        %add3A_641 = arith.addi %add3A_640, %masked_cumsum3A_622 : vector<16xi32>
        %sub3A_642 = arith.constant 1 : i32
        %sub3A_643 = vector.broadcast %sub3A_642 : i32 to vector<16xi32>
        %sub3A_644 = arith.subi %add3A_641, %sub3A_643 : vector<16xi32>
        tpu.vector_store_idx %arg11[%sub3A_644], %get3A_608 masked %eq3A_615 : memref<8400xi32, #tpu.memory_space<vmem>>[vector<16xi32>], vector<16xi32>, vector<16xi1>
        %convert_element_type3A_645 = arith.extui %gt3A_614 : vector<16xi1> to vector<16xi32>
        %reduce_sum3A = arith.constant true
        %reduce_sum3A_646 = vector.broadcast %reduce_sum3A : i1 to vector<16xi1>
        %reduce_sum3A_647 = tpu.scan <sum>, %convert_element_type3A_645 masked %reduce_sum3A_646 : vector<16xi32>, vector<16xi1> -> vector<16xi32>
        %reduce_sum3A_648 = vector.extract %reduce_sum3A_647[15] : i32 from vector<16xi32>
        %add3A_649 = arith.addi %while3A_599, %reduce_sum3A_648 : i32
        %convert_element_type3A_650 = arith.extui %eq3A_615 : vector<16xi1> to vector<16xi32>
        %reduce_sum3A_651 = arith.constant true
        %reduce_sum3A_652 = vector.broadcast %reduce_sum3A_651 : i1 to vector<16xi1>
        %reduce_sum3A_653 = tpu.scan <sum>, %convert_element_type3A_650 masked %reduce_sum3A_652 : vector<16xi32>, vector<16xi1> -> vector<16xi32>
        %reduce_sum3A_654 = vector.extract %reduce_sum3A_653[15] : i32 from vector<16xi32>
        %add3A_655 = arith.addi %while3A_600, %reduce_sum3A_654 : i32
        scf.yield %add3A_649, %add3A_655 : i32, i32
      }
      %while3A_164 = arith.constant 1 : i32
      %while3A_165:2 = scf.for %while3A_598 = %while3A_161 to %while3A_157 step %while3A_164 iter_args(%while3A_599 = %while3A_163#0, %while3A_600 = %while3A_163#1) -> (i32, i32)  : i32 {
        %mul3A_601 = arith.constant 16 : i32
        %mul3A_602 = arith.muli %while3A_598, %mul3A_601 : i32
        %get3A_603 = arith.index_cast %mul3A_602 : i32 to index
        %get3A_604 = tpu.vector_load %arg8[%get3A_603] {strides = array<i32>} : memref<8400xi32, #tpu.memory_space<vmem>>, vector<16xi32>,
        %bitcast_convert_type3A = tpu.bitcast %get3A_604 : vector<16xi32> -> vector<16xi32>
        %mul3A_605 = arith.constant 16 : i32
        %mul3A_606 = arith.muli %while3A_598, %mul3A_605 : i32
        %get3A_607 = arith.index_cast %mul3A_606 : i32 to index
        %get3A_608 = tpu.vector_load %arg9[%get3A_607] {strides = array<i32>} : memref<8400xi32, #tpu.memory_space<vmem>>, vector<16xi32>,
        %shift_right_logical3A = arith.constant 16 : i32
        %shift_right_logical3A_609 = vector.broadcast %shift_right_logical3A : i32 to vector<16xi32>
        %shift_right_logical3A_610 = arith.shrui %bitcast_convert_type3A, %shift_right_logical3A_609 : vector<16xi32>
        %and3A_611 = arith.constant 255 : i32
        %and3A_612 = vector.broadcast %and3A_611 : i32 to vector<16xi32>
        %and3A_613 = arith.andi %shift_right_logical3A_610, %and3A_612 : vector<16xi32>
        %gt3A = vector.broadcast %scan3A_150#1 : i32 to vector<16xi32>
        %gt3A_614 = arith.cmpi sgt, %and3A_613, %gt3A : vector<16xi32>
        %eq3A = vector.broadcast %scan3A_150#1 : i32 to vector<16xi32>
        %eq3A_615 = arith.cmpi eq, %and3A_613, %eq3A : vector<16xi32>
        %convert_element_type3A_616 = arith.extui %gt3A_614 : vector<16xi1> to vector<16xi32>
        %broadcast_in_dim3A_617 = arith.constant true
        %broadcast_in_dim3A_618 = vector.broadcast %broadcast_in_dim3A_617 : i1 to vector<16xi1>
        %masked_cumsum3A = tpu.scan <sum>, %convert_element_type3A_616 masked %broadcast_in_dim3A_618 : vector<16xi32>, vector<16xi1> -> vector<16xi32>
        %convert_element_type3A_619 = arith.extui %eq3A_615 : vector<16xi1> to vector<16xi32>
        %broadcast_in_dim3A_620 = arith.constant true
        %broadcast_in_dim3A_621 = vector.broadcast %broadcast_in_dim3A_620 : i1 to vector<16xi1>
        %masked_cumsum3A_622 = tpu.scan <sum>, %convert_element_type3A_619 masked %broadcast_in_dim3A_621 : vector<16xi32>, vector<16xi1> -> vector<16xi32>
        %add3A_623 = vector.broadcast %while3A_599 : i32 to vector<16xi32>
        %add3A_624 = arith.addi %add3A_623, %masked_cumsum3A : vector<16xi32>
        %sub3A_625 = arith.constant 1 : i32
        %sub3A_626 = vector.broadcast %sub3A_625 : i32 to vector<16xi32>
        %sub3A_627 = arith.subi %add3A_624, %sub3A_626 : vector<16xi32>
        %bitcast_convert_type3A_628 = tpu.bitcast %bitcast_convert_type3A : vector<16xi32> -> vector<16xi32>
        tpu.vector_store_idx %arg13[%sub3A_627], %bitcast_convert_type3A_628 masked %gt3A_614 : memref<304xi32, #tpu.memory_space<vmem>>[vector<16xi32>], vector<16xi32>, vector<16xi1>
        %add3A_629 = vector.broadcast %while3A_599 : i32 to vector<16xi32>
        %add3A_630 = arith.addi %add3A_629, %masked_cumsum3A : vector<16xi32>
        %sub3A_631 = arith.constant 1 : i32
        %sub3A_632 = vector.broadcast %sub3A_631 : i32 to vector<16xi32>
        %sub3A_633 = arith.subi %add3A_630, %sub3A_632 : vector<16xi32>
        tpu.vector_store_idx %arg14[%sub3A_633], %get3A_608 masked %gt3A_614 : memref<304xi32, #tpu.memory_space<vmem>>[vector<16xi32>], vector<16xi32>, vector<16xi1>
        %add3A_634 = vector.broadcast %while3A_600 : i32 to vector<16xi32>
        %add3A_635 = arith.addi %add3A_634, %masked_cumsum3A_622 : vector<16xi32>
        %sub3A_636 = arith.constant 1 : i32
        %sub3A_637 = vector.broadcast %sub3A_636 : i32 to vector<16xi32>
        %sub3A_638 = arith.subi %add3A_635, %sub3A_637 : vector<16xi32>
        %bitcast_convert_type3A_639 = tpu.bitcast %bitcast_convert_type3A : vector<16xi32> -> vector<16xi32>
        tpu.vector_store_idx %arg10[%sub3A_638], %bitcast_convert_type3A_639 masked %eq3A_615 : memref<8400xi32, #tpu.memory_space<vmem>>[vector<16xi32>], vector<16xi32>, vector<16xi1>
        %add3A_640 = vector.broadcast %while3A_600 : i32 to vector<16xi32>
        %add3A_641 = arith.addi %add3A_640, %masked_cumsum3A_622 : vector<16xi32>
        %sub3A_642 = arith.constant 1 : i32
        %sub3A_643 = vector.broadcast %sub3A_642 : i32 to vector<16xi32>
        %sub3A_644 = arith.subi %add3A_641, %sub3A_643 : vector<16xi32>
        tpu.vector_store_idx %arg11[%sub3A_644], %get3A_608 masked %eq3A_615 : memref<8400xi32, #tpu.memory_space<vmem>>[vector<16xi32>], vector<16xi32>, vector<16xi1>
        %convert_element_type3A_645 = arith.extui %gt3A_614 : vector<16xi1> to vector<16xi32>
        %reduce_sum3A = arith.constant true
        %reduce_sum3A_646 = vector.broadcast %reduce_sum3A : i1 to vector<16xi1>
        %reduce_sum3A_647 = tpu.scan <sum>, %convert_element_type3A_645 masked %reduce_sum3A_646 : vector<16xi32>, vector<16xi1> -> vector<16xi32>
        %reduce_sum3A_648 = vector.extract %reduce_sum3A_647[15] : i32 from vector<16xi32>
        %add3A_649 = arith.addi %while3A_599, %reduce_sum3A_648 : i32
        %convert_element_type3A_650 = arith.extui %eq3A_615 : vector<16xi1> to vector<16xi32>
        %reduce_sum3A_651 = arith.constant true
        %reduce_sum3A_652 = vector.broadcast %reduce_sum3A_651 : i1 to vector<16xi1>
        %reduce_sum3A_653 = tpu.scan <sum>, %convert_element_type3A_650 masked %reduce_sum3A_652 : vector<16xi32>, vector<16xi1> -> vector<16xi32>
        %reduce_sum3A_654 = vector.extract %reduce_sum3A_653[15] : i32 from vector<16xi32>
        %add3A_655 = arith.addi %while3A_600, %reduce_sum3A_654 : i32
        scf.yield %add3A_649, %add3A_655 : i32, i32
      }
      %add3A_166 = arith.constant 15 : i32
      %add3A_167 = arith.addi %while3A_165#1, %add3A_166 : i32
      %jit3A_168 = arith.constant 16 : i32
      %div3A_169 = arith.divsi %add3A_167, %jit3A_168 : i32
      %sign3A_170 = arith.constant 0 : i32
      %sign3A_171 = arith.cmpi sgt, %add3A_167, %sign3A_170 : i32
      %sign3A_172 = arith.extui %sign3A_171 : i1 to i32
      %sign3A_173 = arith.constant 0 : i32
      %sign3A_174 = arith.cmpi slt, %add3A_167, %sign3A_173 : i32
      %sign3A_175 = arith.extui %sign3A_174 : i1 to i32
      %sign3A_176 = arith.subi %sign3A_172, %sign3A_175 : i32
      %sign3A_177 = arith.constant 0 : i32
      %sign3A_178 = arith.cmpi sgt, %jit3A_168, %sign3A_177 : i32
      %sign3A_179 = arith.extui %sign3A_178 : i1 to i32
      %sign3A_180 = arith.constant 0 : i32
      %sign3A_181 = arith.cmpi slt, %jit3A_168, %sign3A_180 : i32
      %sign3A_182 = arith.extui %sign3A_181 : i1 to i32
      %sign3A_183 = arith.subi %sign3A_179, %sign3A_182 : i32
      %ne3A_184 = arith.cmpi ne, %sign3A_176, %sign3A_183 : i32
      %rem3A_185 = arith.remsi %add3A_167, %jit3A_168 : i32
      %ne3A_186 = arith.constant 0 : i32
      %ne3A_187 = arith.cmpi ne, %rem3A_185, %ne3A_186 : i32
      %and3A_188 = arith.andi %ne3A_184, %ne3A_187 : i1
      %sub3A_189 = arith.constant 1 : i32
      %sub3A_190 = arith.subi %div3A_169, %sub3A_189 : i32
      %select_n3A_191 = arith.select %and3A_188, %sub3A_190, %div3A_169 : i32
      %mul3A_192 = arith.constant 16 : i32
      %mul3A_193 = arith.muli %select_n3A_191, %mul3A_192 : i32
      %sub3A_194 = arith.constant 16 : i32
      %sub3A_195 = arith.subi %mul3A_193, %sub3A_194 : i32
      %multiple_of3A_196 = tpu.assume_multiple %sub3A_195, 16 : i32
      %add3A_197 = vector.broadcast %multiple_of3A_196 : i32 to vector<16xi32>
      %add3A_198 = arith.addi %add3A_197, %iota3A : vector<16xi32>
      %ge3A_199 = vector.broadcast %while3A_165#1 : i32 to vector<16xi32>
      %ge3A_200 = arith.cmpi sge, %add3A_198, %ge3A_199 : vector<16xi32>
      %get3A_201 = arith.index_cast %multiple_of3A_196 : i32 to index
      %get3A_202 = tpu.vector_load %arg10[%get3A_201] {strides = array<i32>} : memref<8400xi32, #tpu.memory_space<vmem>>, vector<16xi32>,
      %jit3A_203 = arith.constant 0 : i32
      %broadcast_in_dim3A_204 = vector.broadcast %jit3A_203 : i32 to vector<16xi32>
      %select_n3A_205 = arith.select %ge3A_200, %broadcast_in_dim3A_204, %get3A_202 : vector<16xi1>, vector<16xi32>
      %swap3A_206 = arith.index_cast %multiple_of3A_196 : i32 to index
      %swap3A_207 = tpu.vector_load %arg10[%swap3A_206] {strides = array<i32>} : memref<8400xi32, #tpu.memory_space<vmem>>, vector<16xi32>,
      tpu.vector_store %arg10[%swap3A_206], %select_n3A_205 {strides = array<i32>} : memref<8400xi32, #tpu.memory_space<vmem>>, vector<16xi32>,
      %add3A_208 = arith.constant 1073741824 : i32
      %add3A_209 = arith.addi %add3A_208, %multiple_of3A_196 : i32
      %add3A_210 = vector.broadcast %add3A_209 : i32 to vector<16xi32>
      %add3A_211 = arith.addi %add3A_210, %iota3A : vector<16xi32>
      %get3A_212 = arith.index_cast %multiple_of3A_196 : i32 to index
      %get3A_213 = tpu.vector_load %arg11[%get3A_212] {strides = array<i32>} : memref<8400xi32, #tpu.memory_space<vmem>>, vector<16xi32>,
      %select_n3A_214 = arith.select %ge3A_200, %add3A_211, %get3A_213 : vector<16xi1>, vector<16xi32>
      %swap3A_215 = arith.index_cast %multiple_of3A_196 : i32 to index
      %swap3A_216 = tpu.vector_load %arg11[%swap3A_215] {strides = array<i32>} : memref<8400xi32, #tpu.memory_space<vmem>>, vector<16xi32>,
      tpu.vector_store %arg11[%swap3A_215], %select_n3A_214 {strides = array<i32>} : memref<8400xi32, #tpu.memory_space<vmem>>, vector<16xi32>,
      %scan3A_217 = arith.constant 0 : i32
      %scan3A_218 = arith.constant 0 : i32
      %scan3A_219 = arith.constant 256 : i32
      %scan3A_220 = arith.addi %scan3A_218, %scan3A_219 : i32
      %scan3A_221 = arith.constant 1 : i32
      %scan3A_222 = scf.for %scan3A_598 = %scan3A_218 to %scan3A_220 step %scan3A_221 iter_args(%scan3A_599 = %scan3A_217) -> (i32)  : i32 {
        %mul3A_600 = arith.constant 16 : i32
        %mul3A_601 = arith.muli %scan3A_598, %mul3A_600 : i32
        %swap3A_602 = arith.index_cast %mul3A_601 : i32 to index
        %swap3A_603 = tpu.vector_load %arg12[%swap3A_602] {strides = array<i32>} : memref<4096xi32, #tpu.memory_space<vmem>>, vector<16xi32>,
        tpu.vector_store %arg12[%swap3A_602], %broadcast_in_dim3A_5 {strides = array<i32>} : memref<4096xi32, #tpu.memory_space<vmem>>, vector<16xi32>,
        %scan3A_604 = arith.constant 0 : i32
        scf.yield %scan3A_604 : i32
      }
      %scan3A_223 = arith.constant 256 : i32
      %while3A_224 = arith.constant 0 : i32
      %while3A_225 = arith.constant 0 : i32
      %while3A_226 = arith.subi %select_n3A_191, %while3A_224 : i32
      %while3A_227 = arith.addi %while3A_224, %while3A_226 : i32
      %while3A_228 = arith.constant 1 : i32
      %while3A_229 = arith.divsi %while3A_226, %while3A_228 : i32
      %while3A_230 = arith.muli %while3A_229, %while3A_228 : i32
      %while3A_231 = arith.addi %while3A_224, %while3A_230 : i32
      %while3A_232 = arith.constant 1 : i32
      %while3A_233 = scf.for %while3A_598 = %while3A_224 to %while3A_231 step %while3A_232 iter_args(%while3A_599 = %while3A_225) -> (i32)  : i32 {
        %mul3A_600 = arith.constant 16 : i32
        %mul3A_601 = arith.muli %while3A_598, %mul3A_600 : i32
        %get3A_602 = arith.index_cast %mul3A_601 : i32 to index
        %get3A_603 = tpu.vector_load %arg10[%get3A_602] {strides = array<i32>} : memref<8400xi32, #tpu.memory_space<vmem>>, vector<16xi32>,
        %bitcast_convert_type3A = tpu.bitcast %get3A_603 : vector<16xi32> -> vector<16xi32>
        %mul3A_604 = arith.constant 16 : i32
        %mul3A_605 = arith.muli %while3A_598, %mul3A_604 : i32
        %get3A_606 = arith.index_cast %mul3A_605 : i32 to index
        %get3A_607 = tpu.vector_load %arg11[%get3A_606] {strides = array<i32>} : memref<8400xi32, #tpu.memory_space<vmem>>, vector<16xi32>,
        %shift_right_logical3A = arith.constant 8 : i32
        %shift_right_logical3A_608 = vector.broadcast %shift_right_logical3A : i32 to vector<16xi32>
        %shift_right_logical3A_609 = arith.shrui %bitcast_convert_type3A, %shift_right_logical3A_608 : vector<16xi32>
        %and3A_610 = arith.constant 255 : i32
        %and3A_611 = vector.broadcast %and3A_610 : i32 to vector<16xi32>
        %and3A_612 = arith.andi %shift_right_logical3A_609, %and3A_611 : vector<16xi32>
        %mul3A_613 = arith.constant 16 : i32
        %mul3A_614 = vector.broadcast %mul3A_613 : i32 to vector<16xi32>
        %mul3A_615 = arith.muli %and3A_612, %mul3A_614 : vector<16xi32>
        %add3A_616 = arith.addi %mul3A_615, %iota3A : vector<16xi32>
        tpu.vector_store_idx %arg12[%add3A_616], %broadcast_in_dim3A_3 {add = true} : memref<4096xi32, #tpu.memory_space<vmem>>[vector<16xi32>], vector<16xi32>,
        %while3A_617 = arith.constant 0 : i32
        scf.yield %while3A_617 : i32
      }
      %while3A_234 = arith.constant 1 : i32
      %while3A_235 = scf.for %while3A_598 = %while3A_231 to %while3A_227 step %while3A_234 iter_args(%while3A_599 = %while3A_233) -> (i32)  : i32 {
        %mul3A_600 = arith.constant 16 : i32
        %mul3A_601 = arith.muli %while3A_598, %mul3A_600 : i32
        %get3A_602 = arith.index_cast %mul3A_601 : i32 to index
        %get3A_603 = tpu.vector_load %arg10[%get3A_602] {strides = array<i32>} : memref<8400xi32, #tpu.memory_space<vmem>>, vector<16xi32>,
        %bitcast_convert_type3A = tpu.bitcast %get3A_603 : vector<16xi32> -> vector<16xi32>
        %mul3A_604 = arith.constant 16 : i32
        %mul3A_605 = arith.muli %while3A_598, %mul3A_604 : i32
        %get3A_606 = arith.index_cast %mul3A_605 : i32 to index
        %get3A_607 = tpu.vector_load %arg11[%get3A_606] {strides = array<i32>} : memref<8400xi32, #tpu.memory_space<vmem>>, vector<16xi32>,
        %shift_right_logical3A = arith.constant 8 : i32
        %shift_right_logical3A_608 = vector.broadcast %shift_right_logical3A : i32 to vector<16xi32>
        %shift_right_logical3A_609 = arith.shrui %bitcast_convert_type3A, %shift_right_logical3A_608 : vector<16xi32>
        %and3A_610 = arith.constant 255 : i32
        %and3A_611 = vector.broadcast %and3A_610 : i32 to vector<16xi32>
        %and3A_612 = arith.andi %shift_right_logical3A_609, %and3A_611 : vector<16xi32>
        %mul3A_613 = arith.constant 16 : i32
        %mul3A_614 = vector.broadcast %mul3A_613 : i32 to vector<16xi32>
        %mul3A_615 = arith.muli %and3A_612, %mul3A_614 : vector<16xi32>
        %add3A_616 = arith.addi %mul3A_615, %iota3A : vector<16xi32>
        tpu.vector_store_idx %arg12[%add3A_616], %broadcast_in_dim3A_3 {add = true} : memref<4096xi32, #tpu.memory_space<vmem>>[vector<16xi32>], vector<16xi32>,
        %while3A_617 = arith.constant 0 : i32
        scf.yield %while3A_617 : i32
      }
      %scan3A_236 = arith.constant 0 : i32
      %scan3A_237 = arith.constant 0 : i32
      %scan3A_238 = arith.constant 0 : i32
      %scan3A_239 = arith.constant 0 : i32
      %scan3A_240 = arith.constant 0 : i32
      %scan3A_241 = arith.constant 256 : i32
      %scan3A_242 = arith.addi %scan3A_240, %scan3A_241 : i32
      %scan3A_243 = arith.constant 1 : i32
      %scan3A_244:4 = scf.for %scan3A_598 = %scan3A_240 to %scan3A_242 step %scan3A_243 iter_args(%scan3A_599 = %scan3A_236, %scan3A_600 = %scan3A_237, %scan3A_601 = %scan3A_238, %scan3A_602 = %scan3A_239) -> (i32, i32, i32, i32)  : i32 {
        %sub3A_603 = arith.constant 255 : i32
        %sub3A_604 = arith.subi %sub3A_603, %scan3A_598 : i32
        %mul3A_605 = arith.constant 16 : i32
        %mul3A_606 = arith.muli %sub3A_604, %mul3A_605 : i32
        %get3A_607 = arith.index_cast %mul3A_606 : i32 to index
        %get3A_608 = tpu.vector_load %arg12[%get3A_607] {strides = array<i32>} : memref<4096xi32, #tpu.memory_space<vmem>>, vector<16xi32>,
        %reduce_sum3A = arith.constant true
        %reduce_sum3A_609 = vector.broadcast %reduce_sum3A : i1 to vector<16xi1>
        %reduce_sum3A_610 = tpu.scan <sum>, %get3A_608 masked %reduce_sum3A_609 : vector<16xi32>, vector<16xi1> -> vector<16xi32>
        %reduce_sum3A_611 = vector.extract %reduce_sum3A_610[15] : i32 from vector<16xi32>
        %add3A_612 = arith.addi %scan3A_599, %reduce_sum3A_611 : i32
        %eq3A = arith.constant 0 : i32
        %eq3A_613 = arith.cmpi eq, %scan3A_602, %eq3A : i32
        %ge3A_614 = arith.cmpi sge, %add3A_612, %sub3A_152 : i32
        %and3A_615 = arith.andi %eq3A_613, %ge3A_614 : i1
        %select_n3A_616 = arith.select %and3A_615, %sub3A_604, %scan3A_600 : i32
        %select_n3A_617 = arith.select %and3A_615, %scan3A_599, %scan3A_601 : i32
        %jit3A_618 = arith.constant 1 : i32
        %select_n3A_619 = arith.select %and3A_615, %jit3A_618, %scan3A_602 : i32
        scf.yield %add3A_612, %select_n3A_616, %select_n3A_617, %select_n3A_619 : i32, i32, i32, i32
      }
      %scan3A_245 = arith.constant 256 : i32
      %sub3A_246 = arith.subi %sub3A_152, %scan3A_244#2 : i32
      %while3A_247 = arith.constant 0 : i32
      %while3A_248 = arith.constant 0 : i32
      %while3A_249 = arith.constant 0 : i32
      %while3A_250 = arith.subi %select_n3A_191, %while3A_248 : i32
      %while3A_251 = arith.addi %while3A_248, %while3A_250 : i32
      %while3A_252 = arith.constant 1 : i32
      %while3A_253 = arith.divsi %while3A_250, %while3A_252 : i32
      %while3A_254 = arith.muli %while3A_253, %while3A_252 : i32
      %while3A_255 = arith.addi %while3A_248, %while3A_254 : i32
      %while3A_256 = arith.constant 1 : i32
      %while3A_257:2 = scf.for %while3A_598 = %while3A_248 to %while3A_255 step %while3A_256 iter_args(%while3A_599 = %while3A_165#0, %while3A_600 = %while3A_249) -> (i32, i32)  : i32 {
        %mul3A_601 = arith.constant 16 : i32
        %mul3A_602 = arith.muli %while3A_598, %mul3A_601 : i32
        %get3A_603 = arith.index_cast %mul3A_602 : i32 to index
        %get3A_604 = tpu.vector_load %arg10[%get3A_603] {strides = array<i32>} : memref<8400xi32, #tpu.memory_space<vmem>>, vector<16xi32>,
        %bitcast_convert_type3A = tpu.bitcast %get3A_604 : vector<16xi32> -> vector<16xi32>
        %mul3A_605 = arith.constant 16 : i32
        %mul3A_606 = arith.muli %while3A_598, %mul3A_605 : i32
        %get3A_607 = arith.index_cast %mul3A_606 : i32 to index
        %get3A_608 = tpu.vector_load %arg11[%get3A_607] {strides = array<i32>} : memref<8400xi32, #tpu.memory_space<vmem>>, vector<16xi32>,
        %shift_right_logical3A = arith.constant 8 : i32
        %shift_right_logical3A_609 = vector.broadcast %shift_right_logical3A : i32 to vector<16xi32>
        %shift_right_logical3A_610 = arith.shrui %bitcast_convert_type3A, %shift_right_logical3A_609 : vector<16xi32>
        %and3A_611 = arith.constant 255 : i32
        %and3A_612 = vector.broadcast %and3A_611 : i32 to vector<16xi32>
        %and3A_613 = arith.andi %shift_right_logical3A_610, %and3A_612 : vector<16xi32>
        %gt3A = vector.broadcast %scan3A_244#1 : i32 to vector<16xi32>
        %gt3A_614 = arith.cmpi sgt, %and3A_613, %gt3A : vector<16xi32>
        %eq3A = vector.broadcast %scan3A_244#1 : i32 to vector<16xi32>
        %eq3A_615 = arith.cmpi eq, %and3A_613, %eq3A : vector<16xi32>
        %convert_element_type3A_616 = arith.extui %gt3A_614 : vector<16xi1> to vector<16xi32>
        %broadcast_in_dim3A_617 = arith.constant true
        %broadcast_in_dim3A_618 = vector.broadcast %broadcast_in_dim3A_617 : i1 to vector<16xi1>
        %masked_cumsum3A = tpu.scan <sum>, %convert_element_type3A_616 masked %broadcast_in_dim3A_618 : vector<16xi32>, vector<16xi1> -> vector<16xi32>
        %convert_element_type3A_619 = arith.extui %eq3A_615 : vector<16xi1> to vector<16xi32>
        %broadcast_in_dim3A_620 = arith.constant true
        %broadcast_in_dim3A_621 = vector.broadcast %broadcast_in_dim3A_620 : i1 to vector<16xi1>
        %masked_cumsum3A_622 = tpu.scan <sum>, %convert_element_type3A_619 masked %broadcast_in_dim3A_621 : vector<16xi32>, vector<16xi1> -> vector<16xi32>
        %add3A_623 = vector.broadcast %while3A_599 : i32 to vector<16xi32>
        %add3A_624 = arith.addi %add3A_623, %masked_cumsum3A : vector<16xi32>
        %sub3A_625 = arith.constant 1 : i32
        %sub3A_626 = vector.broadcast %sub3A_625 : i32 to vector<16xi32>
        %sub3A_627 = arith.subi %add3A_624, %sub3A_626 : vector<16xi32>
        %bitcast_convert_type3A_628 = tpu.bitcast %bitcast_convert_type3A : vector<16xi32> -> vector<16xi32>
        tpu.vector_store_idx %arg13[%sub3A_627], %bitcast_convert_type3A_628 masked %gt3A_614 : memref<304xi32, #tpu.memory_space<vmem>>[vector<16xi32>], vector<16xi32>, vector<16xi1>
        %add3A_629 = vector.broadcast %while3A_599 : i32 to vector<16xi32>
        %add3A_630 = arith.addi %add3A_629, %masked_cumsum3A : vector<16xi32>
        %sub3A_631 = arith.constant 1 : i32
        %sub3A_632 = vector.broadcast %sub3A_631 : i32 to vector<16xi32>
        %sub3A_633 = arith.subi %add3A_630, %sub3A_632 : vector<16xi32>
        tpu.vector_store_idx %arg14[%sub3A_633], %get3A_608 masked %gt3A_614 : memref<304xi32, #tpu.memory_space<vmem>>[vector<16xi32>], vector<16xi32>, vector<16xi1>
        %add3A_634 = vector.broadcast %while3A_600 : i32 to vector<16xi32>
        %add3A_635 = arith.addi %add3A_634, %masked_cumsum3A_622 : vector<16xi32>
        %sub3A_636 = arith.constant 1 : i32
        %sub3A_637 = vector.broadcast %sub3A_636 : i32 to vector<16xi32>
        %sub3A_638 = arith.subi %add3A_635, %sub3A_637 : vector<16xi32>
        %bitcast_convert_type3A_639 = tpu.bitcast %bitcast_convert_type3A : vector<16xi32> -> vector<16xi32>
        tpu.vector_store_idx %arg8[%sub3A_638], %bitcast_convert_type3A_639 masked %eq3A_615 : memref<8400xi32, #tpu.memory_space<vmem>>[vector<16xi32>], vector<16xi32>, vector<16xi1>
        %add3A_640 = vector.broadcast %while3A_600 : i32 to vector<16xi32>
        %add3A_641 = arith.addi %add3A_640, %masked_cumsum3A_622 : vector<16xi32>
        %sub3A_642 = arith.constant 1 : i32
        %sub3A_643 = vector.broadcast %sub3A_642 : i32 to vector<16xi32>
        %sub3A_644 = arith.subi %add3A_641, %sub3A_643 : vector<16xi32>
        tpu.vector_store_idx %arg9[%sub3A_644], %get3A_608 masked %eq3A_615 : memref<8400xi32, #tpu.memory_space<vmem>>[vector<16xi32>], vector<16xi32>, vector<16xi1>
        %convert_element_type3A_645 = arith.extui %gt3A_614 : vector<16xi1> to vector<16xi32>
        %reduce_sum3A = arith.constant true
        %reduce_sum3A_646 = vector.broadcast %reduce_sum3A : i1 to vector<16xi1>
        %reduce_sum3A_647 = tpu.scan <sum>, %convert_element_type3A_645 masked %reduce_sum3A_646 : vector<16xi32>, vector<16xi1> -> vector<16xi32>
        %reduce_sum3A_648 = vector.extract %reduce_sum3A_647[15] : i32 from vector<16xi32>
        %add3A_649 = arith.addi %while3A_599, %reduce_sum3A_648 : i32
        %convert_element_type3A_650 = arith.extui %eq3A_615 : vector<16xi1> to vector<16xi32>
        %reduce_sum3A_651 = arith.constant true
        %reduce_sum3A_652 = vector.broadcast %reduce_sum3A_651 : i1 to vector<16xi1>
        %reduce_sum3A_653 = tpu.scan <sum>, %convert_element_type3A_650 masked %reduce_sum3A_652 : vector<16xi32>, vector<16xi1> -> vector<16xi32>
        %reduce_sum3A_654 = vector.extract %reduce_sum3A_653[15] : i32 from vector<16xi32>
        %add3A_655 = arith.addi %while3A_600, %reduce_sum3A_654 : i32
        scf.yield %add3A_649, %add3A_655 : i32, i32
      }
      %while3A_258 = arith.constant 1 : i32
      %while3A_259:2 = scf.for %while3A_598 = %while3A_255 to %while3A_251 step %while3A_258 iter_args(%while3A_599 = %while3A_257#0, %while3A_600 = %while3A_257#1) -> (i32, i32)  : i32 {
        %mul3A_601 = arith.constant 16 : i32
        %mul3A_602 = arith.muli %while3A_598, %mul3A_601 : i32
        %get3A_603 = arith.index_cast %mul3A_602 : i32 to index
        %get3A_604 = tpu.vector_load %arg10[%get3A_603] {strides = array<i32>} : memref<8400xi32, #tpu.memory_space<vmem>>, vector<16xi32>,
        %bitcast_convert_type3A = tpu.bitcast %get3A_604 : vector<16xi32> -> vector<16xi32>
        %mul3A_605 = arith.constant 16 : i32
        %mul3A_606 = arith.muli %while3A_598, %mul3A_605 : i32
        %get3A_607 = arith.index_cast %mul3A_606 : i32 to index
        %get3A_608 = tpu.vector_load %arg11[%get3A_607] {strides = array<i32>} : memref<8400xi32, #tpu.memory_space<vmem>>, vector<16xi32>,
        %shift_right_logical3A = arith.constant 8 : i32
        %shift_right_logical3A_609 = vector.broadcast %shift_right_logical3A : i32 to vector<16xi32>
        %shift_right_logical3A_610 = arith.shrui %bitcast_convert_type3A, %shift_right_logical3A_609 : vector<16xi32>
        %and3A_611 = arith.constant 255 : i32
        %and3A_612 = vector.broadcast %and3A_611 : i32 to vector<16xi32>
        %and3A_613 = arith.andi %shift_right_logical3A_610, %and3A_612 : vector<16xi32>
        %gt3A = vector.broadcast %scan3A_244#1 : i32 to vector<16xi32>
        %gt3A_614 = arith.cmpi sgt, %and3A_613, %gt3A : vector<16xi32>
        %eq3A = vector.broadcast %scan3A_244#1 : i32 to vector<16xi32>
        %eq3A_615 = arith.cmpi eq, %and3A_613, %eq3A : vector<16xi32>
        %convert_element_type3A_616 = arith.extui %gt3A_614 : vector<16xi1> to vector<16xi32>
        %broadcast_in_dim3A_617 = arith.constant true
        %broadcast_in_dim3A_618 = vector.broadcast %broadcast_in_dim3A_617 : i1 to vector<16xi1>
        %masked_cumsum3A = tpu.scan <sum>, %convert_element_type3A_616 masked %broadcast_in_dim3A_618 : vector<16xi32>, vector<16xi1> -> vector<16xi32>
        %convert_element_type3A_619 = arith.extui %eq3A_615 : vector<16xi1> to vector<16xi32>
        %broadcast_in_dim3A_620 = arith.constant true
        %broadcast_in_dim3A_621 = vector.broadcast %broadcast_in_dim3A_620 : i1 to vector<16xi1>
        %masked_cumsum3A_622 = tpu.scan <sum>, %convert_element_type3A_619 masked %broadcast_in_dim3A_621 : vector<16xi32>, vector<16xi1> -> vector<16xi32>
        %add3A_623 = vector.broadcast %while3A_599 : i32 to vector<16xi32>
        %add3A_624 = arith.addi %add3A_623, %masked_cumsum3A : vector<16xi32>
        %sub3A_625 = arith.constant 1 : i32
        %sub3A_626 = vector.broadcast %sub3A_625 : i32 to vector<16xi32>
        %sub3A_627 = arith.subi %add3A_624, %sub3A_626 : vector<16xi32>
        %bitcast_convert_type3A_628 = tpu.bitcast %bitcast_convert_type3A : vector<16xi32> -> vector<16xi32>
        tpu.vector_store_idx %arg13[%sub3A_627], %bitcast_convert_type3A_628 masked %gt3A_614 : memref<304xi32, #tpu.memory_space<vmem>>[vector<16xi32>], vector<16xi32>, vector<16xi1>
        %add3A_629 = vector.broadcast %while3A_599 : i32 to vector<16xi32>
        %add3A_630 = arith.addi %add3A_629, %masked_cumsum3A : vector<16xi32>
        %sub3A_631 = arith.constant 1 : i32
        %sub3A_632 = vector.broadcast %sub3A_631 : i32 to vector<16xi32>
        %sub3A_633 = arith.subi %add3A_630, %sub3A_632 : vector<16xi32>
        tpu.vector_store_idx %arg14[%sub3A_633], %get3A_608 masked %gt3A_614 : memref<304xi32, #tpu.memory_space<vmem>>[vector<16xi32>], vector<16xi32>, vector<16xi1>
        %add3A_634 = vector.broadcast %while3A_600 : i32 to vector<16xi32>
        %add3A_635 = arith.addi %add3A_634, %masked_cumsum3A_622 : vector<16xi32>
        %sub3A_636 = arith.constant 1 : i32
        %sub3A_637 = vector.broadcast %sub3A_636 : i32 to vector<16xi32>
        %sub3A_638 = arith.subi %add3A_635, %sub3A_637 : vector<16xi32>
        %bitcast_convert_type3A_639 = tpu.bitcast %bitcast_convert_type3A : vector<16xi32> -> vector<16xi32>
        tpu.vector_store_idx %arg8[%sub3A_638], %bitcast_convert_type3A_639 masked %eq3A_615 : memref<8400xi32, #tpu.memory_space<vmem>>[vector<16xi32>], vector<16xi32>, vector<16xi1>
        %add3A_640 = vector.broadcast %while3A_600 : i32 to vector<16xi32>
        %add3A_641 = arith.addi %add3A_640, %masked_cumsum3A_622 : vector<16xi32>
        %sub3A_642 = arith.constant 1 : i32
        %sub3A_643 = vector.broadcast %sub3A_642 : i32 to vector<16xi32>
        %sub3A_644 = arith.subi %add3A_641, %sub3A_643 : vector<16xi32>
        tpu.vector_store_idx %arg9[%sub3A_644], %get3A_608 masked %eq3A_615 : memref<8400xi32, #tpu.memory_space<vmem>>[vector<16xi32>], vector<16xi32>, vector<16xi1>
        %convert_element_type3A_645 = arith.extui %gt3A_614 : vector<16xi1> to vector<16xi32>
        %reduce_sum3A = arith.constant true
        %reduce_sum3A_646 = vector.broadcast %reduce_sum3A : i1 to vector<16xi1>
        %reduce_sum3A_647 = tpu.scan <sum>, %convert_element_type3A_645 masked %reduce_sum3A_646 : vector<16xi32>, vector<16xi1> -> vector<16xi32>
        %reduce_sum3A_648 = vector.extract %reduce_sum3A_647[15] : i32 from vector<16xi32>
        %add3A_649 = arith.addi %while3A_599, %reduce_sum3A_648 : i32
        %convert_element_type3A_650 = arith.extui %eq3A_615 : vector<16xi1> to vector<16xi32>
        %reduce_sum3A_651 = arith.constant true
        %reduce_sum3A_652 = vector.broadcast %reduce_sum3A_651 : i1 to vector<16xi1>
        %reduce_sum3A_653 = tpu.scan <sum>, %convert_element_type3A_650 masked %reduce_sum3A_652 : vector<16xi32>, vector<16xi1> -> vector<16xi32>
        %reduce_sum3A_654 = vector.extract %reduce_sum3A_653[15] : i32 from vector<16xi32>
        %add3A_655 = arith.addi %while3A_600, %reduce_sum3A_654 : i32
        scf.yield %add3A_649, %add3A_655 : i32, i32
      }
      %add3A_260 = arith.constant 15 : i32
      %add3A_261 = arith.addi %while3A_259#1, %add3A_260 : i32
      %jit3A_262 = arith.constant 16 : i32
      %div3A_263 = arith.divsi %add3A_261, %jit3A_262 : i32
      %sign3A_264 = arith.constant 0 : i32
      %sign3A_265 = arith.cmpi sgt, %add3A_261, %sign3A_264 : i32
      %sign3A_266 = arith.extui %sign3A_265 : i1 to i32
      %sign3A_267 = arith.constant 0 : i32
      %sign3A_268 = arith.cmpi slt, %add3A_261, %sign3A_267 : i32
      %sign3A_269 = arith.extui %sign3A_268 : i1 to i32
      %sign3A_270 = arith.subi %sign3A_266, %sign3A_269 : i32
      %sign3A_271 = arith.constant 0 : i32
      %sign3A_272 = arith.cmpi sgt, %jit3A_262, %sign3A_271 : i32
      %sign3A_273 = arith.extui %sign3A_272 : i1 to i32
      %sign3A_274 = arith.constant 0 : i32
      %sign3A_275 = arith.cmpi slt, %jit3A_262, %sign3A_274 : i32
      %sign3A_276 = arith.extui %sign3A_275 : i1 to i32
      %sign3A_277 = arith.subi %sign3A_273, %sign3A_276 : i32
      %ne3A_278 = arith.cmpi ne, %sign3A_270, %sign3A_277 : i32
      %rem3A_279 = arith.remsi %add3A_261, %jit3A_262 : i32
      %ne3A_280 = arith.constant 0 : i32
      %ne3A_281 = arith.cmpi ne, %rem3A_279, %ne3A_280 : i32
      %and3A_282 = arith.andi %ne3A_278, %ne3A_281 : i1
      %sub3A_283 = arith.constant 1 : i32
      %sub3A_284 = arith.subi %div3A_263, %sub3A_283 : i32
      %select_n3A_285 = arith.select %and3A_282, %sub3A_284, %div3A_263 : i32
      %mul3A_286 = arith.constant 16 : i32
      %mul3A_287 = arith.muli %select_n3A_285, %mul3A_286 : i32
      %sub3A_288 = arith.constant 16 : i32
      %sub3A_289 = arith.subi %mul3A_287, %sub3A_288 : i32
      %multiple_of3A_290 = tpu.assume_multiple %sub3A_289, 16 : i32
      %add3A_291 = vector.broadcast %multiple_of3A_290 : i32 to vector<16xi32>
      %add3A_292 = arith.addi %add3A_291, %iota3A : vector<16xi32>
      %ge3A_293 = vector.broadcast %while3A_259#1 : i32 to vector<16xi32>
      %ge3A_294 = arith.cmpi sge, %add3A_292, %ge3A_293 : vector<16xi32>
      %get3A_295 = arith.index_cast %multiple_of3A_290 : i32 to index
      %get3A_296 = tpu.vector_load %arg8[%get3A_295] {strides = array<i32>} : memref<8400xi32, #tpu.memory_space<vmem>>, vector<16xi32>,
      %jit3A_297 = arith.constant 0 : i32
      %broadcast_in_dim3A_298 = vector.broadcast %jit3A_297 : i32 to vector<16xi32>
      %select_n3A_299 = arith.select %ge3A_294, %broadcast_in_dim3A_298, %get3A_296 : vector<16xi1>, vector<16xi32>
      %swap3A_300 = arith.index_cast %multiple_of3A_290 : i32 to index
      %swap3A_301 = tpu.vector_load %arg8[%swap3A_300] {strides = array<i32>} : memref<8400xi32, #tpu.memory_space<vmem>>, vector<16xi32>,
      tpu.vector_store %arg8[%swap3A_300], %select_n3A_299 {strides = array<i32>} : memref<8400xi32, #tpu.memory_space<vmem>>, vector<16xi32>,
      %add3A_302 = arith.constant 1073741824 : i32
      %add3A_303 = arith.addi %add3A_302, %multiple_of3A_290 : i32
      %add3A_304 = vector.broadcast %add3A_303 : i32 to vector<16xi32>
      %add3A_305 = arith.addi %add3A_304, %iota3A : vector<16xi32>
      %get3A_306 = arith.index_cast %multiple_of3A_290 : i32 to index
      %get3A_307 = tpu.vector_load %arg9[%get3A_306] {strides = array<i32>} : memref<8400xi32, #tpu.memory_space<vmem>>, vector<16xi32>,
      %select_n3A_308 = arith.select %ge3A_294, %add3A_305, %get3A_307 : vector<16xi1>, vector<16xi32>
      %swap3A_309 = arith.index_cast %multiple_of3A_290 : i32 to index
      %swap3A_310 = tpu.vector_load %arg9[%swap3A_309] {strides = array<i32>} : memref<8400xi32, #tpu.memory_space<vmem>>, vector<16xi32>,
      tpu.vector_store %arg9[%swap3A_309], %select_n3A_308 {strides = array<i32>} : memref<8400xi32, #tpu.memory_space<vmem>>, vector<16xi32>,
      %scan3A_311 = arith.constant 0 : i32
      %scan3A_312 = arith.constant 0 : i32
      %scan3A_313 = arith.constant 256 : i32
      %scan3A_314 = arith.addi %scan3A_312, %scan3A_313 : i32
      %scan3A_315 = arith.constant 1 : i32
      %scan3A_316 = scf.for %scan3A_598 = %scan3A_312 to %scan3A_314 step %scan3A_315 iter_args(%scan3A_599 = %scan3A_311) -> (i32)  : i32 {
        %mul3A_600 = arith.constant 16 : i32
        %mul3A_601 = arith.muli %scan3A_598, %mul3A_600 : i32
        %swap3A_602 = arith.index_cast %mul3A_601 : i32 to index
        %swap3A_603 = tpu.vector_load %arg12[%swap3A_602] {strides = array<i32>} : memref<4096xi32, #tpu.memory_space<vmem>>, vector<16xi32>,
        tpu.vector_store %arg12[%swap3A_602], %broadcast_in_dim3A_5 {strides = array<i32>} : memref<4096xi32, #tpu.memory_space<vmem>>, vector<16xi32>,
        %scan3A_604 = arith.constant 0 : i32
        scf.yield %scan3A_604 : i32
      }
      %scan3A_317 = arith.constant 256 : i32
      %while3A_318 = arith.constant 0 : i32
      %while3A_319 = arith.constant 0 : i32
      %while3A_320 = arith.subi %select_n3A_285, %while3A_318 : i32
      %while3A_321 = arith.addi %while3A_318, %while3A_320 : i32
      %while3A_322 = arith.constant 1 : i32
      %while3A_323 = arith.divsi %while3A_320, %while3A_322 : i32
      %while3A_324 = arith.muli %while3A_323, %while3A_322 : i32
      %while3A_325 = arith.addi %while3A_318, %while3A_324 : i32
      %while3A_326 = arith.constant 1 : i32
      %while3A_327 = scf.for %while3A_598 = %while3A_318 to %while3A_325 step %while3A_326 iter_args(%while3A_599 = %while3A_319) -> (i32)  : i32 {
        %mul3A_600 = arith.constant 16 : i32
        %mul3A_601 = arith.muli %while3A_598, %mul3A_600 : i32
        %get3A_602 = arith.index_cast %mul3A_601 : i32 to index
        %get3A_603 = tpu.vector_load %arg8[%get3A_602] {strides = array<i32>} : memref<8400xi32, #tpu.memory_space<vmem>>, vector<16xi32>,
        %bitcast_convert_type3A = tpu.bitcast %get3A_603 : vector<16xi32> -> vector<16xi32>
        %mul3A_604 = arith.constant 16 : i32
        %mul3A_605 = arith.muli %while3A_598, %mul3A_604 : i32
        %get3A_606 = arith.index_cast %mul3A_605 : i32 to index
        %get3A_607 = tpu.vector_load %arg9[%get3A_606] {strides = array<i32>} : memref<8400xi32, #tpu.memory_space<vmem>>, vector<16xi32>,
        %shift_right_logical3A = arith.constant 0 : i32
        %shift_right_logical3A_608 = vector.broadcast %shift_right_logical3A : i32 to vector<16xi32>
        %shift_right_logical3A_609 = arith.shrui %bitcast_convert_type3A, %shift_right_logical3A_608 : vector<16xi32>
        %and3A_610 = arith.constant 255 : i32
        %and3A_611 = vector.broadcast %and3A_610 : i32 to vector<16xi32>
        %and3A_612 = arith.andi %shift_right_logical3A_609, %and3A_611 : vector<16xi32>
        %mul3A_613 = arith.constant 16 : i32
        %mul3A_614 = vector.broadcast %mul3A_613 : i32 to vector<16xi32>
        %mul3A_615 = arith.muli %and3A_612, %mul3A_614 : vector<16xi32>
        %add3A_616 = arith.addi %mul3A_615, %iota3A : vector<16xi32>
        tpu.vector_store_idx %arg12[%add3A_616], %broadcast_in_dim3A_3 {add = true} : memref<4096xi32, #tpu.memory_space<vmem>>[vector<16xi32>], vector<16xi32>,
        %while3A_617 = arith.constant 0 : i32
        scf.yield %while3A_617 : i32
      }
      %while3A_328 = arith.constant 1 : i32
      %while3A_329 = scf.for %while3A_598 = %while3A_325 to %while3A_321 step %while3A_328 iter_args(%while3A_599 = %while3A_327) -> (i32)  : i32 {
        %mul3A_600 = arith.constant 16 : i32
        %mul3A_601 = arith.muli %while3A_598, %mul3A_600 : i32
        %get3A_602 = arith.index_cast %mul3A_601 : i32 to index
        %get3A_603 = tpu.vector_load %arg8[%get3A_602] {strides = array<i32>} : memref<8400xi32, #tpu.memory_space<vmem>>, vector<16xi32>,
        %bitcast_convert_type3A = tpu.bitcast %get3A_603 : vector<16xi32> -> vector<16xi32>
        %mul3A_604 = arith.constant 16 : i32
        %mul3A_605 = arith.muli %while3A_598, %mul3A_604 : i32
        %get3A_606 = arith.index_cast %mul3A_605 : i32 to index
        %get3A_607 = tpu.vector_load %arg9[%get3A_606] {strides = array<i32>} : memref<8400xi32, #tpu.memory_space<vmem>>, vector<16xi32>,
        %shift_right_logical3A = arith.constant 0 : i32
        %shift_right_logical3A_608 = vector.broadcast %shift_right_logical3A : i32 to vector<16xi32>
        %shift_right_logical3A_609 = arith.shrui %bitcast_convert_type3A, %shift_right_logical3A_608 : vector<16xi32>
        %and3A_610 = arith.constant 255 : i32
        %and3A_611 = vector.broadcast %and3A_610 : i32 to vector<16xi32>
        %and3A_612 = arith.andi %shift_right_logical3A_609, %and3A_611 : vector<16xi32>
        %mul3A_613 = arith.constant 16 : i32
        %mul3A_614 = vector.broadcast %mul3A_613 : i32 to vector<16xi32>
        %mul3A_615 = arith.muli %and3A_612, %mul3A_614 : vector<16xi32>
        %add3A_616 = arith.addi %mul3A_615, %iota3A : vector<16xi32>
        tpu.vector_store_idx %arg12[%add3A_616], %broadcast_in_dim3A_3 {add = true} : memref<4096xi32, #tpu.memory_space<vmem>>[vector<16xi32>], vector<16xi32>,
        %while3A_617 = arith.constant 0 : i32
        scf.yield %while3A_617 : i32
      }
      %scan3A_330 = arith.constant 0 : i32
      %scan3A_331 = arith.constant 0 : i32
      %scan3A_332 = arith.constant 0 : i32
      %scan3A_333 = arith.constant 0 : i32
      %scan3A_334 = arith.constant 0 : i32
      %scan3A_335 = arith.constant 256 : i32
      %scan3A_336 = arith.addi %scan3A_334, %scan3A_335 : i32
      %scan3A_337 = arith.constant 1 : i32
      %scan3A_338:4 = scf.for %scan3A_598 = %scan3A_334 to %scan3A_336 step %scan3A_337 iter_args(%scan3A_599 = %scan3A_330, %scan3A_600 = %scan3A_331, %scan3A_601 = %scan3A_332, %scan3A_602 = %scan3A_333) -> (i32, i32, i32, i32)  : i32 {
        %sub3A_603 = arith.constant 255 : i32
        %sub3A_604 = arith.subi %sub3A_603, %scan3A_598 : i32
        %mul3A_605 = arith.constant 16 : i32
        %mul3A_606 = arith.muli %sub3A_604, %mul3A_605 : i32
        %get3A_607 = arith.index_cast %mul3A_606 : i32 to index
        %get3A_608 = tpu.vector_load %arg12[%get3A_607] {strides = array<i32>} : memref<4096xi32, #tpu.memory_space<vmem>>, vector<16xi32>,
        %reduce_sum3A = arith.constant true
        %reduce_sum3A_609 = vector.broadcast %reduce_sum3A : i1 to vector<16xi1>
        %reduce_sum3A_610 = tpu.scan <sum>, %get3A_608 masked %reduce_sum3A_609 : vector<16xi32>, vector<16xi1> -> vector<16xi32>
        %reduce_sum3A_611 = vector.extract %reduce_sum3A_610[15] : i32 from vector<16xi32>
        %add3A_612 = arith.addi %scan3A_599, %reduce_sum3A_611 : i32
        %eq3A = arith.constant 0 : i32
        %eq3A_613 = arith.cmpi eq, %scan3A_602, %eq3A : i32
        %ge3A_614 = arith.cmpi sge, %add3A_612, %sub3A_246 : i32
        %and3A_615 = arith.andi %eq3A_613, %ge3A_614 : i1
        %select_n3A_616 = arith.select %and3A_615, %sub3A_604, %scan3A_600 : i32
        %select_n3A_617 = arith.select %and3A_615, %scan3A_599, %scan3A_601 : i32
        %jit3A_618 = arith.constant 1 : i32
        %select_n3A_619 = arith.select %and3A_615, %jit3A_618, %scan3A_602 : i32
        scf.yield %add3A_612, %select_n3A_616, %select_n3A_617, %select_n3A_619 : i32, i32, i32, i32
      }
      %scan3A_339 = arith.constant 256 : i32
      %sub3A_340 = arith.subi %sub3A_246, %scan3A_338#2 : i32
      %while3A_341 = arith.constant 0 : i32
      %while3A_342 = arith.constant 0 : i32
      %while3A_343 = arith.constant 0 : i32
      %while3A_344 = arith.subi %select_n3A_285, %while3A_342 : i32
      %while3A_345 = arith.addi %while3A_342, %while3A_344 : i32
      %while3A_346 = arith.constant 1 : i32
      %while3A_347 = arith.divsi %while3A_344, %while3A_346 : i32
      %while3A_348 = arith.muli %while3A_347, %while3A_346 : i32
      %while3A_349 = arith.addi %while3A_342, %while3A_348 : i32
      %while3A_350 = arith.constant 1 : i32
      %while3A_351:2 = scf.for %while3A_598 = %while3A_342 to %while3A_349 step %while3A_350 iter_args(%while3A_599 = %while3A_259#0, %while3A_600 = %while3A_343) -> (i32, i32)  : i32 {
        %mul3A_601 = arith.constant 16 : i32
        %mul3A_602 = arith.muli %while3A_598, %mul3A_601 : i32
        %get3A_603 = arith.index_cast %mul3A_602 : i32 to index
        %get3A_604 = tpu.vector_load %arg8[%get3A_603] {strides = array<i32>} : memref<8400xi32, #tpu.memory_space<vmem>>, vector<16xi32>,
        %bitcast_convert_type3A = tpu.bitcast %get3A_604 : vector<16xi32> -> vector<16xi32>
        %mul3A_605 = arith.constant 16 : i32
        %mul3A_606 = arith.muli %while3A_598, %mul3A_605 : i32
        %get3A_607 = arith.index_cast %mul3A_606 : i32 to index
        %get3A_608 = tpu.vector_load %arg9[%get3A_607] {strides = array<i32>} : memref<8400xi32, #tpu.memory_space<vmem>>, vector<16xi32>,
        %shift_right_logical3A = arith.constant 0 : i32
        %shift_right_logical3A_609 = vector.broadcast %shift_right_logical3A : i32 to vector<16xi32>
        %shift_right_logical3A_610 = arith.shrui %bitcast_convert_type3A, %shift_right_logical3A_609 : vector<16xi32>
        %and3A_611 = arith.constant 255 : i32
        %and3A_612 = vector.broadcast %and3A_611 : i32 to vector<16xi32>
        %and3A_613 = arith.andi %shift_right_logical3A_610, %and3A_612 : vector<16xi32>
        %gt3A = vector.broadcast %scan3A_338#1 : i32 to vector<16xi32>
        %gt3A_614 = arith.cmpi sgt, %and3A_613, %gt3A : vector<16xi32>
        %eq3A = vector.broadcast %scan3A_338#1 : i32 to vector<16xi32>
        %eq3A_615 = arith.cmpi eq, %and3A_613, %eq3A : vector<16xi32>
        %convert_element_type3A_616 = arith.extui %eq3A_615 : vector<16xi1> to vector<16xi32>
        %broadcast_in_dim3A_617 = arith.constant true
        %broadcast_in_dim3A_618 = vector.broadcast %broadcast_in_dim3A_617 : i1 to vector<16xi1>
        %masked_cumsum3A = tpu.scan <sum>, %convert_element_type3A_616 masked %broadcast_in_dim3A_618 : vector<16xi32>, vector<16xi1> -> vector<16xi32>
        %add3A_619 = vector.broadcast %while3A_600 : i32 to vector<16xi32>
        %add3A_620 = arith.addi %add3A_619, %masked_cumsum3A : vector<16xi32>
        %le3A = vector.broadcast %sub3A_340 : i32 to vector<16xi32>
        %le3A_621 = arith.cmpi sle, %add3A_620, %le3A : vector<16xi32>
        %and3A_622 = arith.andi %eq3A_615, %le3A_621 : vector<16xi1>
        %or3A = arith.ori %gt3A_614, %and3A_622 : vector<16xi1>
        %convert_element_type3A_623 = arith.extui %or3A : vector<16xi1> to vector<16xi32>
        %broadcast_in_dim3A_624 = arith.constant true
        %broadcast_in_dim3A_625 = vector.broadcast %broadcast_in_dim3A_624 : i1 to vector<16xi1>
        %masked_cumsum3A_626 = tpu.scan <sum>, %convert_element_type3A_623 masked %broadcast_in_dim3A_625 : vector<16xi32>, vector<16xi1> -> vector<16xi32>
        %add3A_627 = vector.broadcast %while3A_599 : i32 to vector<16xi32>
        %add3A_628 = arith.addi %add3A_627, %masked_cumsum3A_626 : vector<16xi32>
        %sub3A_629 = arith.constant 1 : i32
        %sub3A_630 = vector.broadcast %sub3A_629 : i32 to vector<16xi32>
        %sub3A_631 = arith.subi %add3A_628, %sub3A_630 : vector<16xi32>
        %bitcast_convert_type3A_632 = tpu.bitcast %bitcast_convert_type3A : vector<16xi32> -> vector<16xi32>
        tpu.vector_store_idx %arg13[%sub3A_631], %bitcast_convert_type3A_632 masked %or3A : memref<304xi32, #tpu.memory_space<vmem>>[vector<16xi32>], vector<16xi32>, vector<16xi1>
        %add3A_633 = vector.broadcast %while3A_599 : i32 to vector<16xi32>
        %add3A_634 = arith.addi %add3A_633, %masked_cumsum3A_626 : vector<16xi32>
        %sub3A_635 = arith.constant 1 : i32
        %sub3A_636 = vector.broadcast %sub3A_635 : i32 to vector<16xi32>
        %sub3A_637 = arith.subi %add3A_634, %sub3A_636 : vector<16xi32>
        tpu.vector_store_idx %arg14[%sub3A_637], %get3A_608 masked %or3A : memref<304xi32, #tpu.memory_space<vmem>>[vector<16xi32>], vector<16xi32>, vector<16xi1>
        %convert_element_type3A_638 = arith.extui %or3A : vector<16xi1> to vector<16xi32>
        %reduce_sum3A = arith.constant true
        %reduce_sum3A_639 = vector.broadcast %reduce_sum3A : i1 to vector<16xi1>
        %reduce_sum3A_640 = tpu.scan <sum>, %convert_element_type3A_638 masked %reduce_sum3A_639 : vector<16xi32>, vector<16xi1> -> vector<16xi32>
        %reduce_sum3A_641 = vector.extract %reduce_sum3A_640[15] : i32 from vector<16xi32>
        %add3A_642 = arith.addi %while3A_599, %reduce_sum3A_641 : i32
        %convert_element_type3A_643 = arith.extui %eq3A_615 : vector<16xi1> to vector<16xi32>
        %reduce_sum3A_644 = arith.constant true
        %reduce_sum3A_645 = vector.broadcast %reduce_sum3A_644 : i1 to vector<16xi1>
        %reduce_sum3A_646 = tpu.scan <sum>, %convert_element_type3A_643 masked %reduce_sum3A_645 : vector<16xi32>, vector<16xi1> -> vector<16xi32>
        %reduce_sum3A_647 = vector.extract %reduce_sum3A_646[15] : i32 from vector<16xi32>
        %add3A_648 = arith.addi %while3A_600, %reduce_sum3A_647 : i32
        scf.yield %add3A_642, %add3A_648 : i32, i32
      }
      %while3A_352 = arith.constant 1 : i32
      %while3A_353:2 = scf.for %while3A_598 = %while3A_349 to %while3A_345 step %while3A_352 iter_args(%while3A_599 = %while3A_351#0, %while3A_600 = %while3A_351#1) -> (i32, i32)  : i32 {
        %mul3A_601 = arith.constant 16 : i32
        %mul3A_602 = arith.muli %while3A_598, %mul3A_601 : i32
        %get3A_603 = arith.index_cast %mul3A_602 : i32 to index
        %get3A_604 = tpu.vector_load %arg8[%get3A_603] {strides = array<i32>} : memref<8400xi32, #tpu.memory_space<vmem>>, vector<16xi32>,
        %bitcast_convert_type3A = tpu.bitcast %get3A_604 : vector<16xi32> -> vector<16xi32>
        %mul3A_605 = arith.constant 16 : i32
        %mul3A_606 = arith.muli %while3A_598, %mul3A_605 : i32
        %get3A_607 = arith.index_cast %mul3A_606 : i32 to index
        %get3A_608 = tpu.vector_load %arg9[%get3A_607] {strides = array<i32>} : memref<8400xi32, #tpu.memory_space<vmem>>, vector<16xi32>,
        %shift_right_logical3A = arith.constant 0 : i32
        %shift_right_logical3A_609 = vector.broadcast %shift_right_logical3A : i32 to vector<16xi32>
        %shift_right_logical3A_610 = arith.shrui %bitcast_convert_type3A, %shift_right_logical3A_609 : vector<16xi32>
        %and3A_611 = arith.constant 255 : i32
        %and3A_612 = vector.broadcast %and3A_611 : i32 to vector<16xi32>
        %and3A_613 = arith.andi %shift_right_logical3A_610, %and3A_612 : vector<16xi32>
        %gt3A = vector.broadcast %scan3A_338#1 : i32 to vector<16xi32>
        %gt3A_614 = arith.cmpi sgt, %and3A_613, %gt3A : vector<16xi32>
        %eq3A = vector.broadcast %scan3A_338#1 : i32 to vector<16xi32>
        %eq3A_615 = arith.cmpi eq, %and3A_613, %eq3A : vector<16xi32>
        %convert_element_type3A_616 = arith.extui %eq3A_615 : vector<16xi1> to vector<16xi32>
        %broadcast_in_dim3A_617 = arith.constant true
        %broadcast_in_dim3A_618 = vector.broadcast %broadcast_in_dim3A_617 : i1 to vector<16xi1>
        %masked_cumsum3A = tpu.scan <sum>, %convert_element_type3A_616 masked %broadcast_in_dim3A_618 : vector<16xi32>, vector<16xi1> -> vector<16xi32>
        %add3A_619 = vector.broadcast %while3A_600 : i32 to vector<16xi32>
        %add3A_620 = arith.addi %add3A_619, %masked_cumsum3A : vector<16xi32>
        %le3A = vector.broadcast %sub3A_340 : i32 to vector<16xi32>
        %le3A_621 = arith.cmpi sle, %add3A_620, %le3A : vector<16xi32>
        %and3A_622 = arith.andi %eq3A_615, %le3A_621 : vector<16xi1>
        %or3A = arith.ori %gt3A_614, %and3A_622 : vector<16xi1>
        %convert_element_type3A_623 = arith.extui %or3A : vector<16xi1> to vector<16xi32>
        %broadcast_in_dim3A_624 = arith.constant true
        %broadcast_in_dim3A_625 = vector.broadcast %broadcast_in_dim3A_624 : i1 to vector<16xi1>
        %masked_cumsum3A_626 = tpu.scan <sum>, %convert_element_type3A_623 masked %broadcast_in_dim3A_625 : vector<16xi32>, vector<16xi1> -> vector<16xi32>
        %add3A_627 = vector.broadcast %while3A_599 : i32 to vector<16xi32>
        %add3A_628 = arith.addi %add3A_627, %masked_cumsum3A_626 : vector<16xi32>
        %sub3A_629 = arith.constant 1 : i32
        %sub3A_630 = vector.broadcast %sub3A_629 : i32 to vector<16xi32>
        %sub3A_631 = arith.subi %add3A_628, %sub3A_630 : vector<16xi32>
        %bitcast_convert_type3A_632 = tpu.bitcast %bitcast_convert_type3A : vector<16xi32> -> vector<16xi32>
        tpu.vector_store_idx %arg13[%sub3A_631], %bitcast_convert_type3A_632 masked %or3A : memref<304xi32, #tpu.memory_space<vmem>>[vector<16xi32>], vector<16xi32>, vector<16xi1>
        %add3A_633 = vector.broadcast %while3A_599 : i32 to vector<16xi32>
        %add3A_634 = arith.addi %add3A_633, %masked_cumsum3A_626 : vector<16xi32>
        %sub3A_635 = arith.constant 1 : i32
        %sub3A_636 = vector.broadcast %sub3A_635 : i32 to vector<16xi32>
        %sub3A_637 = arith.subi %add3A_634, %sub3A_636 : vector<16xi32>
        tpu.vector_store_idx %arg14[%sub3A_637], %get3A_608 masked %or3A : memref<304xi32, #tpu.memory_space<vmem>>[vector<16xi32>], vector<16xi32>, vector<16xi1>
        %convert_element_type3A_638 = arith.extui %or3A : vector<16xi1> to vector<16xi32>
        %reduce_sum3A = arith.constant true
        %reduce_sum3A_639 = vector.broadcast %reduce_sum3A : i1 to vector<16xi1>
        %reduce_sum3A_640 = tpu.scan <sum>, %convert_element_type3A_638 masked %reduce_sum3A_639 : vector<16xi32>, vector<16xi1> -> vector<16xi32>
        %reduce_sum3A_641 = vector.extract %reduce_sum3A_640[15] : i32 from vector<16xi32>
        %add3A_642 = arith.addi %while3A_599, %reduce_sum3A_641 : i32
        %convert_element_type3A_643 = arith.extui %eq3A_615 : vector<16xi1> to vector<16xi32>
        %reduce_sum3A_644 = arith.constant true
        %reduce_sum3A_645 = vector.broadcast %reduce_sum3A_644 : i1 to vector<16xi1>
        %reduce_sum3A_646 = tpu.scan <sum>, %convert_element_type3A_643 masked %reduce_sum3A_645 : vector<16xi32>, vector<16xi1> -> vector<16xi32>
        %reduce_sum3A_647 = vector.extract %reduce_sum3A_646[15] : i32 from vector<16xi32>
        %add3A_648 = arith.addi %while3A_600, %reduce_sum3A_647 : i32
        scf.yield %add3A_642, %add3A_648 : i32, i32
      }
      %scan3A_354 = arith.constant 0 : i32
      %scan3A_355 = arith.constant 0 : i32
      %scan3A_356 = arith.constant 304 : i32
      %scan3A_357 = arith.addi %scan3A_355, %scan3A_356 : i32
      %scan3A_358 = arith.constant 1 : i32
      %scan3A_359 = scf.for %scan3A_598 = %scan3A_355 to %scan3A_357 step %scan3A_358 iter_args(%scan3A_599 = %scan3A_354) -> (i32)  : i32 {
        %jit3A_600 = arith.constant 16 : i32
        %div3A_601 = arith.divsi %scan3A_598, %jit3A_600 : i32
        %sign3A_602 = arith.constant 0 : i32
        %sign3A_603 = arith.cmpi sgt, %scan3A_598, %sign3A_602 : i32
        %sign3A_604 = arith.extui %sign3A_603 : i1 to i32
        %sign3A_605 = arith.constant 0 : i32
        %sign3A_606 = arith.cmpi slt, %scan3A_598, %sign3A_605 : i32
        %sign3A_607 = arith.extui %sign3A_606 : i1 to i32
        %sign3A_608 = arith.subi %sign3A_604, %sign3A_607 : i32
        %sign3A_609 = arith.constant 0 : i32
        %sign3A_610 = arith.cmpi sgt, %jit3A_600, %sign3A_609 : i32
        %sign3A_611 = arith.extui %sign3A_610 : i1 to i32
        %sign3A_612 = arith.constant 0 : i32
        %sign3A_613 = arith.cmpi slt, %jit3A_600, %sign3A_612 : i32
        %sign3A_614 = arith.extui %sign3A_613 : i1 to i32
        %sign3A_615 = arith.subi %sign3A_611, %sign3A_614 : i32
        %ne3A_616 = arith.cmpi ne, %sign3A_608, %sign3A_615 : i32
        %rem3A_617 = arith.remsi %scan3A_598, %jit3A_600 : i32
        %ne3A_618 = arith.constant 0 : i32
        %ne3A_619 = arith.cmpi ne, %rem3A_617, %ne3A_618 : i32
        %and3A_620 = arith.andi %ne3A_616, %ne3A_619 : i1
        %sub3A_621 = arith.constant 1 : i32
        %sub3A_622 = arith.subi %div3A_601, %sub3A_621 : i32
        %select_n3A_623 = arith.select %and3A_620, %sub3A_622, %div3A_601 : i32
        %mul3A_624 = arith.constant 16 : i32
        %mul3A_625 = arith.muli %select_n3A_623, %mul3A_624 : i32
        %multiple_of3A_626 = tpu.assume_multiple %mul3A_625, 16 : i32
        %sub3A_627 = arith.subi %scan3A_598, %multiple_of3A_626 : i32
        %get3A_628 = arith.index_cast %multiple_of3A_626 : i32 to index
        %get3A_629 = tpu.vector_load %arg13[%get3A_628] {strides = array<i32>} : memref<304xi32, #tpu.memory_space<vmem>>, vector<16xi32>,
        %get3A_630 = arith.index_cast %multiple_of3A_626 : i32 to index
        %get3A_631 = tpu.vector_load %arg14[%get3A_630] {strides = array<i32>} : memref<304xi32, #tpu.memory_space<vmem>>, vector<16xi32>,
        %eq3A = vector.broadcast %sub3A_627 : i32 to vector<16xi32>
        %eq3A_632 = arith.cmpi eq, %iota3A, %eq3A : vector<16xi32>
        %jit3A_633 = arith.constant 0 : i32
        %broadcast_in_dim3A_634 = vector.broadcast %jit3A_633 : i32 to vector<16xi32>
        %select_n3A_635 = arith.select %eq3A_632, %get3A_629, %broadcast_in_dim3A_634 : vector<16xi1>, vector<16xi32>
        %reduce_sum3A = arith.constant true
        %reduce_sum3A_636 = vector.broadcast %reduce_sum3A : i1 to vector<16xi1>
        %reduce_sum3A_637 = tpu.scan <sum>, %select_n3A_635 masked %reduce_sum3A_636 : vector<16xi32>, vector<16xi1> -> vector<16xi32>
        %reduce_sum3A_638 = vector.extract %reduce_sum3A_637[15] : i32 from vector<16xi32>
        %jit3A_639 = arith.constant 0 : i32
        %broadcast_in_dim3A_640 = vector.broadcast %jit3A_639 : i32 to vector<16xi32>
        %select_n3A_641 = arith.select %eq3A_632, %get3A_631, %broadcast_in_dim3A_640 : vector<16xi1>, vector<16xi32>
        %reduce_sum3A_642 = arith.constant true
        %reduce_sum3A_643 = vector.broadcast %reduce_sum3A_642 : i1 to vector<16xi1>
        %reduce_sum3A_644 = tpu.scan <sum>, %select_n3A_641 masked %reduce_sum3A_643 : vector<16xi32>, vector<16xi1> -> vector<16xi32>
        %reduce_sum3A_645 = vector.extract %reduce_sum3A_644[15] : i32 from vector<16xi32>
        %bitcast_convert_type3A = arith.bitcast %reduce_sum3A_638 : i32 to i32
        %scan3A_646 = arith.constant 0 : i32
        %scan3A_647 = arith.constant 19 : i32
        %scan3A_648 = arith.addi %scan3A_646, %scan3A_647 : i32
        %scan3A_649 = arith.constant 1 : i32
        %scan3A_650 = scf.for %scan3A_662 = %scan3A_646 to %scan3A_648 step %scan3A_649 iter_args(%scan3A_663 = %broadcast_in_dim3A_5) -> (vector<16xi32>)  : i32 {
          %mul3A_664 = arith.constant 16 : i32
          %mul3A_665 = arith.muli %scan3A_662, %mul3A_664 : i32
          %get3A_666 = arith.index_cast %mul3A_665 : i32 to index
          %get3A_667 = tpu.vector_load %arg13[%get3A_666] {strides = array<i32>} : memref<304xi32, #tpu.memory_space<vmem>>, vector<16xi32>,
          %bitcast_convert_type3A_668 = tpu.bitcast %get3A_667 : vector<16xi32> -> vector<16xi32>
          %mul3A_669 = arith.constant 16 : i32
          %mul3A_670 = arith.muli %scan3A_662, %mul3A_669 : i32
          %get3A_671 = arith.index_cast %mul3A_670 : i32 to index
          %get3A_672 = tpu.vector_load %arg14[%get3A_671] {strides = array<i32>} : memref<304xi32, #tpu.memory_space<vmem>>, vector<16xi32>,
          %gt3A = vector.broadcast %bitcast_convert_type3A : i32 to vector<16xi32>
          %gt3A_673 = arith.cmpi ugt, %bitcast_convert_type3A_668, %gt3A : vector<16xi32>
          %convert_element_type3A_674 = arith.extui %gt3A_673 : vector<16xi1> to vector<16xi32>
          %eq3A_675 = vector.broadcast %bitcast_convert_type3A : i32 to vector<16xi32>
          %eq3A_676 = arith.cmpi eq, %bitcast_convert_type3A_668, %eq3A_675 : vector<16xi32>
          %lt3A_677 = vector.broadcast %reduce_sum3A_645 : i32 to vector<16xi32>
          %lt3A_678 = arith.cmpi slt, %get3A_672, %lt3A_677 : vector<16xi32>
          %and3A_679 = arith.andi %eq3A_676, %lt3A_678 : vector<16xi1>
          %convert_element_type3A_680 = arith.extui %and3A_679 : vector<16xi1> to vector<16xi32>
          %add3A_681 = arith.addi %scan3A_663, %convert_element_type3A_674 : vector<16xi32>
          %add3A_682 = arith.addi %add3A_681, %convert_element_type3A_680 : vector<16xi32>
          scf.yield %add3A_682 : vector<16xi32>
        }
        %scan3A_651 = arith.constant 19 : i32
        %reduce_sum3A_652 = arith.constant true
        %reduce_sum3A_653 = vector.broadcast %reduce_sum3A_652 : i1 to vector<16xi1>
        %reduce_sum3A_654 = tpu.scan <sum>, %scan3A_650 masked %reduce_sum3A_653 : vector<16xi32>, vector<16xi1> -> vector<16xi32>
        %reduce_sum3A_655 = vector.extract %reduce_sum3A_654[15] : i32 from vector<16xi32>
        %broadcast_in_dim3A_656 = vector.broadcast %reduce_sum3A_655 : i32 to vector<16xi32>
        %broadcast_in_dim3A_657 = vector.broadcast %reduce_sum3A_645 : i32 to vector<16xi32>
        %eq3A_658 = arith.constant 0 : i32
        %eq3A_659 = vector.broadcast %eq3A_658 : i32 to vector<16xi32>
        %eq3A_660 = arith.cmpi eq, %iota3A, %eq3A_659 : vector<16xi32>
        tpu.vector_store_idx %arg15[%broadcast_in_dim3A_656], %broadcast_in_dim3A_657 masked %eq3A_660 : memref<304xi32, #tpu.memory_space<vmem>>[vector<16xi32>], vector<16xi32>, vector<16xi1>
        %scan3A_661 = arith.constant 0 : i32
        scf.yield %scan3A_661 : i32
      }
      %scan3A_360 = arith.constant 304 : i32
      %get3A_361 = arith.constant 288 : index
      %get3A_362 = tpu.vector_load %arg15[%get3A_361] {strides = array<i32>} : memref<304xi32, #tpu.memory_space<vmem>>, vector<16xi32>,
      %add3A_363 = arith.constant 288 : i32
      %add3A_364 = vector.broadcast %add3A_363 : i32 to vector<16xi32>
      %add3A_365 = arith.addi %add3A_364, %iota3A : vector<16xi32>
      %ge3A_366 = arith.constant 300 : i32
      %ge3A_367 = vector.broadcast %ge3A_366 : i32 to vector<16xi32>
      %ge3A_368 = arith.cmpi sge, %add3A_365, %ge3A_367 : vector<16xi32>
      %jit3A_369 = arith.constant 0 : i32
      %broadcast_in_dim3A_370 = vector.broadcast %jit3A_369 : i32 to vector<16xi32>
      %select_n3A_371 = arith.select %ge3A_368, %broadcast_in_dim3A_370, %get3A_362 : vector<16xi1>, vector<16xi32>
      %swap3A_372 = arith.constant 288 : index
      %swap3A_373 = tpu.vector_load %arg15[%swap3A_372] {strides = array<i32>} : memref<304xi32, #tpu.memory_space<vmem>>, vector<16xi32>,
      tpu.vector_store %arg15[%swap3A_372], %select_n3A_371 {strides = array<i32>} : memref<304xi32, #tpu.memory_space<vmem>>, vector<16xi32>,
      %get3A_374 = arith.constant 0 : index
      %get3A_375 = tpu.vector_load %arg15[%get3A_374] {strides = array<i32>} : memref<304xi32, #tpu.memory_space<vmem>>, vector<16xi32>,
      %mul3A_376 = arith.constant 8400 : i32
      %mul3A_377 = arith.muli %add3A, %mul3A_376 : i32
      %add3A_378 = vector.broadcast %mul3A_377 : i32 to vector<16xi32>
      %add3A_379 = arith.addi %get3A_375, %add3A_378 : vector<16xi32>
      %swap3A_380 = arith.constant 0 : index
      %swap3A_381 = tpu.vector_load %arg16[%swap3A_380] {strides = array<i32>} : memref<160xi32, #tpu.memory_space<vmem>>, vector<16xi32>,
      tpu.vector_store %arg16[%swap3A_380], %add3A_379 {strides = array<i32>} : memref<160xi32, #tpu.memory_space<vmem>>, vector<16xi32>,
      %swap3A_382 = arith.constant 0 : index
      %swap3A_383 = tpu.vector_load %arg18[%swap3A_382] {strides = array<i32>} : memref<160xi32, #tpu.memory_space<vmem>>, vector<16xi32>,
      tpu.vector_store %arg18[%swap3A_382], %get3A_375 {strides = array<i32>} : memref<160xi32, #tpu.memory_space<vmem>>, vector<16xi32>,
      %get3A_384 = arith.constant 16 : index
      %get3A_385 = tpu.vector_load %arg15[%get3A_384] {strides = array<i32>} : memref<304xi32, #tpu.memory_space<vmem>>, vector<16xi32>,
      %mul3A_386 = arith.constant 8400 : i32
      %mul3A_387 = arith.muli %add3A, %mul3A_386 : i32
      %add3A_388 = vector.broadcast %mul3A_387 : i32 to vector<16xi32>
      %add3A_389 = arith.addi %get3A_385, %add3A_388 : vector<16xi32>
      %swap3A_390 = arith.constant 16 : index
      %swap3A_391 = tpu.vector_load %arg16[%swap3A_390] {strides = array<i32>} : memref<160xi32, #tpu.memory_space<vmem>>, vector<16xi32>,
      tpu.vector_store %arg16[%swap3A_390], %add3A_389 {strides = array<i32>} : memref<160xi32, #tpu.memory_space<vmem>>, vector<16xi32>,
      %swap3A_392 = arith.constant 16 : index
      %swap3A_393 = tpu.vector_load %arg18[%swap3A_392] {strides = array<i32>} : memref<160xi32, #tpu.memory_space<vmem>>, vector<16xi32>,
      tpu.vector_store %arg18[%swap3A_392], %get3A_385 {strides = array<i32>} : memref<160xi32, #tpu.memory_space<vmem>>, vector<16xi32>,
      %get3A_394 = arith.constant 32 : index
      %get3A_395 = tpu.vector_load %arg15[%get3A_394] {strides = array<i32>} : memref<304xi32, #tpu.memory_space<vmem>>, vector<16xi32>,
      %mul3A_396 = arith.constant 8400 : i32
      %mul3A_397 = arith.muli %add3A, %mul3A_396 : i32
      %add3A_398 = vector.broadcast %mul3A_397 : i32 to vector<16xi32>
      %add3A_399 = arith.addi %get3A_395, %add3A_398 : vector<16xi32>
      %swap3A_400 = arith.constant 32 : index
      %swap3A_401 = tpu.vector_load %arg16[%swap3A_400] {strides = array<i32>} : memref<160xi32, #tpu.memory_space<vmem>>, vector<16xi32>,
      tpu.vector_store %arg16[%swap3A_400], %add3A_399 {strides = array<i32>} : memref<160xi32, #tpu.memory_space<vmem>>, vector<16xi32>,
      %swap3A_402 = arith.constant 32 : index
      %swap3A_403 = tpu.vector_load %arg18[%swap3A_402] {strides = array<i32>} : memref<160xi32, #tpu.memory_space<vmem>>, vector<16xi32>,
      tpu.vector_store %arg18[%swap3A_402], %get3A_395 {strides = array<i32>} : memref<160xi32, #tpu.memory_space<vmem>>, vector<16xi32>,
      %get3A_404 = arith.constant 48 : index
      %get3A_405 = tpu.vector_load %arg15[%get3A_404] {strides = array<i32>} : memref<304xi32, #tpu.memory_space<vmem>>, vector<16xi32>,
      %mul3A_406 = arith.constant 8400 : i32
      %mul3A_407 = arith.muli %add3A, %mul3A_406 : i32
      %add3A_408 = vector.broadcast %mul3A_407 : i32 to vector<16xi32>
      %add3A_409 = arith.addi %get3A_405, %add3A_408 : vector<16xi32>
      %swap3A_410 = arith.constant 48 : index
      %swap3A_411 = tpu.vector_load %arg16[%swap3A_410] {strides = array<i32>} : memref<160xi32, #tpu.memory_space<vmem>>, vector<16xi32>,
      tpu.vector_store %arg16[%swap3A_410], %add3A_409 {strides = array<i32>} : memref<160xi32, #tpu.memory_space<vmem>>, vector<16xi32>,
      %swap3A_412 = arith.constant 48 : index
      %swap3A_413 = tpu.vector_load %arg18[%swap3A_412] {strides = array<i32>} : memref<160xi32, #tpu.memory_space<vmem>>, vector<16xi32>,
      tpu.vector_store %arg18[%swap3A_412], %get3A_405 {strides = array<i32>} : memref<160xi32, #tpu.memory_space<vmem>>, vector<16xi32>,
      %get3A_414 = arith.constant 64 : index
      %get3A_415 = tpu.vector_load %arg15[%get3A_414] {strides = array<i32>} : memref<304xi32, #tpu.memory_space<vmem>>, vector<16xi32>,
      %mul3A_416 = arith.constant 8400 : i32
      %mul3A_417 = arith.muli %add3A, %mul3A_416 : i32
      %add3A_418 = vector.broadcast %mul3A_417 : i32 to vector<16xi32>
      %add3A_419 = arith.addi %get3A_415, %add3A_418 : vector<16xi32>
      %swap3A_420 = arith.constant 64 : index
      %swap3A_421 = tpu.vector_load %arg16[%swap3A_420] {strides = array<i32>} : memref<160xi32, #tpu.memory_space<vmem>>, vector<16xi32>,
      tpu.vector_store %arg16[%swap3A_420], %add3A_419 {strides = array<i32>} : memref<160xi32, #tpu.memory_space<vmem>>, vector<16xi32>,
      %swap3A_422 = arith.constant 64 : index
      %swap3A_423 = tpu.vector_load %arg18[%swap3A_422] {strides = array<i32>} : memref<160xi32, #tpu.memory_space<vmem>>, vector<16xi32>,
      tpu.vector_store %arg18[%swap3A_422], %get3A_415 {strides = array<i32>} : memref<160xi32, #tpu.memory_space<vmem>>, vector<16xi32>,
      %get3A_424 = arith.constant 80 : index
      %get3A_425 = tpu.vector_load %arg15[%get3A_424] {strides = array<i32>} : memref<304xi32, #tpu.memory_space<vmem>>, vector<16xi32>,
      %mul3A_426 = arith.constant 8400 : i32
      %mul3A_427 = arith.muli %add3A, %mul3A_426 : i32
      %add3A_428 = vector.broadcast %mul3A_427 : i32 to vector<16xi32>
      %add3A_429 = arith.addi %get3A_425, %add3A_428 : vector<16xi32>
      %swap3A_430 = arith.constant 80 : index
      %swap3A_431 = tpu.vector_load %arg16[%swap3A_430] {strides = array<i32>} : memref<160xi32, #tpu.memory_space<vmem>>, vector<16xi32>,
      tpu.vector_store %arg16[%swap3A_430], %add3A_429 {strides = array<i32>} : memref<160xi32, #tpu.memory_space<vmem>>, vector<16xi32>,
      %swap3A_432 = arith.constant 80 : index
      %swap3A_433 = tpu.vector_load %arg18[%swap3A_432] {strides = array<i32>} : memref<160xi32, #tpu.memory_space<vmem>>, vector<16xi32>,
      tpu.vector_store %arg18[%swap3A_432], %get3A_425 {strides = array<i32>} : memref<160xi32, #tpu.memory_space<vmem>>, vector<16xi32>,
      %get3A_434 = arith.constant 96 : index
      %get3A_435 = tpu.vector_load %arg15[%get3A_434] {strides = array<i32>} : memref<304xi32, #tpu.memory_space<vmem>>, vector<16xi32>,
      %mul3A_436 = arith.constant 8400 : i32
      %mul3A_437 = arith.muli %add3A, %mul3A_436 : i32
      %add3A_438 = vector.broadcast %mul3A_437 : i32 to vector<16xi32>
      %add3A_439 = arith.addi %get3A_435, %add3A_438 : vector<16xi32>
      %swap3A_440 = arith.constant 96 : index
      %swap3A_441 = tpu.vector_load %arg16[%swap3A_440] {strides = array<i32>} : memref<160xi32, #tpu.memory_space<vmem>>, vector<16xi32>,
      tpu.vector_store %arg16[%swap3A_440], %add3A_439 {strides = array<i32>} : memref<160xi32, #tpu.memory_space<vmem>>, vector<16xi32>,
      %swap3A_442 = arith.constant 96 : index
      %swap3A_443 = tpu.vector_load %arg18[%swap3A_442] {strides = array<i32>} : memref<160xi32, #tpu.memory_space<vmem>>, vector<16xi32>,
      tpu.vector_store %arg18[%swap3A_442], %get3A_435 {strides = array<i32>} : memref<160xi32, #tpu.memory_space<vmem>>, vector<16xi32>,
      %get3A_444 = arith.constant 112 : index
      %get3A_445 = tpu.vector_load %arg15[%get3A_444] {strides = array<i32>} : memref<304xi32, #tpu.memory_space<vmem>>, vector<16xi32>,
      %mul3A_446 = arith.constant 8400 : i32
      %mul3A_447 = arith.muli %add3A, %mul3A_446 : i32
      %add3A_448 = vector.broadcast %mul3A_447 : i32 to vector<16xi32>
      %add3A_449 = arith.addi %get3A_445, %add3A_448 : vector<16xi32>
      %swap3A_450 = arith.constant 112 : index
      %swap3A_451 = tpu.vector_load %arg16[%swap3A_450] {strides = array<i32>} : memref<160xi32, #tpu.memory_space<vmem>>, vector<16xi32>,
      tpu.vector_store %arg16[%swap3A_450], %add3A_449 {strides = array<i32>} : memref<160xi32, #tpu.memory_space<vmem>>, vector<16xi32>,
      %swap3A_452 = arith.constant 112 : index
      %swap3A_453 = tpu.vector_load %arg18[%swap3A_452] {strides = array<i32>} : memref<160xi32, #tpu.memory_space<vmem>>, vector<16xi32>,
      tpu.vector_store %arg18[%swap3A_452], %get3A_445 {strides = array<i32>} : memref<160xi32, #tpu.memory_space<vmem>>, vector<16xi32>,
      %get3A_454 = arith.constant 128 : index
      %get3A_455 = tpu.vector_load %arg15[%get3A_454] {strides = array<i32>} : memref<304xi32, #tpu.memory_space<vmem>>, vector<16xi32>,
      %mul3A_456 = arith.constant 8400 : i32
      %mul3A_457 = arith.muli %add3A, %mul3A_456 : i32
      %add3A_458 = vector.broadcast %mul3A_457 : i32 to vector<16xi32>
      %add3A_459 = arith.addi %get3A_455, %add3A_458 : vector<16xi32>
      %swap3A_460 = arith.constant 128 : index
      %swap3A_461 = tpu.vector_load %arg16[%swap3A_460] {strides = array<i32>} : memref<160xi32, #tpu.memory_space<vmem>>, vector<16xi32>,
      tpu.vector_store %arg16[%swap3A_460], %add3A_459 {strides = array<i32>} : memref<160xi32, #tpu.memory_space<vmem>>, vector<16xi32>,
      %swap3A_462 = arith.constant 128 : index
      %swap3A_463 = tpu.vector_load %arg18[%swap3A_462] {strides = array<i32>} : memref<160xi32, #tpu.memory_space<vmem>>, vector<16xi32>,
      tpu.vector_store %arg18[%swap3A_462], %get3A_455 {strides = array<i32>} : memref<160xi32, #tpu.memory_space<vmem>>, vector<16xi32>,
      %get3A_464 = arith.constant 144 : index
      %get3A_465 = tpu.vector_load %arg15[%get3A_464] {strides = array<i32>} : memref<304xi32, #tpu.memory_space<vmem>>, vector<16xi32>,
      %mul3A_466 = arith.constant 8400 : i32
      %mul3A_467 = arith.muli %add3A, %mul3A_466 : i32
      %add3A_468 = vector.broadcast %mul3A_467 : i32 to vector<16xi32>
      %add3A_469 = arith.addi %get3A_465, %add3A_468 : vector<16xi32>
      %swap3A_470 = arith.constant 144 : index
      %swap3A_471 = tpu.vector_load %arg16[%swap3A_470] {strides = array<i32>} : memref<160xi32, #tpu.memory_space<vmem>>, vector<16xi32>,
      tpu.vector_store %arg16[%swap3A_470], %add3A_469 {strides = array<i32>} : memref<160xi32, #tpu.memory_space<vmem>>, vector<16xi32>,
      %swap3A_472 = arith.constant 144 : index
      %swap3A_473 = tpu.vector_load %arg18[%swap3A_472] {strides = array<i32>} : memref<160xi32, #tpu.memory_space<vmem>>, vector<16xi32>,
      tpu.vector_store %arg18[%swap3A_472], %get3A_465 {strides = array<i32>} : memref<160xi32, #tpu.memory_space<vmem>>, vector<16xi32>,
      %get3A_474 = arith.constant 160 : index
      %get3A_475 = tpu.vector_load %arg15[%get3A_474] {strides = array<i32>} : memref<304xi32, #tpu.memory_space<vmem>>, vector<16xi32>,
      %mul3A_476 = arith.constant 8400 : i32
      %mul3A_477 = arith.muli %add3A, %mul3A_476 : i32
      %add3A_478 = vector.broadcast %mul3A_477 : i32 to vector<16xi32>
      %add3A_479 = arith.addi %get3A_475, %add3A_478 : vector<16xi32>
      %swap3A_480 = arith.constant 0 : index
      %swap3A_481 = tpu.vector_load %arg17[%swap3A_480] {strides = array<i32>} : memref<144xi32, #tpu.memory_space<vmem>>, vector<16xi32>,
      tpu.vector_store %arg17[%swap3A_480], %add3A_479 {strides = array<i32>} : memref<144xi32, #tpu.memory_space<vmem>>, vector<16xi32>,
      %swap3A_482 = arith.constant 0 : index
      %swap3A_483 = tpu.vector_load %arg19[%swap3A_482] {strides = array<i32>} : memref<144xi32, #tpu.memory_space<vmem>>, vector<16xi32>,
      tpu.vector_store %arg19[%swap3A_482], %get3A_475 {strides = array<i32>} : memref<144xi32, #tpu.memory_space<vmem>>, vector<16xi32>,
      %get3A_484 = arith.constant 176 : index
      %get3A_485 = tpu.vector_load %arg15[%get3A_484] {strides = array<i32>} : memref<304xi32, #tpu.memory_space<vmem>>, vector<16xi32>,
      %mul3A_486 = arith.constant 8400 : i32
      %mul3A_487 = arith.muli %add3A, %mul3A_486 : i32
      %add3A_488 = vector.broadcast %mul3A_487 : i32 to vector<16xi32>
      %add3A_489 = arith.addi %get3A_485, %add3A_488 : vector<16xi32>
      %swap3A_490 = arith.constant 16 : index
      %swap3A_491 = tpu.vector_load %arg17[%swap3A_490] {strides = array<i32>} : memref<144xi32, #tpu.memory_space<vmem>>, vector<16xi32>,
      tpu.vector_store %arg17[%swap3A_490], %add3A_489 {strides = array<i32>} : memref<144xi32, #tpu.memory_space<vmem>>, vector<16xi32>,
      %swap3A_492 = arith.constant 16 : index
      %swap3A_493 = tpu.vector_load %arg19[%swap3A_492] {strides = array<i32>} : memref<144xi32, #tpu.memory_space<vmem>>, vector<16xi32>,
      tpu.vector_store %arg19[%swap3A_492], %get3A_485 {strides = array<i32>} : memref<144xi32, #tpu.memory_space<vmem>>, vector<16xi32>,
      %get3A_494 = arith.constant 192 : index
      %get3A_495 = tpu.vector_load %arg15[%get3A_494] {strides = array<i32>} : memref<304xi32, #tpu.memory_space<vmem>>, vector<16xi32>,
      %mul3A_496 = arith.constant 8400 : i32
      %mul3A_497 = arith.muli %add3A, %mul3A_496 : i32
      %add3A_498 = vector.broadcast %mul3A_497 : i32 to vector<16xi32>
      %add3A_499 = arith.addi %get3A_495, %add3A_498 : vector<16xi32>
      %swap3A_500 = arith.constant 32 : index
      %swap3A_501 = tpu.vector_load %arg17[%swap3A_500] {strides = array<i32>} : memref<144xi32, #tpu.memory_space<vmem>>, vector<16xi32>,
      tpu.vector_store %arg17[%swap3A_500], %add3A_499 {strides = array<i32>} : memref<144xi32, #tpu.memory_space<vmem>>, vector<16xi32>,
      %swap3A_502 = arith.constant 32 : index
      %swap3A_503 = tpu.vector_load %arg19[%swap3A_502] {strides = array<i32>} : memref<144xi32, #tpu.memory_space<vmem>>, vector<16xi32>,
      tpu.vector_store %arg19[%swap3A_502], %get3A_495 {strides = array<i32>} : memref<144xi32, #tpu.memory_space<vmem>>, vector<16xi32>,
      %get3A_504 = arith.constant 208 : index
      %get3A_505 = tpu.vector_load %arg15[%get3A_504] {strides = array<i32>} : memref<304xi32, #tpu.memory_space<vmem>>, vector<16xi32>,
      %mul3A_506 = arith.constant 8400 : i32
      %mul3A_507 = arith.muli %add3A, %mul3A_506 : i32
      %add3A_508 = vector.broadcast %mul3A_507 : i32 to vector<16xi32>
      %add3A_509 = arith.addi %get3A_505, %add3A_508 : vector<16xi32>
      %swap3A_510 = arith.constant 48 : index
      %swap3A_511 = tpu.vector_load %arg17[%swap3A_510] {strides = array<i32>} : memref<144xi32, #tpu.memory_space<vmem>>, vector<16xi32>,
      tpu.vector_store %arg17[%swap3A_510], %add3A_509 {strides = array<i32>} : memref<144xi32, #tpu.memory_space<vmem>>, vector<16xi32>,
      %swap3A_512 = arith.constant 48 : index
      %swap3A_513 = tpu.vector_load %arg19[%swap3A_512] {strides = array<i32>} : memref<144xi32, #tpu.memory_space<vmem>>, vector<16xi32>,
      tpu.vector_store %arg19[%swap3A_512], %get3A_505 {strides = array<i32>} : memref<144xi32, #tpu.memory_space<vmem>>, vector<16xi32>,
      %get3A_514 = arith.constant 224 : index
      %get3A_515 = tpu.vector_load %arg15[%get3A_514] {strides = array<i32>} : memref<304xi32, #tpu.memory_space<vmem>>, vector<16xi32>,
      %mul3A_516 = arith.constant 8400 : i32
      %mul3A_517 = arith.muli %add3A, %mul3A_516 : i32
      %add3A_518 = vector.broadcast %mul3A_517 : i32 to vector<16xi32>
      %add3A_519 = arith.addi %get3A_515, %add3A_518 : vector<16xi32>
      %swap3A_520 = arith.constant 64 : index
      %swap3A_521 = tpu.vector_load %arg17[%swap3A_520] {strides = array<i32>} : memref<144xi32, #tpu.memory_space<vmem>>, vector<16xi32>,
      tpu.vector_store %arg17[%swap3A_520], %add3A_519 {strides = array<i32>} : memref<144xi32, #tpu.memory_space<vmem>>, vector<16xi32>,
      %swap3A_522 = arith.constant 64 : index
      %swap3A_523 = tpu.vector_load %arg19[%swap3A_522] {strides = array<i32>} : memref<144xi32, #tpu.memory_space<vmem>>, vector<16xi32>,
      tpu.vector_store %arg19[%swap3A_522], %get3A_515 {strides = array<i32>} : memref<144xi32, #tpu.memory_space<vmem>>, vector<16xi32>,
      %get3A_524 = arith.constant 240 : index
      %get3A_525 = tpu.vector_load %arg15[%get3A_524] {strides = array<i32>} : memref<304xi32, #tpu.memory_space<vmem>>, vector<16xi32>,
      %mul3A_526 = arith.constant 8400 : i32
      %mul3A_527 = arith.muli %add3A, %mul3A_526 : i32
      %add3A_528 = vector.broadcast %mul3A_527 : i32 to vector<16xi32>
      %add3A_529 = arith.addi %get3A_525, %add3A_528 : vector<16xi32>
      %swap3A_530 = arith.constant 80 : index
      %swap3A_531 = tpu.vector_load %arg17[%swap3A_530] {strides = array<i32>} : memref<144xi32, #tpu.memory_space<vmem>>, vector<16xi32>,
      tpu.vector_store %arg17[%swap3A_530], %add3A_529 {strides = array<i32>} : memref<144xi32, #tpu.memory_space<vmem>>, vector<16xi32>,
      %swap3A_532 = arith.constant 80 : index
      %swap3A_533 = tpu.vector_load %arg19[%swap3A_532] {strides = array<i32>} : memref<144xi32, #tpu.memory_space<vmem>>, vector<16xi32>,
      tpu.vector_store %arg19[%swap3A_532], %get3A_525 {strides = array<i32>} : memref<144xi32, #tpu.memory_space<vmem>>, vector<16xi32>,
      %get3A_534 = arith.constant 256 : index
      %get3A_535 = tpu.vector_load %arg15[%get3A_534] {strides = array<i32>} : memref<304xi32, #tpu.memory_space<vmem>>, vector<16xi32>,
      %mul3A_536 = arith.constant 8400 : i32
      %mul3A_537 = arith.muli %add3A, %mul3A_536 : i32
      %add3A_538 = vector.broadcast %mul3A_537 : i32 to vector<16xi32>
      %add3A_539 = arith.addi %get3A_535, %add3A_538 : vector<16xi32>
      %swap3A_540 = arith.constant 96 : index
      %swap3A_541 = tpu.vector_load %arg17[%swap3A_540] {strides = array<i32>} : memref<144xi32, #tpu.memory_space<vmem>>, vector<16xi32>,
      tpu.vector_store %arg17[%swap3A_540], %add3A_539 {strides = array<i32>} : memref<144xi32, #tpu.memory_space<vmem>>, vector<16xi32>,
      %swap3A_542 = arith.constant 96 : index
      %swap3A_543 = tpu.vector_load %arg19[%swap3A_542] {strides = array<i32>} : memref<144xi32, #tpu.memory_space<vmem>>, vector<16xi32>,
      tpu.vector_store %arg19[%swap3A_542], %get3A_535 {strides = array<i32>} : memref<144xi32, #tpu.memory_space<vmem>>, vector<16xi32>,
      %get3A_544 = arith.constant 272 : index
      %get3A_545 = tpu.vector_load %arg15[%get3A_544] {strides = array<i32>} : memref<304xi32, #tpu.memory_space<vmem>>, vector<16xi32>,
      %mul3A_546 = arith.constant 8400 : i32
      %mul3A_547 = arith.muli %add3A, %mul3A_546 : i32
      %add3A_548 = vector.broadcast %mul3A_547 : i32 to vector<16xi32>
      %add3A_549 = arith.addi %get3A_545, %add3A_548 : vector<16xi32>
      %swap3A_550 = arith.constant 112 : index
      %swap3A_551 = tpu.vector_load %arg17[%swap3A_550] {strides = array<i32>} : memref<144xi32, #tpu.memory_space<vmem>>, vector<16xi32>,
      tpu.vector_store %arg17[%swap3A_550], %add3A_549 {strides = array<i32>} : memref<144xi32, #tpu.memory_space<vmem>>, vector<16xi32>,
      %swap3A_552 = arith.constant 112 : index
      %swap3A_553 = tpu.vector_load %arg19[%swap3A_552] {strides = array<i32>} : memref<144xi32, #tpu.memory_space<vmem>>, vector<16xi32>,
      tpu.vector_store %arg19[%swap3A_552], %get3A_545 {strides = array<i32>} : memref<144xi32, #tpu.memory_space<vmem>>, vector<16xi32>,
      %get3A_554 = arith.constant 288 : index
      %get3A_555 = tpu.vector_load %arg15[%get3A_554] {strides = array<i32>} : memref<304xi32, #tpu.memory_space<vmem>>, vector<16xi32>,
      %mul3A_556 = arith.constant 8400 : i32
      %mul3A_557 = arith.muli %add3A, %mul3A_556 : i32
      %add3A_558 = vector.broadcast %mul3A_557 : i32 to vector<16xi32>
      %add3A_559 = arith.addi %get3A_555, %add3A_558 : vector<16xi32>
      %swap3A_560 = arith.constant 128 : index
      %swap3A_561 = tpu.vector_load %arg17[%swap3A_560] {strides = array<i32>} : memref<144xi32, #tpu.memory_space<vmem>>, vector<16xi32>,
      tpu.vector_store %arg17[%swap3A_560], %add3A_559 {strides = array<i32>} : memref<144xi32, #tpu.memory_space<vmem>>, vector<16xi32>,
      %swap3A_562 = arith.constant 128 : index
      %swap3A_563 = tpu.vector_load %arg19[%swap3A_562] {strides = array<i32>} : memref<144xi32, #tpu.memory_space<vmem>>, vector<16xi32>,
      tpu.vector_store %arg19[%swap3A_562], %get3A_555 {strides = array<i32>} : memref<144xi32, #tpu.memory_space<vmem>>, vector<16xi32>,
      %dma_start3A = arith.constant 0 : i32
      %dma_start3A_564 = arith.constant 0 : i32
      %dma_start3A_565 = tpu.memref_slice %arg3[%dma_start3A, %dma_start3A_564] : memref<134400x256xf32, #tpu.memory_space<hbm>> -> memref<134400x256xf32, #tpu.memory_space<hbm>>
      tpu.enqueue_indirect_dma source(%dma_start3A_565 : memref<134400x256xf32, #tpu.memory_space<hbm>>) target(%arg20 : memref<160x256xf32, #tpu.memory_space<vmem>>) offsets(%arg16 : memref<160xi32, #tpu.memory_space<vmem>>) semaphore(%arg22 : memref<!tpu.dma_semaphore, #tpu.memory_space<semaphore_mem>>)
      %dma_wait3A = arith.constant 0 : i32
      %dma_wait3A_566 = arith.constant 0 : i32
      %dma_wait3A_567 = tpu.memref_slice %arg3[%dma_wait3A, %dma_wait3A_566] : memref<134400x256xf32, #tpu.memory_space<hbm>> -> memref<134400x256xf32, #tpu.memory_space<hbm>>
      tpu.wait_indirect_dma semaphore(%arg22 : memref<!tpu.dma_semaphore, #tpu.memory_space<semaphore_mem>>) src(%dma_wait3A_567 : memref<134400x256xf32, #tpu.memory_space<hbm>>) dst(%arg20 : memref<160x256xf32, #tpu.memory_space<vmem>>)
      "tpu.region"() ({
        %run_scoped3A = tpu.sem_alloc : memref<!tpu.dma_semaphore, #tpu.memory_space<semaphore_mem>>
        %dma_start3A_598 = arith.constant 0 : i32
        %dma_start3A_599 = arith.constant 0 : i32
        %dma_start3A_600 = tpu.memref_slice %arg5[%add3A, %dma_start3A_598, %dma_start3A_599] : memref<16x304x256xf32, #tpu.memory_space<hbm>> -> memref<1x160x256xf32, #tpu.memory_space<hbm>>
        %dma_start3A_601 = tpu.memref_squeeze %dma_start3A_600 : memref<1x160x256xf32, #tpu.memory_space<hbm>> -> memref<160x256xf32, #tpu.memory_space<hbm>>
        %dma_start3A_602 = arith.constant 0 : i32
        %dma_start3A_603 = arith.constant 0 : i32
        %dma_start3A_604 = tpu.memref_slice %arg5[%add3A, %dma_start3A_602, %dma_start3A_603] : memref<16x304x256xf32, #tpu.memory_space<hbm>> -> memref<1x160x256xf32, #tpu.memory_space<hbm>>
        %dma_start3A_605 = tpu.memref_squeeze %dma_start3A_604 : memref<1x160x256xf32, #tpu.memory_space<hbm>> -> memref<160x256xf32, #tpu.memory_space<hbm>>
        tpu.enqueue_dma source(%arg20 : memref<160x256xf32, #tpu.memory_space<vmem>>) target(%dma_start3A_605 : memref<160x256xf32, #tpu.memory_space<hbm>>) target_semaphore(%run_scoped3A : memref<!tpu.dma_semaphore, #tpu.memory_space<semaphore_mem>>)
        %dma_wait3A_606 = arith.constant 0 : i32
        %dma_wait3A_607 = arith.constant 0 : i32
        %dma_wait3A_608 = tpu.memref_slice %arg5[%add3A, %dma_wait3A_606, %dma_wait3A_607] : memref<16x304x256xf32, #tpu.memory_space<hbm>> -> memref<1x160x256xf32, #tpu.memory_space<hbm>>
        %dma_wait3A_609 = tpu.memref_squeeze %dma_wait3A_608 : memref<1x160x256xf32, #tpu.memory_space<hbm>> -> memref<160x256xf32, #tpu.memory_space<hbm>>
        %dma_wait3A_610 = arith.constant 0 : i32
        %dma_wait3A_611 = arith.constant 0 : i32
        %dma_wait3A_612 = tpu.memref_slice %arg5[%add3A, %dma_wait3A_610, %dma_wait3A_611] : memref<16x304x256xf32, #tpu.memory_space<hbm>> -> memref<1x160x256xf32, #tpu.memory_space<hbm>>
        %dma_wait3A_613 = tpu.memref_squeeze %dma_wait3A_612 : memref<1x160x256xf32, #tpu.memory_space<hbm>> -> memref<160x256xf32, #tpu.memory_space<hbm>>
        tpu.wait_dma2 semaphore(%run_scoped3A : memref<!tpu.dma_semaphore, #tpu.memory_space<semaphore_mem>>) src(%arg20 : memref<160x256xf32, #tpu.memory_space<vmem>>) dst(%dma_wait3A_613 : memref<160x256xf32, #tpu.memory_space<hbm>>)
        tpu.yield
      }) : () -> ()
      %dma_start3A_568 = arith.constant 0 : i32
      %dma_start3A_569 = arith.constant 0 : i32
      %dma_start3A_570 = tpu.memref_slice %arg20[%dma_start3A_568, %dma_start3A_569] : memref<160x256xf32, #tpu.memory_space<vmem>> -> memref<144x256xf32, #tpu.memory_space<vmem>>
      %dma_start3A_571 = arith.constant 0 : i32
      %dma_start3A_572 = arith.constant 0 : i32
      %dma_start3A_573 = tpu.memref_slice %arg3[%dma_start3A_571, %dma_start3A_572] : memref<134400x256xf32, #tpu.memory_space<hbm>> -> memref<134400x256xf32, #tpu.memory_space<hbm>>
      tpu.enqueue_indirect_dma source(%dma_start3A_573 : memref<134400x256xf32, #tpu.memory_space<hbm>>) target(%dma_start3A_570 : memref<144x256xf32, #tpu.memory_space<vmem>>) offsets(%arg17 : memref<144xi32, #tpu.memory_space<vmem>>) semaphore(%arg22 : memref<!tpu.dma_semaphore, #tpu.memory_space<semaphore_mem>>)
      %dma_wait3A_574 = arith.constant 0 : i32
      %dma_wait3A_575 = arith.constant 0 : i32
      %dma_wait3A_576 = tpu.memref_slice %arg20[%dma_wait3A_574, %dma_wait3A_575] : memref<160x256xf32, #tpu.memory_space<vmem>> -> memref<144x256xf32, #tpu.memory_space<vmem>>
      %dma_wait3A_577 = arith.constant 0 : i32
      %dma_wait3A_578 = arith.constant 0 : i32
      %dma_wait3A_579 = tpu.memref_slice %arg3[%dma_wait3A_577, %dma_wait3A_578] : memref<134400x256xf32, #tpu.memory_space<hbm>> -> memref<134400x256xf32, #tpu.memory_space<hbm>>
      tpu.wait_indirect_dma semaphore(%arg22 : memref<!tpu.dma_semaphore, #tpu.memory_space<semaphore_mem>>) src(%dma_wait3A_579 : memref<134400x256xf32, #tpu.memory_space<hbm>>) dst(%dma_wait3A_576 : memref<144x256xf32, #tpu.memory_space<vmem>>)
      "tpu.region"() ({
        %run_scoped3A = tpu.sem_alloc : memref<!tpu.dma_semaphore, #tpu.memory_space<semaphore_mem>>
        %dma_start3A_598 = arith.constant 0 : i32
        %dma_start3A_599 = arith.constant 0 : i32
        %dma_start3A_600 = tpu.memref_slice %arg20[%dma_start3A_598, %dma_start3A_599] : memref<160x256xf32, #tpu.memory_space<vmem>> -> memref<144x256xf32, #tpu.memory_space<vmem>>
        %dma_start3A_601 = arith.constant 160 : i32
        %dma_start3A_602 = arith.constant 0 : i32
        %dma_start3A_603 = tpu.memref_slice %arg5[%add3A, %dma_start3A_601, %dma_start3A_602] : memref<16x304x256xf32, #tpu.memory_space<hbm>> -> memref<1x144x256xf32, #tpu.memory_space<hbm>>
        %dma_start3A_604 = tpu.memref_squeeze %dma_start3A_603 : memref<1x144x256xf32, #tpu.memory_space<hbm>> -> memref<144x256xf32, #tpu.memory_space<hbm>>
        %dma_start3A_605 = arith.constant 160 : i32
        %dma_start3A_606 = arith.constant 0 : i32
        %dma_start3A_607 = tpu.memref_slice %arg5[%add3A, %dma_start3A_605, %dma_start3A_606] : memref<16x304x256xf32, #tpu.memory_space<hbm>> -> memref<1x144x256xf32, #tpu.memory_space<hbm>>
        %dma_start3A_608 = tpu.memref_squeeze %dma_start3A_607 : memref<1x144x256xf32, #tpu.memory_space<hbm>> -> memref<144x256xf32, #tpu.memory_space<hbm>>
        %dma_start3A_609 = arith.constant 0 : i32
        %dma_start3A_610 = arith.constant 0 : i32
        %dma_start3A_611 = tpu.memref_slice %arg20[%dma_start3A_609, %dma_start3A_610] : memref<160x256xf32, #tpu.memory_space<vmem>> -> memref<144x256xf32, #tpu.memory_space<vmem>>
        tpu.enqueue_dma source(%dma_start3A_611 : memref<144x256xf32, #tpu.memory_space<vmem>>) target(%dma_start3A_608 : memref<144x256xf32, #tpu.memory_space<hbm>>) target_semaphore(%run_scoped3A : memref<!tpu.dma_semaphore, #tpu.memory_space<semaphore_mem>>)
        %dma_wait3A_612 = arith.constant 0 : i32
        %dma_wait3A_613 = arith.constant 0 : i32
        %dma_wait3A_614 = tpu.memref_slice %arg20[%dma_wait3A_612, %dma_wait3A_613] : memref<160x256xf32, #tpu.memory_space<vmem>> -> memref<144x256xf32, #tpu.memory_space<vmem>>
        %dma_wait3A_615 = arith.constant 160 : i32
        %dma_wait3A_616 = arith.constant 0 : i32
        %dma_wait3A_617 = tpu.memref_slice %arg5[%add3A, %dma_wait3A_615, %dma_wait3A_616] : memref<16x304x256xf32, #tpu.memory_space<hbm>> -> memref<1x144x256xf32, #tpu.memory_space<hbm>>
        %dma_wait3A_618 = tpu.memref_squeeze %dma_wait3A_617 : memref<1x144x256xf32, #tpu.memory_space<hbm>> -> memref<144x256xf32, #tpu.memory_space<hbm>>
        %dma_wait3A_619 = arith.constant 160 : i32
        %dma_wait3A_620 = arith.constant 0 : i32
        %dma_wait3A_621 = tpu.memref_slice %arg5[%add3A, %dma_wait3A_619, %dma_wait3A_620] : memref<16x304x256xf32, #tpu.memory_space<hbm>> -> memref<1x144x256xf32, #tpu.memory_space<hbm>>
        %dma_wait3A_622 = tpu.memref_squeeze %dma_wait3A_621 : memref<1x144x256xf32, #tpu.memory_space<hbm>> -> memref<144x256xf32, #tpu.memory_space<hbm>>
        %dma_wait3A_623 = arith.constant 0 : i32
        %dma_wait3A_624 = arith.constant 0 : i32
        %dma_wait3A_625 = tpu.memref_slice %arg20[%dma_wait3A_623, %dma_wait3A_624] : memref<160x256xf32, #tpu.memory_space<vmem>> -> memref<144x256xf32, #tpu.memory_space<vmem>>
        tpu.wait_dma2 semaphore(%run_scoped3A : memref<!tpu.dma_semaphore, #tpu.memory_space<semaphore_mem>>) src(%dma_wait3A_625 : memref<144x256xf32, #tpu.memory_space<vmem>>) dst(%dma_wait3A_622 : memref<144x256xf32, #tpu.memory_space<hbm>>)
        tpu.yield
      }) : () -> ()
      %dma_start3A_580 = arith.constant 0 : i32
      %dma_start3A_581 = arith.constant 0 : i32
      %dma_start3A_582 = tpu.memref_slice %arg4[%dma_start3A_580, %dma_start3A_581] : memref<8400x128xf32, #tpu.memory_space<hbm>> -> memref<8400x128xf32, #tpu.memory_space<hbm>>
      tpu.enqueue_indirect_dma source(%dma_start3A_582 : memref<8400x128xf32, #tpu.memory_space<hbm>>) target(%arg21 : memref<160x128xf32, #tpu.memory_space<vmem>>) offsets(%arg18 : memref<160xi32, #tpu.memory_space<vmem>>) semaphore(%arg22 : memref<!tpu.dma_semaphore, #tpu.memory_space<semaphore_mem>>)
      %dma_wait3A_583 = arith.constant 0 : i32
      %dma_wait3A_584 = arith.constant 0 : i32
      %dma_wait3A_585 = tpu.memref_slice %arg4[%dma_wait3A_583, %dma_wait3A_584] : memref<8400x128xf32, #tpu.memory_space<hbm>> -> memref<8400x128xf32, #tpu.memory_space<hbm>>
      tpu.wait_indirect_dma semaphore(%arg22 : memref<!tpu.dma_semaphore, #tpu.memory_space<semaphore_mem>>) src(%dma_wait3A_585 : memref<8400x128xf32, #tpu.memory_space<hbm>>) dst(%arg21 : memref<160x128xf32, #tpu.memory_space<vmem>>)
      "tpu.region"() ({
        %run_scoped3A = tpu.sem_alloc : memref<!tpu.dma_semaphore, #tpu.memory_space<semaphore_mem>>
        %dma_start3A_598 = arith.constant 0 : i32
        %dma_start3A_599 = arith.constant 0 : i32
        %dma_start3A_600 = tpu.memref_slice %arg6[%add3A, %dma_start3A_598, %dma_start3A_599] : memref<16x304x128xf32, #tpu.memory_space<hbm>> -> memref<1x160x128xf32, #tpu.memory_space<hbm>>
        %dma_start3A_601 = tpu.memref_squeeze %dma_start3A_600 : memref<1x160x128xf32, #tpu.memory_space<hbm>> -> memref<160x128xf32, #tpu.memory_space<hbm>>
        %dma_start3A_602 = arith.constant 0 : i32
        %dma_start3A_603 = arith.constant 0 : i32
        %dma_start3A_604 = tpu.memref_slice %arg6[%add3A, %dma_start3A_602, %dma_start3A_603] : memref<16x304x128xf32, #tpu.memory_space<hbm>> -> memref<1x160x128xf32, #tpu.memory_space<hbm>>
        %dma_start3A_605 = tpu.memref_squeeze %dma_start3A_604 : memref<1x160x128xf32, #tpu.memory_space<hbm>> -> memref<160x128xf32, #tpu.memory_space<hbm>>
        tpu.enqueue_dma source(%arg21 : memref<160x128xf32, #tpu.memory_space<vmem>>) target(%dma_start3A_605 : memref<160x128xf32, #tpu.memory_space<hbm>>) target_semaphore(%run_scoped3A : memref<!tpu.dma_semaphore, #tpu.memory_space<semaphore_mem>>)
        %dma_wait3A_606 = arith.constant 0 : i32
        %dma_wait3A_607 = arith.constant 0 : i32
        %dma_wait3A_608 = tpu.memref_slice %arg6[%add3A, %dma_wait3A_606, %dma_wait3A_607] : memref<16x304x128xf32, #tpu.memory_space<hbm>> -> memref<1x160x128xf32, #tpu.memory_space<hbm>>
        %dma_wait3A_609 = tpu.memref_squeeze %dma_wait3A_608 : memref<1x160x128xf32, #tpu.memory_space<hbm>> -> memref<160x128xf32, #tpu.memory_space<hbm>>
        %dma_wait3A_610 = arith.constant 0 : i32
        %dma_wait3A_611 = arith.constant 0 : i32
        %dma_wait3A_612 = tpu.memref_slice %arg6[%add3A, %dma_wait3A_610, %dma_wait3A_611] : memref<16x304x128xf32, #tpu.memory_space<hbm>> -> memref<1x160x128xf32, #tpu.memory_space<hbm>>
        %dma_wait3A_613 = tpu.memref_squeeze %dma_wait3A_612 : memref<1x160x128xf32, #tpu.memory_space<hbm>> -> memref<160x128xf32, #tpu.memory_space<hbm>>
        tpu.wait_dma2 semaphore(%run_scoped3A : memref<!tpu.dma_semaphore, #tpu.memory_space<semaphore_mem>>) src(%arg21 : memref<160x128xf32, #tpu.memory_space<vmem>>) dst(%dma_wait3A_613 : memref<160x128xf32, #tpu.memory_space<hbm>>)
        tpu.yield
      }) : () -> ()
      %dma_start3A_586 = arith.constant 0 : i32
      %dma_start3A_587 = arith.constant 0 : i32
      %dma_start3A_588 = tpu.memref_slice %arg21[%dma_start3A_586, %dma_start3A_587] : memref<160x128xf32, #tpu.memory_space<vmem>> -> memref<144x128xf32, #tpu.memory_space<vmem>>
      %dma_start3A_589 = arith.constant 0 : i32
      %dma_start3A_590 = arith.constant 0 : i32
      %dma_start3A_591 = tpu.memref_slice %arg4[%dma_start3A_589, %dma_start3A_590] : memref<8400x128xf32, #tpu.memory_space<hbm>> -> memref<8400x128xf32, #tpu.memory_space<hbm>>
      tpu.enqueue_indirect_dma source(%dma_start3A_591 : memref<8400x128xf32, #tpu.memory_space<hbm>>) target(%dma_start3A_588 : memref<144x128xf32, #tpu.memory_space<vmem>>) offsets(%arg19 : memref<144xi32, #tpu.memory_space<vmem>>) semaphore(%arg22 : memref<!tpu.dma_semaphore, #tpu.memory_space<semaphore_mem>>)
      %dma_wait3A_592 = arith.constant 0 : i32
      %dma_wait3A_593 = arith.constant 0 : i32
      %dma_wait3A_594 = tpu.memref_slice %arg21[%dma_wait3A_592, %dma_wait3A_593] : memref<160x128xf32, #tpu.memory_space<vmem>> -> memref<144x128xf32, #tpu.memory_space<vmem>>
      %dma_wait3A_595 = arith.constant 0 : i32
      %dma_wait3A_596 = arith.constant 0 : i32
      %dma_wait3A_597 = tpu.memref_slice %arg4[%dma_wait3A_595, %dma_wait3A_596] : memref<8400x128xf32, #tpu.memory_space<hbm>> -> memref<8400x128xf32, #tpu.memory_space<hbm>>
      tpu.wait_indirect_dma semaphore(%arg22 : memref<!tpu.dma_semaphore, #tpu.memory_space<semaphore_mem>>) src(%dma_wait3A_597 : memref<8400x128xf32, #tpu.memory_space<hbm>>) dst(%dma_wait3A_594 : memref<144x128xf32, #tpu.memory_space<vmem>>)
      "tpu.region"() ({
        %run_scoped3A = tpu.sem_alloc : memref<!tpu.dma_semaphore, #tpu.memory_space<semaphore_mem>>
        %dma_start3A_598 = arith.constant 0 : i32
        %dma_start3A_599 = arith.constant 0 : i32
        %dma_start3A_600 = tpu.memref_slice %arg21[%dma_start3A_598, %dma_start3A_599] : memref<160x128xf32, #tpu.memory_space<vmem>> -> memref<144x128xf32, #tpu.memory_space<vmem>>
        %dma_start3A_601 = arith.constant 160 : i32
        %dma_start3A_602 = arith.constant 0 : i32
        %dma_start3A_603 = tpu.memref_slice %arg6[%add3A, %dma_start3A_601, %dma_start3A_602] : memref<16x304x128xf32, #tpu.memory_space<hbm>> -> memref<1x144x128xf32, #tpu.memory_space<hbm>>
        %dma_start3A_604 = tpu.memref_squeeze %dma_start3A_603 : memref<1x144x128xf32, #tpu.memory_space<hbm>> -> memref<144x128xf32, #tpu.memory_space<hbm>>
        %dma_start3A_605 = arith.constant 160 : i32
        %dma_start3A_606 = arith.constant 0 : i32
        %dma_start3A_607 = tpu.memref_slice %arg6[%add3A, %dma_start3A_605, %dma_start3A_606] : memref<16x304x128xf32, #tpu.memory_space<hbm>> -> memref<1x144x128xf32, #tpu.memory_space<hbm>>
        %dma_start3A_608 = tpu.memref_squeeze %dma_start3A_607 : memref<1x144x128xf32, #tpu.memory_space<hbm>> -> memref<144x128xf32, #tpu.memory_space<hbm>>
        %dma_start3A_609 = arith.constant 0 : i32
        %dma_start3A_610 = arith.constant 0 : i32
        %dma_start3A_611 = tpu.memref_slice %arg21[%dma_start3A_609, %dma_start3A_610] : memref<160x128xf32, #tpu.memory_space<vmem>> -> memref<144x128xf32, #tpu.memory_space<vmem>>
        tpu.enqueue_dma source(%dma_start3A_611 : memref<144x128xf32, #tpu.memory_space<vmem>>) target(%dma_start3A_608 : memref<144x128xf32, #tpu.memory_space<hbm>>) target_semaphore(%run_scoped3A : memref<!tpu.dma_semaphore, #tpu.memory_space<semaphore_mem>>)
        %dma_wait3A_612 = arith.constant 0 : i32
        %dma_wait3A_613 = arith.constant 0 : i32
        %dma_wait3A_614 = tpu.memref_slice %arg21[%dma_wait3A_612, %dma_wait3A_613] : memref<160x128xf32, #tpu.memory_space<vmem>> -> memref<144x128xf32, #tpu.memory_space<vmem>>
        %dma_wait3A_615 = arith.constant 160 : i32
        %dma_wait3A_616 = arith.constant 0 : i32
        %dma_wait3A_617 = tpu.memref_slice %arg6[%add3A, %dma_wait3A_615, %dma_wait3A_616] : memref<16x304x128xf32, #tpu.memory_space<hbm>> -> memref<1x144x128xf32, #tpu.memory_space<hbm>>
        %dma_wait3A_618 = tpu.memref_squeeze %dma_wait3A_617 : memref<1x144x128xf32, #tpu.memory_space<hbm>> -> memref<144x128xf32, #tpu.memory_space<hbm>>
        %dma_wait3A_619 = arith.constant 160 : i32
        %dma_wait3A_620 = arith.constant 0 : i32
        %dma_wait3A_621 = tpu.memref_slice %arg6[%add3A, %dma_wait3A_619, %dma_wait3A_620] : memref<16x304x128xf32, #tpu.memory_space<hbm>> -> memref<1x144x128xf32, #tpu.memory_space<hbm>>
        %dma_wait3A_622 = tpu.memref_squeeze %dma_wait3A_621 : memref<1x144x128xf32, #tpu.memory_space<hbm>> -> memref<144x128xf32, #tpu.memory_space<hbm>>
        %dma_wait3A_623 = arith.constant 0 : i32
        %dma_wait3A_624 = arith.constant 0 : i32
        %dma_wait3A_625 = tpu.memref_slice %arg21[%dma_wait3A_623, %dma_wait3A_624] : memref<160x128xf32, #tpu.memory_space<vmem>> -> memref<144x128xf32, #tpu.memory_space<vmem>>
        tpu.wait_dma2 semaphore(%run_scoped3A : memref<!tpu.dma_semaphore, #tpu.memory_space<semaphore_mem>>) src(%dma_wait3A_625 : memref<144x128xf32, #tpu.memory_space<vmem>>) dst(%dma_wait3A_622 : memref<144x128xf32, #tpu.memory_space<hbm>>)
        tpu.yield
      }) : () -> ()
    } else {
    }
    return
  }
}

module attributes {stable_mosaic.version = 14 : i64} {
  func.func @_stage1_body(%arg0: i32, %arg1: i32, %arg2: memref<1x1680x256xf32, #tpu.memory_space<vmem>>, %arg3: memref<1680x1xf32, #tpu.memory_space<vmem>>, %arg4: memref<256x256xf32, #tpu.memory_space<vmem>>, %arg5: memref<1x256xf32, #tpu.memory_space<vmem>>, %arg6: memref<1x256xf32, #tpu.memory_space<vmem>>, %arg7: memref<1x256xf32, #tpu.memory_space<vmem>>, %arg8: memref<256x80xf32, #tpu.memory_space<vmem>>, %arg9: memref<1x80xf32, #tpu.memory_space<vmem>>, %arg10: memref<1x1680x256xf32, #tpu.memory_space<vmem>>, %arg11: memref<1x1x1680xf32, #tpu.memory_space<vmem>>) attributes {dimension_semantics = [#tpu.dimension_semantics<arbitrary>, #tpu.dimension_semantics<arbitrary>], iteration_bounds = array<i64: 16, 5>, scalar_prefetch = 0 : i64, scratch_operands = 0 : i64, tpu.core_type = #tpu.core_type<tc>, window_params = [{transform_indices = @transform_0, window_bounds = array<i64: 1, 1680, 256>}, {transform_indices = @transform_1, window_bounds = array<i64: 1680, 1>}, {pipeline_mode = #tpu.pipeline_mode<synchronous>, transform_indices = @transform_2, window_bounds = array<i64: 256, 256>}, {pipeline_mode = #tpu.pipeline_mode<synchronous>, transform_indices = @transform_3, window_bounds = array<i64: 1, 256>}, {pipeline_mode = #tpu.pipeline_mode<synchronous>, transform_indices = @transform_4, window_bounds = array<i64: 1, 256>}, {pipeline_mode = #tpu.pipeline_mode<synchronous>, transform_indices = @transform_5, window_bounds = array<i64: 1, 256>}, {pipeline_mode = #tpu.pipeline_mode<synchronous>, transform_indices = @transform_6, window_bounds = array<i64: 256, 80>}, {pipeline_mode = #tpu.pipeline_mode<synchronous>, transform_indices = @transform_7, window_bounds = array<i64: 1, 80>}, {transform_indices = @transform_8, window_bounds = array<i64: 1, 1680, 256>}, {transform_indices = @transform_9, window_bounds = array<i64: 1, 1, 1680>}]} {
    %get3A = arith.constant 0 : index
    %get3A_0 = arith.constant 0 : index
    %get3A_1 = arith.constant 0 : index
    %get3A_2 = vector.load %arg2[%get3A, %get3A_0, %get3A_1] : memref<1x1680x256xf32, #tpu.memory_space<vmem>>, vector<1x1680x256xf32>
    %get3A_3 = vector.shape_cast %get3A_2 : vector<1x1680x256xf32> to vector<1680x256xf32>
    %get3A_4 = arith.constant 0 : index
    %get3A_5 = arith.constant 0 : index
    %get3A_6 = vector.load %arg3[%get3A_4, %get3A_5] : memref<1680x1xf32, #tpu.memory_space<vmem>>, vector<1680x1xf32>
    %mul3A = vector.broadcast %get3A_6 : vector<1680x1xf32> to vector<1680x256xf32>
    %mul3A_7 = arith.mulf %get3A_3, %mul3A : vector<1680x256xf32>
    %swap3A = arith.constant 0 : index
    %swap3A_8 = arith.constant 0 : index
    %swap3A_9 = arith.constant 0 : index
    %swap3A_10 = vector.load %arg10[%swap3A, %swap3A_8, %swap3A_9] : memref<1x1680x256xf32, #tpu.memory_space<vmem>>, vector<1x1680x256xf32>
    %swap3A_11 = vector.shape_cast %swap3A_10 : vector<1x1680x256xf32> to vector<1680x256xf32>
    %swap3A_12 = vector.shape_cast %mul3A_7 : vector<1680x256xf32> to vector<1x1680x256xf32>
    tpu.vector_store %arg10[%swap3A, %swap3A_8, %swap3A_9], %swap3A_12 {strides = array<i32>} : memref<1x1680x256xf32, #tpu.memory_space<vmem>>, vector<1x1680x256xf32>,
    %get3A_13 = arith.constant 0 : index
    %get3A_14 = arith.constant 0 : index
    %get3A_15 = vector.load %arg4[%get3A_13, %get3A_14] : memref<256x256xf32, #tpu.memory_space<vmem>>, vector<256x256xf32>
    %dot_general3A = arith.constant dense<0.000000e+00> : vector<1680x256xf32>
    %dot_general3A_16 = tpu.matmul %mul3A_7, %get3A_15, %dot_general3A {dimension_numbers = #tpu.dot_dimension_numbers<[1], [0], [0], [1], [0, 0, 1, 1], [], []>, transpose_lhs_hint = false} : vector<1680x256xf32>, vector<256x256xf32>, vector<1680x256xf32> -> vector<1680x256xf32>
    %get3A_17 = arith.constant 0 : index
    %get3A_18 = arith.constant 0 : index
    %get3A_19 = vector.load %arg5[%get3A_17, %get3A_18] : memref<1x256xf32, #tpu.memory_space<vmem>>, vector<1x256xf32>
    %add3A = vector.broadcast %get3A_19 : vector<1x256xf32> to vector<1680x256xf32>
    %add3A_20 = arith.addf %dot_general3A_16, %add3A : vector<1680x256xf32>
    %get3A_21 = arith.constant 0 : index
    %get3A_22 = arith.constant 0 : index
    %get3A_23 = vector.load %arg6[%get3A_21, %get3A_22] : memref<1x256xf32, #tpu.memory_space<vmem>>, vector<1x256xf32>
    %get3A_24 = arith.constant 0 : index
    %get3A_25 = arith.constant 0 : index
    %get3A_26 = vector.load %arg7[%get3A_24, %get3A_25] : memref<1x256xf32, #tpu.memory_space<vmem>>, vector<1x256xf32>
    %reduce_sum3A = arith.constant dense<0.000000e+00> : vector<1680xf32>
    %reduce_sum3A_27 = vector.multi_reduction <add>, %add3A_20, %reduce_sum3A [1] : vector<1680x256xf32> to vector<1680xf32>
    %broadcast_in_dim3A = vector.shape_cast %reduce_sum3A_27 : vector<1680xf32> to vector<1680x1xf32>
    %div3A = arith.constant 2.560000e+02 : f32
    %div3A_28 = vector.broadcast %div3A : f32 to vector<1680x1xf32>
    %div3A_29 = arith.divf %broadcast_in_dim3A, %div3A_28 : vector<1680x1xf32>
    %sub3A = vector.broadcast %div3A_29 : vector<1680x1xf32> to vector<1680x256xf32>
    %sub3A_30 = arith.subf %add3A_20, %sub3A : vector<1680x256xf32>
    %mul3A_31 = arith.mulf %sub3A_30, %sub3A_30 : vector<1680x256xf32>
    %reduce_sum3A_32 = arith.constant dense<0.000000e+00> : vector<1680xf32>
    %reduce_sum3A_33 = vector.multi_reduction <add>, %mul3A_31, %reduce_sum3A_32 [1] : vector<1680x256xf32> to vector<1680xf32>
    %broadcast_in_dim3A_34 = vector.shape_cast %reduce_sum3A_33 : vector<1680xf32> to vector<1680x1xf32>
    %div3A_35 = arith.constant 2.560000e+02 : f32
    %div3A_36 = vector.broadcast %div3A_35 : f32 to vector<1680x1xf32>
    %div3A_37 = arith.divf %broadcast_in_dim3A_34, %div3A_36 : vector<1680x1xf32>
    %add3A_38 = arith.constant 9.99999974E-6 : f32
    %add3A_39 = vector.broadcast %add3A_38 : f32 to vector<1680x1xf32>
    %add3A_40 = arith.addf %div3A_37, %add3A_39 : vector<1680x1xf32>
    %sqrt3A = math.sqrt %add3A_40 : vector<1680x1xf32>
    %div3A_41 = vector.broadcast %sqrt3A : vector<1680x1xf32> to vector<1680x256xf32>
    %div3A_42 = arith.divf %sub3A_30, %div3A_41 : vector<1680x256xf32>
    %mul3A_43 = vector.broadcast %get3A_23 : vector<1x256xf32> to vector<1680x256xf32>
    %mul3A_44 = arith.mulf %div3A_42, %mul3A_43 : vector<1680x256xf32>
    %add3A_45 = vector.broadcast %get3A_26 : vector<1x256xf32> to vector<1680x256xf32>
    %add3A_46 = arith.addf %mul3A_44, %add3A_45 : vector<1680x256xf32>
    %get3A_47 = arith.constant 0 : index
    %get3A_48 = arith.constant 0 : index
    %get3A_49 = vector.load %arg8[%get3A_47, %get3A_48] : memref<256x80xf32, #tpu.memory_space<vmem>>, vector<256x80xf32>
    %dot_general3A_50 = arith.constant dense<0.000000e+00> : vector<1680x80xf32>
    %dot_general3A_51 = tpu.matmul %add3A_46, %get3A_49, %dot_general3A_50 {dimension_numbers = #tpu.dot_dimension_numbers<[1], [0], [0], [1], [0, 0, 1, 1], [], []>, transpose_lhs_hint = false} : vector<1680x256xf32>, vector<256x80xf32>, vector<1680x80xf32> -> vector<1680x80xf32>
    %get3A_52 = arith.constant 0 : index
    %get3A_53 = arith.constant 0 : index
    %get3A_54 = vector.load %arg9[%get3A_52, %get3A_53] : memref<1x80xf32, #tpu.memory_space<vmem>>, vector<1x80xf32>
    %add3A_55 = vector.broadcast %get3A_54 : vector<1x80xf32> to vector<1680x80xf32>
    %add3A_56 = arith.addf %dot_general3A_51, %add3A_55 : vector<1680x80xf32>
    %reduce_max3A = arith.constant dense<0xFF800000> : vector<1680xf32>
    %reduce_max3A_57 = vector.multi_reduction <maximumf>, %add3A_56, %reduce_max3A [1] : vector<1680x80xf32> to vector<1680xf32>
    %swap3A_58 = arith.constant 0 : index
    %swap3A_59 = arith.constant 0 : index
    %swap3A_60 = arith.constant 0 : index
    %swap3A_61 = vector.load %arg11[%swap3A_58, %swap3A_59, %swap3A_60] : memref<1x1x1680xf32, #tpu.memory_space<vmem>>, vector<1x1x1680xf32>
    %swap3A_62 = vector.shape_cast %swap3A_61 : vector<1x1x1680xf32> to vector<1680xf32>
    %swap3A_63 = vector.shape_cast %reduce_max3A_57 : vector<1680xf32> to vector<1x1x1680xf32>
    tpu.vector_store %arg11[%swap3A_58, %swap3A_59, %swap3A_60], %swap3A_63 {strides = array<i32>} : memref<1x1x1680xf32, #tpu.memory_space<vmem>>, vector<1x1x1680xf32>,
    return
  }
  func.func @transform_0(%arg0: i32, %arg1: i32) -> (i32, i32, i32) {
    %c0_i32 = arith.constant 0 : i32
    %c0_i32_0 = arith.constant 0 : i32
    return %arg0, %arg1, %c0_i32 : i32, i32, i32
  }
  func.func @transform_1(%arg0: i32, %arg1: i32) -> (i32, i32) {
    %c0_i32 = arith.constant 0 : i32
    %c0_i32_0 = arith.constant 0 : i32
    return %arg1, %c0_i32 : i32, i32
  }
  func.func @transform_2(%arg0: i32, %arg1: i32) -> (i32, i32) {
    %c0_i32 = arith.constant 0 : i32
    %c0_i32_0 = arith.constant 0 : i32
    %c0_i32_1 = arith.constant 0 : i32
    return %c0_i32, %c0_i32_0 : i32, i32
  }
  func.func @transform_3(%arg0: i32, %arg1: i32) -> (i32, i32) {
    %c0_i32 = arith.constant 0 : i32
    %c0_i32_0 = arith.constant 0 : i32
    %c0_i32_1 = arith.constant 0 : i32
    return %c0_i32, %c0_i32_0 : i32, i32
  }
  func.func @transform_4(%arg0: i32, %arg1: i32) -> (i32, i32) {
    %c0_i32 = arith.constant 0 : i32
    %c0_i32_0 = arith.constant 0 : i32
    %c0_i32_1 = arith.constant 0 : i32
    return %c0_i32, %c0_i32_0 : i32, i32
  }
  func.func @transform_5(%arg0: i32, %arg1: i32) -> (i32, i32) {
    %c0_i32 = arith.constant 0 : i32
    %c0_i32_0 = arith.constant 0 : i32
    %c0_i32_1 = arith.constant 0 : i32
    return %c0_i32, %c0_i32_0 : i32, i32
  }
  func.func @transform_6(%arg0: i32, %arg1: i32) -> (i32, i32) {
    %c0_i32 = arith.constant 0 : i32
    %c0_i32_0 = arith.constant 0 : i32
    %c0_i32_1 = arith.constant 0 : i32
    return %c0_i32, %c0_i32_0 : i32, i32
  }
  func.func @transform_7(%arg0: i32, %arg1: i32) -> (i32, i32) {
    %c0_i32 = arith.constant 0 : i32
    %c0_i32_0 = arith.constant 0 : i32
    %c0_i32_1 = arith.constant 0 : i32
    return %c0_i32, %c0_i32_0 : i32, i32
  }
  func.func @transform_8(%arg0: i32, %arg1: i32) -> (i32, i32, i32) {
    %c0_i32 = arith.constant 0 : i32
    %c0_i32_0 = arith.constant 0 : i32
    return %arg0, %arg1, %c0_i32 : i32, i32, i32
  }
  func.func @transform_9(%arg0: i32, %arg1: i32) -> (i32, i32, i32) {
    %mul3A = arith.constant 5 : i32
    %mul3A_0 = arith.muli %arg0, %mul3A : i32
    %add3A = arith.addi %mul3A_0, %arg1 : i32
    %c0_i32 = arith.constant 0 : i32
    %c0_i32_1 = arith.constant 0 : i32
    %c0_i32_2 = arith.constant 0 : i32
    return %add3A, %c0_i32, %c0_i32_1 : i32, i32, i32
  }
}

module attributes {stable_mosaic.version = 14 : i64} {
  func.func @_stage4_body(%arg0: i32, %arg1: memref<1200x256xf32, #tpu.memory_space<vmem>>, %arg2: memref<1200x4xf32, #tpu.memory_space<vmem>>, %arg3: memref<256x256xf32, #tpu.memory_space<vmem>>, %arg4: memref<1x256xf32, #tpu.memory_space<vmem>>, %arg5: memref<1x256xf32, #tpu.memory_space<vmem>>, %arg6: memref<1x256xf32, #tpu.memory_space<vmem>>, %arg7: memref<256x80xf32, #tpu.memory_space<vmem>>, %arg8: memref<1x80xf32, #tpu.memory_space<vmem>>, %arg9: memref<256x256xf32, #tpu.memory_space<vmem>>, %arg10: memref<1x256xf32, #tpu.memory_space<vmem>>, %arg11: memref<256x256xf32, #tpu.memory_space<vmem>>, %arg12: memref<1x256xf32, #tpu.memory_space<vmem>>, %arg13: memref<256x4xf32, #tpu.memory_space<vmem>>, %arg14: memref<1x4xf32, #tpu.memory_space<vmem>>, %arg15: memref<1200x256xf32, #tpu.memory_space<vmem>>, %arg16: memref<1200x80xf32, #tpu.memory_space<vmem>>, %arg17: memref<1200x4xf32, #tpu.memory_space<vmem>>, %arg18: memref<1200x4xf32, #tpu.memory_space<vmem>>) attributes {dimension_semantics = [#tpu.dimension_semantics<arbitrary>], iteration_bounds = array<i64: 4>, scalar_prefetch = 0 : i64, scratch_operands = 0 : i64, tpu.core_type = #tpu.core_type<tc>, window_params = [{transform_indices = @transform_0, window_bounds = array<i64: 1200, 256>}, {transform_indices = @transform_1, window_bounds = array<i64: 1200, 4>}, {pipeline_mode = #tpu.pipeline_mode<synchronous>, transform_indices = @transform_2, window_bounds = array<i64: 256, 256>}, {pipeline_mode = #tpu.pipeline_mode<synchronous>, transform_indices = @transform_3, window_bounds = array<i64: 1, 256>}, {pipeline_mode = #tpu.pipeline_mode<synchronous>, transform_indices = @transform_4, window_bounds = array<i64: 1, 256>}, {pipeline_mode = #tpu.pipeline_mode<synchronous>, transform_indices = @transform_5, window_bounds = array<i64: 1, 256>}, {pipeline_mode = #tpu.pipeline_mode<synchronous>, transform_indices = @transform_6, window_bounds = array<i64: 256, 80>}, {pipeline_mode = #tpu.pipeline_mode<synchronous>, transform_indices = @transform_7, window_bounds = array<i64: 1, 80>}, {pipeline_mode = #tpu.pipeline_mode<synchronous>, transform_indices = @transform_8, window_bounds = array<i64: 256, 256>}, {pipeline_mode = #tpu.pipeline_mode<synchronous>, transform_indices = @transform_9, window_bounds = array<i64: 1, 256>}, {pipeline_mode = #tpu.pipeline_mode<synchronous>, transform_indices = @transform_10, window_bounds = array<i64: 256, 256>}, {pipeline_mode = #tpu.pipeline_mode<synchronous>, transform_indices = @transform_11, window_bounds = array<i64: 1, 256>}, {pipeline_mode = #tpu.pipeline_mode<synchronous>, transform_indices = @transform_12, window_bounds = array<i64: 256, 4>}, {pipeline_mode = #tpu.pipeline_mode<synchronous>, transform_indices = @transform_13, window_bounds = array<i64: 1, 4>}, {transform_indices = @transform_14, window_bounds = array<i64: 1200, 256>}, {transform_indices = @transform_15, window_bounds = array<i64: 1200, 80>}, {transform_indices = @transform_16, window_bounds = array<i64: 1200, 4>}, {transform_indices = @transform_17, window_bounds = array<i64: 1200, 4>}]} {
    %get3A = arith.constant 0 : index
    %get3A_0 = arith.constant 0 : index
    %get3A_1 = vector.load %arg1[%get3A, %get3A_0] : memref<1200x256xf32, #tpu.memory_space<vmem>>, vector<1200x256xf32>
    %get3A_2 = arith.constant 0 : index
    %get3A_3 = arith.constant 0 : index
    %get3A_4 = vector.load %arg3[%get3A_2, %get3A_3] : memref<256x256xf32, #tpu.memory_space<vmem>>, vector<256x256xf32>
    %dot_general3A = arith.constant dense<0.000000e+00> : vector<1200x256xf32>
    %dot_general3A_5 = tpu.matmul %get3A_1, %get3A_4, %dot_general3A {dimension_numbers = #tpu.dot_dimension_numbers<[1], [0], [0], [1], [0, 0, 1, 1], [], []>, transpose_lhs_hint = false} : vector<1200x256xf32>, vector<256x256xf32>, vector<1200x256xf32> -> vector<1200x256xf32>
    %get3A_6 = arith.constant 0 : index
    %get3A_7 = arith.constant 0 : index
    %get3A_8 = vector.load %arg4[%get3A_6, %get3A_7] : memref<1x256xf32, #tpu.memory_space<vmem>>, vector<1x256xf32>
    %add3A = vector.broadcast %get3A_8 : vector<1x256xf32> to vector<1200x256xf32>
    %add3A_9 = arith.addf %dot_general3A_5, %add3A : vector<1200x256xf32>
    %get3A_10 = arith.constant 0 : index
    %get3A_11 = arith.constant 0 : index
    %get3A_12 = vector.load %arg5[%get3A_10, %get3A_11] : memref<1x256xf32, #tpu.memory_space<vmem>>, vector<1x256xf32>
    %get3A_13 = arith.constant 0 : index
    %get3A_14 = arith.constant 0 : index
    %get3A_15 = vector.load %arg6[%get3A_13, %get3A_14] : memref<1x256xf32, #tpu.memory_space<vmem>>, vector<1x256xf32>
    %reduce_sum3A = arith.constant dense<0.000000e+00> : vector<1200xf32>
    %reduce_sum3A_16 = vector.multi_reduction <add>, %add3A_9, %reduce_sum3A [1] : vector<1200x256xf32> to vector<1200xf32>
    %broadcast_in_dim3A = vector.shape_cast %reduce_sum3A_16 : vector<1200xf32> to vector<1200x1xf32>
    %div3A = arith.constant 2.560000e+02 : f32
    %div3A_17 = vector.broadcast %div3A : f32 to vector<1200x1xf32>
    %div3A_18 = arith.divf %broadcast_in_dim3A, %div3A_17 : vector<1200x1xf32>
    %sub3A = vector.broadcast %div3A_18 : vector<1200x1xf32> to vector<1200x256xf32>
    %sub3A_19 = arith.subf %add3A_9, %sub3A : vector<1200x256xf32>
    %mul3A = arith.mulf %sub3A_19, %sub3A_19 : vector<1200x256xf32>
    %reduce_sum3A_20 = arith.constant dense<0.000000e+00> : vector<1200xf32>
    %reduce_sum3A_21 = vector.multi_reduction <add>, %mul3A, %reduce_sum3A_20 [1] : vector<1200x256xf32> to vector<1200xf32>
    %broadcast_in_dim3A_22 = vector.shape_cast %reduce_sum3A_21 : vector<1200xf32> to vector<1200x1xf32>
    %div3A_23 = arith.constant 2.560000e+02 : f32
    %div3A_24 = vector.broadcast %div3A_23 : f32 to vector<1200x1xf32>
    %div3A_25 = arith.divf %broadcast_in_dim3A_22, %div3A_24 : vector<1200x1xf32>
    %add3A_26 = arith.constant 9.99999974E-6 : f32
    %add3A_27 = vector.broadcast %add3A_26 : f32 to vector<1200x1xf32>
    %add3A_28 = arith.addf %div3A_25, %add3A_27 : vector<1200x1xf32>
    %sqrt3A = math.sqrt %add3A_28 : vector<1200x1xf32>
    %div3A_29 = vector.broadcast %sqrt3A : vector<1200x1xf32> to vector<1200x256xf32>
    %div3A_30 = arith.divf %sub3A_19, %div3A_29 : vector<1200x256xf32>
    %mul3A_31 = vector.broadcast %get3A_12 : vector<1x256xf32> to vector<1200x256xf32>
    %mul3A_32 = arith.mulf %div3A_30, %mul3A_31 : vector<1200x256xf32>
    %add3A_33 = vector.broadcast %get3A_15 : vector<1x256xf32> to vector<1200x256xf32>
    %add3A_34 = arith.addf %mul3A_32, %add3A_33 : vector<1200x256xf32>
    %swap3A = arith.constant 0 : index
    %swap3A_35 = arith.constant 0 : index
    %swap3A_36 = vector.load %arg15[%swap3A, %swap3A_35] : memref<1200x256xf32, #tpu.memory_space<vmem>>, vector<1200x256xf32>
    tpu.vector_store %arg15[%swap3A, %swap3A_35], %add3A_34 {strides = array<i32>} : memref<1200x256xf32, #tpu.memory_space<vmem>>, vector<1200x256xf32>,
    %get3A_37 = arith.constant 0 : index
    %get3A_38 = arith.constant 0 : index
    %get3A_39 = vector.load %arg7[%get3A_37, %get3A_38] : memref<256x80xf32, #tpu.memory_space<vmem>>, vector<256x80xf32>
    %dot_general3A_40 = arith.constant dense<0.000000e+00> : vector<1200x80xf32>
    %dot_general3A_41 = tpu.matmul %add3A_34, %get3A_39, %dot_general3A_40 {dimension_numbers = #tpu.dot_dimension_numbers<[1], [0], [0], [1], [0, 0, 1, 1], [], []>, transpose_lhs_hint = false} : vector<1200x256xf32>, vector<256x80xf32>, vector<1200x80xf32> -> vector<1200x80xf32>
    %get3A_42 = arith.constant 0 : index
    %get3A_43 = arith.constant 0 : index
    %get3A_44 = vector.load %arg8[%get3A_42, %get3A_43] : memref<1x80xf32, #tpu.memory_space<vmem>>, vector<1x80xf32>
    %add3A_45 = vector.broadcast %get3A_44 : vector<1x80xf32> to vector<1200x80xf32>
    %add3A_46 = arith.addf %dot_general3A_41, %add3A_45 : vector<1200x80xf32>
    %swap3A_47 = arith.constant 0 : index
    %swap3A_48 = arith.constant 0 : index
    %swap3A_49 = vector.load %arg16[%swap3A_47, %swap3A_48] : memref<1200x80xf32, #tpu.memory_space<vmem>>, vector<1200x80xf32>
    tpu.vector_store %arg16[%swap3A_47, %swap3A_48], %add3A_46 {strides = array<i32>} : memref<1200x80xf32, #tpu.memory_space<vmem>>, vector<1200x80xf32>,
    %get3A_50 = arith.constant 0 : index
    %get3A_51 = arith.constant 0 : index
    %get3A_52 = vector.load %arg9[%get3A_50, %get3A_51] : memref<256x256xf32, #tpu.memory_space<vmem>>, vector<256x256xf32>
    %dot_general3A_53 = arith.constant dense<0.000000e+00> : vector<1200x256xf32>
    %dot_general3A_54 = tpu.matmul %add3A_34, %get3A_52, %dot_general3A_53 {dimension_numbers = #tpu.dot_dimension_numbers<[1], [0], [0], [1], [0, 0, 1, 1], [], []>, transpose_lhs_hint = false} : vector<1200x256xf32>, vector<256x256xf32>, vector<1200x256xf32> -> vector<1200x256xf32>
    %get3A_55 = arith.constant 0 : index
    %get3A_56 = arith.constant 0 : index
    %get3A_57 = vector.load %arg10[%get3A_55, %get3A_56] : memref<1x256xf32, #tpu.memory_space<vmem>>, vector<1x256xf32>
    %add3A_58 = vector.broadcast %get3A_57 : vector<1x256xf32> to vector<1200x256xf32>
    %add3A_59 = arith.addf %dot_general3A_54, %add3A_58 : vector<1200x256xf32>
    %max3A = arith.constant 0.000000e+00 : f32
    %max3A_60 = vector.broadcast %max3A : f32 to vector<1200x256xf32>
    %max3A_61 = arith.maximumf %add3A_59, %max3A_60 : vector<1200x256xf32>
    %get3A_62 = arith.constant 0 : index
    %get3A_63 = arith.constant 0 : index
    %get3A_64 = vector.load %arg11[%get3A_62, %get3A_63] : memref<256x256xf32, #tpu.memory_space<vmem>>, vector<256x256xf32>
    %dot_general3A_65 = arith.constant dense<0.000000e+00> : vector<1200x256xf32>
    %dot_general3A_66 = tpu.matmul %max3A_61, %get3A_64, %dot_general3A_65 {dimension_numbers = #tpu.dot_dimension_numbers<[1], [0], [0], [1], [0, 0, 1, 1], [], []>, transpose_lhs_hint = false} : vector<1200x256xf32>, vector<256x256xf32>, vector<1200x256xf32> -> vector<1200x256xf32>
    %get3A_67 = arith.constant 0 : index
    %get3A_68 = arith.constant 0 : index
    %get3A_69 = vector.load %arg12[%get3A_67, %get3A_68] : memref<1x256xf32, #tpu.memory_space<vmem>>, vector<1x256xf32>
    %add3A_70 = vector.broadcast %get3A_69 : vector<1x256xf32> to vector<1200x256xf32>
    %add3A_71 = arith.addf %dot_general3A_66, %add3A_70 : vector<1200x256xf32>
    %max3A_72 = arith.constant 0.000000e+00 : f32
    %max3A_73 = vector.broadcast %max3A_72 : f32 to vector<1200x256xf32>
    %max3A_74 = arith.maximumf %add3A_71, %max3A_73 : vector<1200x256xf32>
    %get3A_75 = arith.constant 0 : index
    %get3A_76 = arith.constant 0 : index
    %get3A_77 = vector.load %arg13[%get3A_75, %get3A_76] : memref<256x4xf32, #tpu.memory_space<vmem>>, vector<256x4xf32>
    %dot_general3A_78 = arith.constant dense<0.000000e+00> : vector<1200x4xf32>
    %dot_general3A_79 = tpu.matmul %max3A_74, %get3A_77, %dot_general3A_78 {dimension_numbers = #tpu.dot_dimension_numbers<[1], [0], [0], [1], [0, 0, 1, 1], [], []>, transpose_lhs_hint = false} : vector<1200x256xf32>, vector<256x4xf32>, vector<1200x4xf32> -> vector<1200x4xf32>
    %get3A_80 = arith.constant 0 : index
    %get3A_81 = arith.constant 0 : index
    %get3A_82 = vector.load %arg14[%get3A_80, %get3A_81] : memref<1x4xf32, #tpu.memory_space<vmem>>, vector<1x4xf32>
    %add3A_83 = vector.broadcast %get3A_82 : vector<1x4xf32> to vector<1200x4xf32>
    %add3A_84 = arith.addf %dot_general3A_79, %add3A_83 : vector<1200x4xf32>
    %get3A_85 = arith.constant 0 : index
    %get3A_86 = arith.constant 0 : index
    %get3A_87 = vector.load %arg2[%get3A_85, %get3A_86] : memref<1200x4xf32, #tpu.memory_space<vmem>>, vector<1200x4xf32>
    %add3A_88 = arith.addf %add3A_84, %get3A_87 : vector<1200x4xf32>
    %swap3A_89 = arith.constant 0 : index
    %swap3A_90 = arith.constant 0 : index
    %swap3A_91 = vector.load %arg17[%swap3A_89, %swap3A_90] : memref<1200x4xf32, #tpu.memory_space<vmem>>, vector<1200x4xf32>
    tpu.vector_store %arg17[%swap3A_89, %swap3A_90], %add3A_88 {strides = array<i32>} : memref<1200x4xf32, #tpu.memory_space<vmem>>, vector<1200x4xf32>,
    %logistic3A = arith.negf %add3A_88 : vector<1200x4xf32>
    %logistic3A_92 = math.exp %logistic3A : vector<1200x4xf32>
    %logistic3A_93 = arith.constant 1.000000e+00 : f32
    %logistic3A_94 = vector.broadcast %logistic3A_93 : f32 to vector<1200x4xf32>
    %logistic3A_95 = arith.addf %logistic3A_94, %logistic3A_92 : vector<1200x4xf32>
    %logistic3A_96 = arith.divf %logistic3A_94, %logistic3A_95 : vector<1200x4xf32>
    %swap3A_97 = arith.constant 0 : index
    %swap3A_98 = arith.constant 0 : index
    %swap3A_99 = vector.load %arg18[%swap3A_97, %swap3A_98] : memref<1200x4xf32, #tpu.memory_space<vmem>>, vector<1200x4xf32>
    tpu.vector_store %arg18[%swap3A_97, %swap3A_98], %logistic3A_96 {strides = array<i32>} : memref<1200x4xf32, #tpu.memory_space<vmem>>, vector<1200x4xf32>,
    return
  }
  func.func @transform_0(%arg0: i32) -> (i32, i32) {
    %c0_i32 = arith.constant 0 : i32
    %c0_i32_0 = arith.constant 0 : i32
    return %arg0, %c0_i32 : i32, i32
  }
  func.func @transform_1(%arg0: i32) -> (i32, i32) {
    %c0_i32 = arith.constant 0 : i32
    %c0_i32_0 = arith.constant 0 : i32
    return %arg0, %c0_i32 : i32, i32
  }
  func.func @transform_2(%arg0: i32) -> (i32, i32) {
    %c0_i32 = arith.constant 0 : i32
    %c0_i32_0 = arith.constant 0 : i32
    %c0_i32_1 = arith.constant 0 : i32
    return %c0_i32, %c0_i32_0 : i32, i32
  }
  func.func @transform_3(%arg0: i32) -> (i32, i32) {
    %c0_i32 = arith.constant 0 : i32
    %c0_i32_0 = arith.constant 0 : i32
    %c0_i32_1 = arith.constant 0 : i32
    return %c0_i32, %c0_i32_0 : i32, i32
  }
  func.func @transform_4(%arg0: i32) -> (i32, i32) {
    %c0_i32 = arith.constant 0 : i32
    %c0_i32_0 = arith.constant 0 : i32
    %c0_i32_1 = arith.constant 0 : i32
    return %c0_i32, %c0_i32_0 : i32, i32
  }
  func.func @transform_5(%arg0: i32) -> (i32, i32) {
    %c0_i32 = arith.constant 0 : i32
    %c0_i32_0 = arith.constant 0 : i32
    %c0_i32_1 = arith.constant 0 : i32
    return %c0_i32, %c0_i32_0 : i32, i32
  }
  func.func @transform_6(%arg0: i32) -> (i32, i32) {
    %c0_i32 = arith.constant 0 : i32
    %c0_i32_0 = arith.constant 0 : i32
    %c0_i32_1 = arith.constant 0 : i32
    return %c0_i32, %c0_i32_0 : i32, i32
  }
  func.func @transform_7(%arg0: i32) -> (i32, i32) {
    %c0_i32 = arith.constant 0 : i32
    %c0_i32_0 = arith.constant 0 : i32
    %c0_i32_1 = arith.constant 0 : i32
    return %c0_i32, %c0_i32_0 : i32, i32
  }
  func.func @transform_8(%arg0: i32) -> (i32, i32) {
    %c0_i32 = arith.constant 0 : i32
    %c0_i32_0 = arith.constant 0 : i32
    %c0_i32_1 = arith.constant 0 : i32
    return %c0_i32, %c0_i32_0 : i32, i32
  }
  func.func @transform_9(%arg0: i32) -> (i32, i32) {
    %c0_i32 = arith.constant 0 : i32
    %c0_i32_0 = arith.constant 0 : i32
    %c0_i32_1 = arith.constant 0 : i32
    return %c0_i32, %c0_i32_0 : i32, i32
  }
  func.func @transform_10(%arg0: i32) -> (i32, i32) {
    %c0_i32 = arith.constant 0 : i32
    %c0_i32_0 = arith.constant 0 : i32
    %c0_i32_1 = arith.constant 0 : i32
    return %c0_i32, %c0_i32_0 : i32, i32
  }
  func.func @transform_11(%arg0: i32) -> (i32, i32) {
    %c0_i32 = arith.constant 0 : i32
    %c0_i32_0 = arith.constant 0 : i32
    %c0_i32_1 = arith.constant 0 : i32
    return %c0_i32, %c0_i32_0 : i32, i32
  }
  func.func @transform_12(%arg0: i32) -> (i32, i32) {
    %c0_i32 = arith.constant 0 : i32
    %c0_i32_0 = arith.constant 0 : i32
    %c0_i32_1 = arith.constant 0 : i32
    return %c0_i32, %c0_i32_0 : i32, i32
  }
  func.func @transform_13(%arg0: i32) -> (i32, i32) {
    %c0_i32 = arith.constant 0 : i32
    %c0_i32_0 = arith.constant 0 : i32
    %c0_i32_1 = arith.constant 0 : i32
    return %c0_i32, %c0_i32_0 : i32, i32
  }
  func.func @transform_14(%arg0: i32) -> (i32, i32) {
    %c0_i32 = arith.constant 0 : i32
    %c0_i32_0 = arith.constant 0 : i32
    return %arg0, %c0_i32 : i32, i32
  }
  func.func @transform_15(%arg0: i32) -> (i32, i32) {
    %c0_i32 = arith.constant 0 : i32
    %c0_i32_0 = arith.constant 0 : i32
    return %arg0, %c0_i32 : i32, i32
  }
  func.func @transform_16(%arg0: i32) -> (i32, i32) {
    %c0_i32 = arith.constant 0 : i32
    %c0_i32_0 = arith.constant 0 : i32
    return %arg0, %c0_i32 : i32, i32
  }
  func.func @transform_17(%arg0: i32) -> (i32, i32) {
    %c0_i32 = arith.constant 0 : i32
    %c0_i32_0 = arith.constant 0 : i32
    return %arg0, %c0_i32 : i32, i32
  }
}

</mosaic_0001>

<sc_bundles>
// kernel: kernel.5.cloned.1.call-start
scs
__scs_entry_jumppad:
0x0: {  	(pc) =	sbr.rel $0x88, $3  }
0x1: {  	(tag) =	ssettag $0x0;
	lr =	simm.s32 $0x1  }
0x2: {  	[smem:$0x3F93] =	sst lr;
	_ =	strace $0xD0000000  }
0x3: {  	_ = 	snop  }
0x4: {  	_ = 	snop  }
0x5: {  	_ = 	snop  }
0x6: {  	_ = 	snop  }
0x7: {  	_ = 	snop  }
__scs_overlays_trampoline_lowered:
0x8: {  	[smem:$0x3FA2] =	sst s0  }
0x9: {  	[smem:$0x3FA3] =	sst s1  }
0xa: {  	[smem:$0x3FA4] =	sst s2  }
0xb: {  	[smem:$0x3FA5] =	sst s3  }
0xc: {  	[smem:$0x3FA6] =	sst s4  }
0xd: {  	[smem:$0x3FA7] =	sst s5  }
0xe: {  	[smem:$0x3FA8] =	sst s6  }
0xf: {  	[smem:$0x3FA9] =	sst s7  }
0x10: {  	[smem:$0x3FAA] =	sst s8  }
0x11: {  	[smem:$0x3FAB] =	sst s9;
	s0 =	simm.s32 @!p0 $0x0  }
0x12: {  	s1 =	sld [smem:$0x3F91];
	s0 =	simm.s32 @p0 $0x1  }
0x13: {  	[smem:$0x3FAC] =	sst s0;
	s0 =	simm.s32 @!p1 $0x0  }
0x14: {  	s2 =	sld [smem:$0x3F90];
	s0 =	simm.s32 @p1 $0x1  }
0x15: {  	[smem:$0x3FAD] =	sst s0;
	s0 =	simm.s32 @!p2 $0x0  }
0x16: {  	s3 =	sld [smem:$0x3FDB];
	s0 =	simm.s32 @p2 $0x1  }
0x17: {  	s4 =	simm.s32 $0x1BF5;
	[smem:$0x3FAF] =	sst s0  }
0x18: {  	s0 =	sld [smem:$0x3F92];
	_ =	swait.ge [sflag:s4], $0x0  }
0x19: {  	s7 =	sld [smem:$0x3F93]  }
0x1a: {  	s8 =	sadd.s32 $0xFFFFE003, lr  }
0x1b: {  	s9 =	sadd.s32 $0xFFFFFEF7, lr;
	s5 =	simm.s32 $0xFFFFFFFF;
	p2 =	slt.u32 s8, $0xFFFFF086  }
0x1c: {  	p1 =	slt.u32 s9, $0xF7A;
	s5 =	simm.s32 @!p2 $0x0  }
0x1d: {  	s5 =	simm.s32 @p1 $0x1;
	p0 =	seq.s32 s7, s2  }
0x1e: {  	s7 =	smul.u32 @!p0 $0xF7A, s2;
	p2 =	seq.s32 @!p0 s5, $0x0  }
0x1f: {  	s9 =	smul.u32 $0xF7A, s1;
	s8 =	simm.s32 @!p0 $0x1BF5;
	p2 =	por !p2, p0  }
0x20: {  	[sflag:s8] =	ssyncset.s32 @!p0 $0xFFFFF086;
	s6 =	sadd.s32 @!p0 s3, s7;
	s7 =	simm.s32 @!p0 $0x108  }
0x21: {  	s3 =	sadd.s32 s3, s9;
	s6 =	sadd.s32 @!p0 $0x88, s6;
	s7 =	simm.s32 @p2 $0x1082  }
0x22: {  	[simem:s7], [sflag:s8] =	dma.local @!p0 [hbm:s6], $0xF7A  }
0x23: {  	s9 =	sor.u32 $0xD0000000, s2;
	s6 =	simm.s32 $0x108;
	_ =	swait.ge @!p0 [sflag:s8], $0x0  }
0x24: {  	s3 =	sadd.s32 $0x88, s3;
	s6 =	simm.s32 @!p1 $0x1082;
	[sflag:s4] =	ssyncset.s32 $0xFFFFF086  }
0x25: {  	[simem:s6], [sflag:s4] =	dma.local [hbm:s3], $0xF7A  }
0x26: {  	[smem:$0x3F93] =	sst s1;
	(tag) =	ssettag s2;
	_ =	strace s9  }
0x27: {  	s1 =	sld [smem:$0x3FA3]  }
0x28: {  	s2 =	sld [smem:$0x3FA4]  }
0x29: {  	s4 =	sld [smem:$0x3FA6]  }
0x2a: {  	p0 =	seq.s32 s5, $0x0;
	s5 =	sld [smem:$0x3FA7]  }
0x2b: {  	s6 =	sld [smem:$0x3FA8]  }
0x2c: {  	s7 =	sld [smem:$0x3FA9]  }
0x2d: {  	s3 =	simm.s32 $0x108;
	s8 =	sld [smem:$0x3FAA]  }
0x2e: {  	s3 =	simm.s32 @!p0 $0x1082;
	s9 =	sld [smem:$0x3FAB]  }
0x2f: {  	lr =	sadd.s32 s0, s3;
	s0 =	sld [smem:$0x3FA2]  }
0x30: {  	s3 =	sld [smem:$0x3FA5]  }
0x31: {  	[smem:$0x3FAE] =	sst s10  }
0x32: {  	s10 =	sld [smem:$0x3FAC];
	_ =	sdelay $0x3  }
0x33: {  	p0 =	seq.s32 s10, $0x1;
	s10 =	sld [smem:$0x3FAE];
	_ =	sdelay $0x3  }
0x34: {  	[smem:$0x3FAE] =	sst s10  }
0x35: {  	s10 =	sld [smem:$0x3FAD];
	_ =	sdelay $0x3  }
0x36: {  	p1 =	seq.s32 s10, $0x1;
	s10 =	sld [smem:$0x3FAE];
	_ =	sdelay $0x3  }
0x37: {  	[smem:$0x3FAE] =	sst s10  }
0x38: {  	s10 =	sld [smem:$0x3FAF]  }
0x39: {  	_ = 	snop;
	(pc) =	sbr.ind lr, $3  }
0x3a: {  	_ = 	snop  }
0x3b: {  	_ = 	snop  }
0x3c: {  	p2 =	seq.s32 s10, $0x1;
	s10 =	sld [smem:$0x3FAE]  }
0x3d: {  	_ =	shalt  }
0x3e: {  	_ =	shalt  }
0x3f: {  	_ =	shalt  }
0x40: {  	_ =	shalt  }
0x41: {  	_ =	shalt  }
0x42: {  	_ =	shalt  }
0x43: {  	_ =	shalt  }
0x44: {  	_ =	shalt  }
0x45: {  	_ =	shalt  }
0x46: {  	_ =	shalt  }
0x47: {  	_ =	shalt  }
0x48: {  	_ =	shalt  }
0x49: {  	_ =	shalt  }
0x4a: {  	_ =	shalt  }
0x4b: {  	_ =	shalt  }
0x4c: {  	_ =	shalt  }
0x4d: {  	_ =	shalt  }
0x4e: {  	_ =	shalt  }
0x4f: {  	_ =	shalt  }
0x50: {  	_ =	shalt  }
0x51: {  	_ =	shalt  }
0x52: {  	_ =	shalt  }
0x53: {  	_ =	shalt  }
0x54: {  	_ =	shalt  }
0x55: {  	_ =	shalt  }
0x56: {  	_ =	shalt  }
0x57: {  	_ =	shalt  }
0x58: {  	_ =	shalt  }
0x59: {  	_ =	shalt  }
0x5a: {  	_ =	shalt  }
0x5b: {  	_ =	shalt  }
0x5c: {  	_ =	shalt  }
0x5d: {  	_ =	shalt  }
0x5e: {  	_ =	shalt  }
0x5f: {  	_ =	shalt  }
0x60: {  	_ =	shalt  }
0x61: {  	_ =	shalt  }
0x62: {  	_ =	shalt  }
0x63: {  	_ =	shalt  }
0x64: {  	_ =	shalt  }
0x65: {  	_ =	shalt  }
0x66: {  	_ =	shalt  }
0x67: {  	_ =	shalt  }
0x68: {  	_ =	shalt  }
0x69: {  	_ =	shalt  }
0x6a: {  	_ =	shalt  }
0x6b: {  	_ =	shalt  }
0x6c: {  	_ =	shalt  }
0x6d: {  	_ =	shalt  }
0x6e: {  	_ =	shalt  }
0x6f: {  	_ =	shalt  }
0x70: {  	_ =	shalt  }
0x71: {  	_ =	shalt  }
0x72: {  	_ =	shalt  }
0x73: {  	_ =	shalt  }
0x74: {  	_ =	shalt  }
0x75: {  	_ =	shalt  }
0x76: {  	_ =	shalt  }
0x77: {  	_ =	shalt  }
0x78: {  	_ =	shalt  }
0x79: {  	_ =	shalt  }
0x7a: {  	_ =	shalt  }
0x7b: {  	_ =	shalt  }
0x7c: {  	_ =	shalt  }
0x7d: {  	_ =	shalt  }
0x7e: {  	_ =	shalt  }
0x7f: {  	_ =	shalt  }
0x80: {  	_ =	shalt  }
0x81: {  	_ =	shalt  }
0x82: {  	_ =	shalt  }
0x83: {  	_ =	shalt  }
0x84: {  	_ =	shalt  }
0x85: {  	_ =	shalt  }
0x86: {  	_ =	shalt  }
0x87: {  	_ =	shalt  }
.Lfunc_end0:
.L_simem_size_0:
called_computation_lowered:
.L_overlay_start_0:
0x88: {  	s2 =	sld [smem:$0x3FD9]  }
0x89: {  	s3 =	sld [smem:$0x3FFE];
	_ =	sdelay $0x1  }
0x8a: {  	s1 =	srdreg.scid  }
0x8b: {  	s0 =	sand.u32 $0x1, s1  }
0x8c: {  	s14 =	sshll.u32 s0, $0xA;
	s2 =	sadd.s32 s3, s2  }
0x8d: {  	s2 =	sadd.s32 s2, s14  }
0x8e: {  	[smem:$0x3FBA] =	sst s2  }
0x8f: {  	_ = 	snop  }
0x90: {  	s2 =	sld [smem:$0x3FD0];
	_ =	sdelay $0x2  }
0x91: {  	s15 =	simm.s32 $0xA;
	s4 =	simm.s32 $0x10  }
0x92: {  	[smem:s4], [sflag:s15] =	dma.local [hbm:s2], $0x1  }
0x93: {  	_ =	swait.eq [sflag:s15], $0x1  }
0x94: {  	s16 =	sld [smem:$0x10];
	[sflag:s15] =	ssyncset.done $0x0  }
0x95: {  	s17 =	sld [smem:$0x13];
	[sflag:s15] =	ssyncadd.s32 $0xFFFFFFFF  }
0x96: {  	s18 =	sld [smem:$0x14];
	(tm) =	ssettm $0x1  }
0x97: {  	s5 =	sld [smem:$0x3FFB];
	_ =	sdelay $0x3  }
0x98: {  	_ =	strace s5  }
0x99: {  	s5 =	sld [smem:$0x3FFC];
	_ =	sdelay $0x3  }
0x9a: {  	_ =	strace s5  }
0x9b: {  	s5 =	sld [smem:$0x3FFD];
	_ =	sdelay $0x3  }
0x9c: {  	_ =	strace s5  }
0x9d: {  	_ =	strace $0x8FFFFFFF  }
0x9e: {  	s19 =	sld [smem:$0x3FDB];
	_ =	sdelay $0x1  }
0x9f: {  	s6 =	simm.s32 $_scs_section_size  }
0xa0: {  	s7 =	simm.s32 $_size__tile_overlayer_lowered;
	s8 =	simm.s32 $_tile_overlayer_lowered  }
0xa1: {  	s22 =	simm.s32 $0x1BFF;
	s21 =	sshll.u32 s8, $0x1;
	s5 =	sadd.s32 s6, s19  }
0xa2: {  	s9 =	simm.s32 $0x0;
	s20 =	sshll.u32 s7, $0x1;
	s7 =	sadd.s32 s21, s5  }
0xa3: {  	[timem:s9], [sflag:s22] =	dma.local [hbm:s7], s20  }
0xa4: {  	_ =	swait.ge [sflag:s22], s20  }
0xa5: {  	s6 =	ssub.s32 $0x0, s20;
	[sflag:s22] =	ssyncset.done $0x0  }
0xa6: {  	[sflag:s22] =	ssyncadd.s32 s6;
	_ =	sdelay $0x1  }
0xa7: {  	s23 =	simm.s32 $0x1B8B  }
0xa8: {  	_ =	swait.ge [sflag:s23], $0x1  }
0xa9: {  	[sflag:s23] =	ssyncset.done $0x0  }
0xaa: {  	s25 =	simm.s32 $0x1B8E;
	s24 =	sld [smem:$0x3FFE];
	[sflag:s23] =	ssyncadd.s32 $0xFFFFFFFF  }
0xab: {  	s26 =	simm.s32 $execute0_lowered;
	[smem:$0x3FD2] =	sst s25  }
0xac: {  	s7 =	sshll.u32 s26, $0x1;
	_ =	strace $0x80000046;
	[dreg:$0x1] =	wrdreg $0xFFFFFFFF  }
0xad: {  	s28 =	simm.s32 $_size_execute0_lowered;
	s5 =	sadd.s32 s5, s7;
	[dreg:$0x0] =	wrdreg $0x0  }
0xae: {  	s7 =	sshll.u32 s28, $0x1;
	[dreg:$0x2] =	wrdreg s5  }
0xaf: {  	[dreg:$0x3] =	wrdreg s7  }
0xb0: {  	[dreg:$0x4] =	wrdreg $0xC0  }
0xb1: {  	_ =	task [dreg:s9], $0x5FFFF  }
0xb2: {  	[dreg:$0x1] =	wrdreg $0xFFFFFFFF  }
0xb3: {  	[dreg:$0x0] =	wrdreg $0x60  }
0xb4: {  	[dreg:$0x2] =	wrdreg s17  }
0xb5: {  	[dreg:$0x3] =	wrdreg s18  }
0xb6: {  	[dreg:$0x4] =	wrdreg s16  }
0xb7: {  	[dreg:$0x5] =	wrdreg s24  }
0xb8: {  	[dreg:$0x6] =	wrdreg $0x9  }
0xb9: {  	_ =	task.clear_ibuf [dreg:s9], $0x7FFFF;
	_ =	strace $0x90000046  }
0xba: {  	s29 =	simm.s32 $0x9;
	_ =	strace $0x80000048  }
0xbb: {  	_ =	swait.ge [sflag:s29], $0x1  }
0xbc: {  	[sflag:s29] =	ssyncadd.s32 $0xFFFFFFFF  }
0xbd: {  	_ =	strace $0x90000048  }
0xbe: {  	_ =	sfence  }
0xbf: {  	s30 =	sld [smem:$0x0];
	_ =	sdelay $0x2  }
0xc0: {  	s31 =	sshll.u32 s1, $0xD;
	s1 =	sshrl.u32 s1, $0x2  }
0xc1: {  	s3 =	sand.u32 $0x4000, s31;
	s1 =	sadd.s32 s1, s30  }
0xc2: {  	s0 =	sor.u32 s3, s0;
	s1 =	sshll.u32 s1, $0x11  }
0xc3: {  	s0 =	sor.u32 s1, s0  }
0xc4: {  	s0 =	sadd.s32 $0x8F2B, s0  }
0xc5: {  	[sflag:s0] =	ssyncadd.remote.s32 $0x1  }
0xc6: {  	_ =	sfence.sel $0xFFFF  }
0xc7: {  	[dreg:$0x0] =	wrdreg $0xFFFFFFFF;
	(pc) =	sbr.abs _section_cstart, $3  }
0xc8: {  	[dreg:$0x1] =	wrdreg $0xFFFFFFFF  }
0xc9: {  	_ =	task.clear_ibuf [dreg:s9], $0x2FFFF;
	_ =	strace $0x9FFFFFFF  }
0xca: {  	(tm) =	ssettm $0x7FFFFFFF  }
0xcb: {  	_ =	shalt  }
tec
execute0_lowered:
.L_overlay_start_1:
0x0: {  	(tag) =	ssettag $0x1  }
0x1: {  	s3 =	stileid.u32  }
0x2: {  	p0 =	sgt.u32 s3, $0x7  }
.Ltmp0:
0x3: {  	_ = 	snop;
	(pc) =	sbr.rel @p0 .LBB2_62-.Ltmp0, $4  }
0x4: {  	s0 =	rddreg [dreg:$0x0]  }
0x5: {  	s1 =	rddreg [dreg:$0x1];
	s4 =	simm.s32 $0x0  }
0x6: {  	[smem:$0x7FF] =	sst s4  }
0x7: {  	s2 =	rddreg [dreg:$0x3];
	_ =	strace $0x80000047  }
0x8: {  	s3 =	srdreg.scid;
	s8 =	stileid.u32  }
0x9: {  	s13 =	simm.s32 $0x2;
	s14 =	simm.s32 $0xA500;
	s15 =	simm.s32 $0xB500  }
0xa: {  	s16 =	simm.s32 $0xB680;
	s17 =	simm.s32 $0x2100;
	s18 =	simm.s32 $0x4200  }
0xb: {  	s3 =	sand.u32 $0x1, s3;
	s5 =	sshll.u32 s8, $0x1;
	s8 =	sshrl.u32 s8, $0x2  }
0xc: {  	s20 =	simm.s32 $0x6300;
	s5 =	sor.u32 s3, s5;
	s8 =	smul.u32 $0x10800, s8  }
0xd: {  	s21 =	simm.s32 $0x8400;
	s3 =	ssub.s32 $0x2, s3;
	s6 =	smul.u32 $0x9800, s5  }
0xe: {  	s22 =	simm.s32 $0xB800;
	s7 =	smul.u32 $0x13000, s5;
	s29 =	sshrl.u32 s3, $0x1  }
0xf: {  	s9 =	sshll.u32 s5, $0x7;
	s10 =	smul.u32 $0x20D0, s5;
	s3 =	ssub.s32 s3, s29  }
0x10: {  	s26 =	sand.u32 $0x380, s9;
	s7 =	sshrl.u32 s7, $0x3;
	s31 =	smax.u32 s3, $0x1  }
0x11: {  	s6 =	sshrl.u32 s6, $0x3;
	s25 =	sadd.s32 s2, s7;
	[dreg:$0xa] =	wrdreg s31  }
0x12: {  	s6 =	sadd.s32 s6, s2;
	[dreg:$0x5] =	wrdreg s25;
	s5 =	sadd.s32 $0x1400, s25  }
0x13: {  	v1 =	vimm.s32 $0x0;
	s2 =	sor.u32 s8, s26;
	s28 =	sadd.s32 $0x26000, s6;
	[dreg:$0x6] =	wrdreg s5  }
0x14: {  	v2 =	vlaneseq.u32;
	v3 =	vimm.s32 $0x1;
	vm0 =	vmmov $0xfff;
	s2 =	sshrl.u32 s2, $0x3;
	s30 =	sadd.s32 $0x26A00, s6;
	[dreg:$0x7] =	wrdreg s28  }
0x15: {  	vm1 =	vmmov $0xffff;
	s19 =	simm.s32 $0x14580;
	v4 =	vand.u32 $0x7, v2;
	v5 =	vshrl.u32 v2, $0x3;
	[dreg:$0x8] =	wrdreg s30;
	s0 =	sadd.s32 s0, s2  }
0x16: {  	v6 =	vor.u32 $0x8, v2;
	v5 =	vmul.u32 $0x8, v5;
	v0 =	vmov s10;
	s6 =	simm.s32 $0x1;
	s2 =	simm.s32 $0x0;
	[dreg:$0x9] =	wrdreg s0  }
.LBB2_2:
0x17: {  	[dreg:$0xb] =	wrdreg s2  }
0x18: {  	s0 =	rddreg [dreg:$0x9];
	s30 =	simm.s32 $0x80;
	s3 =	simm.s32 $0x400  }
0x19: {  	[tilespmem:s4], [sflag:$0x2] =	stream.strided.gather [hbm4b:s0+s30], $0x2100, s3, s30, $0x38;
	[tilespmem:$0x1AD80] =	vst v63  }
0x1a: {  	_ =	swait.ge [sflag:s13], $0x2100  }
0x1b: {  	[sflag:s13] =	ssyncset.done $0x0  }
0x1c: {  	s31 =	simm.s32 $0x40000000;
	[sflag:s13] =	ssyncadd.s32 $0xFFFFDF00  }
0x1d: {  	v7 =	vor.u32 s31, v2;
	[tilespmem:s15+$0x0] =	vst v1  }
0x1e: {  	s2 =	simm.s32 $0x40000010;
	s7 =	simm.s32 $0xB680;
	s3 =	simm.s32 $0xB510;
	[tilespmem:s16+$0x0] =	vst v7  }
.LBB2_3:
0x1f: {  	[tilespmem:s3+$0x0] =	vst v1;
	v7 =	vor.u32 s2, v2;
	p0 =	sne.s32 s2, $0x40000120;
	s2 =	sadd.s32 $0x10, s2;
	s7 =	sadd.s32 $0x10, s7  }
.Ltmp1:
0x20: {  	s0 =	simm.s32 $0x0;
	[tilespmem:s7+$0x0] =	vst v7;
	(pc) =	sbr.rel @p0 .LBB2_3-.Ltmp1, $2  }
0x21: {  	_ =	sdelay $0x2  }
0x22: {  	s3 =	sadd.s32 $0x10, s3  }
0x23: {  	s2 =	simm.s32 $0x40;
	s3 =	simm.s32 $0x0  }
.LBB2_5:
0x24: {  	p0 =	sne.s32 s2, $0x3FC0;
	[tilespmem:s3+$0xA500] =	vst v1;
	s3 =	smov.u32 s2;
	s2 =	sadd.s32 $0x40, s2  }
.Ltmp2:
0x25: {  	(pc) =	sbr.rel @p0 .LBB2_5-.Ltmp2, $2  }
0x26: {  	_ =	sdelay $0x2  }
0x27: {  	s3 =	sshra.s32 s3, $0x2  }
0x28: {  	[tilespmem:s3+$0xA500] =	vst v1  }
.LBB2_7:
0x29: {  	s2 =	sshra.s32 s0, $0x2  }
0x2a: {  	v7 =	vld [tilespmem:s2+$0x0];
	_ =	sdelay $0x4  }
0x2b: {  	v8 =	vxor.u32 $0xFFFFFFFF, v7;
	v9 =	vor.u32 $0x80000000, v7;
	vm2 =	vlt.s32 v7, $0x0  }
0x2c: {  	v7 =	vsel vm2, v8, v9  }
0x2d: {  	v7 =	vshrl.u32 v7, $0x14  }
0x2e: {  	v7 =	vand.u32 $0xFF0, v7  }
0x2f: {  	p0 =	sne.s32 s0, $0x8300;
	v7 =	vor.u32 v2, v7  }
.Ltmp3:
0x30: {  	_ = 	snop;
	(pc) =	sbr.rel @p0 .LBB2_7-.Ltmp3, $2  }
0x31: {  	_ =	sdelay $0x2  }
0x32: {  	s0 =	sadd.s32 $0x40, s0;
	[tilespmem:v7+s14+$0x0] =	vst.idx.add.s32.msk $0xffff, v3  }
0x33: {  	s0 =	simm.s32 $0xB4F0  }
0x34: {  	v7 =	vld [tilespmem:s0+$0x0];
	_ =	sdelay $0x4  }
0x35: {  	(xrf0) =	vadd.scan.msk.s32 $0xffff, v7;
	_ =	sdelay $0x5  }
0x36: {  	v7, _, _ =	vpop (xrf0)  }
0x37: {  	s25 =	simm.s32 $0xB4E0;
	(v2sf) =	vpush v7, $0xF  }
0x38: {  	v7 =	vld [tilespmem:s25+$0x0]  }
0x39: {  	s26 =	simm.s32 $0xB4D0  }
0x3a: {  	v8 =	vld [tilespmem:s26+$0x0];
	_ =	sdelay $0x2  }
0x3b: {  	(xrf0) =	vadd.scan.msk.s32 $0xffff, v7;
	_ =	sdelay $0x1  }
0x3c: {  	(xrf0) =	vadd.scan.msk.s32 $0xffff, v8;
	_ =	sdelay $0x2  }
0x3d: {  	s28 =	simm.s32 $0xB4C0  }
0x3e: {  	v9 =	vld [tilespmem:s28+$0x0];
	v8, _, _ =	vpop (xrf0)  }
0x3f: {  	(v2sf) =	vpush v8, $0xF  }
0x40: {  	v8, _, _ =	vpop (xrf0)  }
0x41: {  	s30 =	spop (v2sf);
	(v2sf) =	vpush v8, $0xF;
	_ =	sdelay $0x1  }
0x42: {  	s29 =	simm.s32 $0xB4B0;
	(xrf0) =	vadd.scan.msk.s32 $0xffff, v9  }
0x43: {  	v7 =	vld [tilespmem:s29+$0x0]  }
0x44: {  	s11 =	simm.s32 $0x0;
	s24 =	simm.s32 $0xFF  }
0x45: {  	s9 =	simm.s32 $0xFE;
	s8 =	simm.s32 $0xFD;
	s3 =	simm.s32 $0xFC  }
0x46: {  	s31 =	simm.s32 $0xFB;
	s2 =	simm.s32 $0xFA;
	p1 =	por $0x1, $0x1  }
0x47: {  	s12 =	simm.s32 $0x0;
	s10 =	simm.s32 $0x0;
	s7 =	sadd.s32 $0x0, s30  }
0x48: {  	s0 =	simm.s32 $0x0;
	s25 =	simm.s32 $0xB4A0;
	(xrf0) =	vadd.scan.msk.s32 $0xffff, v7;
	v7, _, _ =	vpop (xrf0);
	p2 =	sgt.s32 s7, $0x12B  }
.LBB2_9:
0x49: {  	p0 =	sne.s32 s2, $0x0;
	p1 =	por !p1, !p2;
	s26 =	smov.u32 s31  }
0x4a: {  	v8 =	vld [tilespmem:s25+$0x0];
	(v2sf) =	vpush v7, $0xF;
	s31 =	smov.u32 s2;
	s2 =	sadd.s32 $0xFFFFFFFF, s2;
	s28 =	smov.u32 s12  }
.Ltmp4:
0x4b: {  	s12 =	smov.u32 s7;
	p1 =	por !p1, !p1;
	(pc) =	sbr.rel @p0 .LBB2_9-.Ltmp4, $4  }
0x4c: {  	s11 =	smov.u32 @p1 s24;
	s10 =	simm.s32 @p1 $0x1;
	s24 =	smov.u32 s9  }
0x4d: {  	s0 =	smov.u32 @p1 s28;
	s9 =	smov.u32 s8;
	s29 =	spop (v2sf)  }
0x4e: {  	s8 =	smov.u32 s3;
	s3 =	smov.u32 s26;
	s7 =	sadd.s32 s7, s29  }
0x4f: {  	s25 =	sadd.s32 $0xFFFFFFF0, s25;
	p1 =	seq.s32 s10, $0x0;
	(xrf0) =	vadd.scan.msk.s32 $0xffff, v8;
	v7, _, _ =	vpop (xrf0);
	p2 =	sgt.s32 s7, $0x12B  }
0x50: {  	_ =	sdelay $0x1  }
0x51: {  	(v2sf) =	vpush v7, $0xF;
	_ =	sdelay $0x2  }
0x52: {  	v7, _, _ =	vpop (xrf0)  }
0x53: {  	(v2sf) =	vpush v7, $0xF;
	_ =	sdelay $0x1  }
0x54: {  	p0 =	por !p1, !p2  }
0x55: {  	s2 =	spop (v2sf);
	p0 =	por !p0, !p0  }
0x56: {  	s25 =	sadd.s32 s7, s2;
	s10 =	simm.s32 @p0 $0x1  }
0x57: {  	p3 =	sgt.s32 s25, $0x12B;
	p2 =	seq.s32 s10, $0x0  }
0x58: {  	p1 =	por !p2, !p3  }
0x59: {  	p1 =	por !p1, !p1;
	s28 =	spop (v2sf)  }
0x5a: {  	s10 =	simm.s32 @p1 $0x1;
	s26 =	sadd.s32 s25, s28  }
0x5b: {  	p4 =	seq.s32 s10, $0x0;
	p3 =	sgt.s32 s26, $0x12B  }
0x5c: {  	p2 =	por !p4, !p3  }
0x5d: {  	p2 =	por !p2, !p2;
	s29 =	spop (v2sf)  }
0x5e: {  	s10 =	simm.s32 @p2 $0x1;
	s28 =	sadd.s32 s26, s29  }
0x5f: {  	s2 =	simm.s32 $0x0;
	p5 =	seq.s32 s10, $0x0;
	p4 =	sgt.s32 s28, $0x12B  }
0x60: {  	v7 =	vld [tilespmem:s2+$0x0];
	p3 =	por !p5, !p4  }
0x61: {  	p3 =	por !p3, !p3;
	s29 =	spop (v2sf)  }
0x62: {  	s11 =	smov.u32 @p0 s24;
	s10 =	simm.s32 @p3 $0x1;
	s30 =	sadd.s32 s28, s29  }
0x63: {  	s11 =	smov.u32 @p1 s9;
	p6 =	seq.s32 s10, $0x0;
	p5 =	sgt.s32 s30, $0x12B  }
0x64: {  	s11 =	smov.u32 @p2 s8;
	p4 =	por !p6, !p5  }
0x65: {  	v8 =	vxor.u32 $0xFFFFFFFF, v7;
	v9 =	vor.u32 $0x80000000, v7;
	vm2 =	vlt.s32 v7, $0x0;
	s11 =	smov.u32 @p3 s3;
	p4 =	por !p4, !p4  }
0x66: {  	v8 =	vsel vm2, v8, v9;
	s11 =	smov.u32 @p4 s31  }
0x67: {  	v9 =	vshrl.u32 v8, $0x18;
	v7 =	vmov s11  }
0x68: {  	vm2 =	vgt.u32 v9, v7  }
0x69: {  	v10 =	vsel vm2, $0x1, v1  }
0x6a: {  	vm3 =	veq.s32 v9, v7;
	(xrf0) =	vadd.scan.msk.s32 $0xffff, v10  }
0x6b: {  	v9 =	vsel vm3, $0x1, v1  }
0x6c: {  	(xrf0) =	vadd.scan.msk.s32 $0xffff, v9  }
0x6d: {  	v9 =	vmov s2  }
0x6e: {  	v9 =	vadd.s32 $0xFFFFFFFF, v9  }
0x6f: {  	v9 =	vbroadcast v9, $0x0  }
0x70: {  	v10, _, _ =	vpop (xrf0)  }
0x71: {  	v11 =	vadd.s32 v10, v9;
	(v2sf) =	vpush v10, $0xF  }
0x72: {  	v12, _, _ =	vpop (xrf0)  }
0x73: {  	v9 =	vadd.s32 v12, v9;
	(v2sf) =	vpush v12, $0xF;
	_ =	sdelay $0x2  }
0x74: {  	s0 =	smov.u32 @p0 s12;
	v13 =	vor.u32 s2, v2;
	[tilespmem:v11+s15+$0x0] =	vst.idx.msk vm2, v8  }
0x75: {  	s0 =	smov.u32 @p1 s7;
	[tilespmem:v11+s16+$0x0] =	vst.idx.msk vm2, v13  }
0x76: {  	s0 =	smov.u32 @p2 s25;
	[tilespmem:v9+s17+$0x0] =	vst.idx.msk vm3, v8  }
0x77: {  	s7 =	simm.s32 $0x10;
	s9 =	simm.s32 $0x10;
	s0 =	smov.u32 @p3 s26;
	[tilespmem:v9+s18+$0x0] =	vst.idx.msk vm3, v13  }
0x78: {  	s8 =	simm.s32 $0x20;
	s3 =	simm.s32 $0x0;
	s0 =	smov.u32 @p4 s28;
	v8 =	vld [tilespmem:s7+$0x0]  }
.LBB2_11:
0x79: {  	p0 =	sne.s32 s8, $0x20C0;
	_ =	sdelay $0x3  }
0x7a: {  	v9 =	vxor.u32 $0xFFFFFFFF, v8;
	v10 =	vor.u32 $0x80000000, v8;
	vm2 =	vlt.s32 v8, $0x0  }
0x7b: {  	v8 =	vsel vm2, v9, v10;
	s10 =	spop (v2sf)  }
0x7c: {  	v9 =	vshrl.u32 v8, $0x18;
	s2 =	sadd.s32 s2, s10  }
0x7d: {  	vm3 =	vgt.u32 v9, v7;
	vm2 =	veq.s32 v9, v7;
	v9 =	vmov s2;
	s10 =	spop (v2sf)  }
0x7e: {  	v10 =	vsel vm3, $0x1, v1;
	v9 =	vadd.s32 $0xFFFFFFFF, v9;
	s3 =	sadd.s32 s3, s10  }
0x7f: {  	v9 =	vbroadcast v9, $0x0;
	(xrf0) =	vadd.scan.msk.s32 $0xffff, v10  }
0x80: {  	v10 =	vsel vm2, $0x1, v1  }
0x81: {  	(xrf0) =	vadd.scan.msk.s32 $0xffff, v10;
	_ =	sdelay $0x2  }
0x82: {  	v10 =	vmov s3  }
0x83: {  	v10 =	vadd.s32 $0xFFFFFFFF, v10;
	v11, _, _ =	vpop (xrf0)  }
0x84: {  	v10 =	vbroadcast v10, $0x0;
	v9 =	vadd.s32 v11, v9;
	(v2sf) =	vpush v11, $0xF  }
0x85: {  	v11, _, _ =	vpop (xrf0)  }
0x86: {  	v10 =	vadd.s32 v11, v10;
	(v2sf) =	vpush v11, $0xF;
	_ =	sdelay $0x2  }
.Ltmp5:
0x87: {  	v11 =	vor.u32 s7, v2;
	s7 =	smov.u32 s8;
	[tilespmem:v9+s15+$0x0] =	vst.idx.msk vm3, v8;
	(pc) =	sbr.rel @p0 .LBB2_11-.Ltmp5, $4  }
0x88: {  	[tilespmem:v9+s16+$0x0] =	vst.idx.msk vm3, v11  }
0x89: {  	[tilespmem:v10+s17+$0x0] =	vst.idx.msk vm2, v8  }
0x8a: {  	s9 =	sadd.s32 $0x10, s9;
	[tilespmem:v10+s18+$0x0] =	vst.idx.msk vm2, v11  }
0x8b: {  	s8 =	sadd.s32 $0x10, s8;
	v8 =	vld [tilespmem:s9+$0x0]  }
0x8c: {  	_ =	sdelay $0x3  }
0x8d: {  	v9 =	vxor.u32 $0xFFFFFFFF, v8;
	v10 =	vor.u32 $0x80000000, v8;
	vm2 =	vlt.s32 v8, $0x0  }
0x8e: {  	v8 =	vsel vm2, v9, v10  }
0x8f: {  	v9 =	vshrl.u32 v8, $0x18  }
0x90: {  	vm3 =	vgt.u32 v9, v7  }
0x91: {  	vm2 =	veq.s32 v9, v7;
	v7 =	vsel vm3, $0x1, v1  }
0x92: {  	(xrf0) =	vadd.scan.msk.s32 $0xffff, v7;
	v7 =	vsel vm2, $0x1, v1  }
0x93: {  	(xrf0) =	vadd.scan.msk.s32 $0xffff, v7;
	_ =	sdelay $0x4  }
0x94: {  	v7, _, _ =	vpop (xrf0)  }
0x95: {  	(v2sf) =	vpush v7, $0xF;
	v58, _, _ =	vpop (xrf0)  }
0x96: {  	(v2sf) =	vpush v58, $0xF;
	_ =	sdelay $0x9  }
0x97: {  	s8 =	spop (v2sf)  }
0x98: {  	s2 =	sadd.s32 s2, s8  }
0x99: {  	s24 =	spop (v2sf);
	v59 =	vmov s2  }
0x9a: {  	v10 =	vadd.s32 $0xFFFFFFFF, v59;
	s3 =	sadd.s32 s3, s24  }
0x9b: {  	v10 =	vbroadcast v10, $0x0;
	v11 =	vmov s3;
	s25 =	spop (v2sf)  }
0x9c: {  	v11 =	vadd.s32 $0xFFFFFFFF, v11;
	s9 =	spop (v2sf)  }
0x9d: {  	v60 =	vbroadcast v11, $0x0;
	v7 =	vadd.s32 v7, v10;
	s3 =	sadd.s32 s3, s9  }
0x9e: {  	s9 =	sadd.s32 $0xF, s3  }
0x9f: {  	v9 =	vadd.s32 v58, v60;
	s10 =	sand.u32 $0xF, s9  }
0xa0: {  	s26 =	sshra.s32 s9, $0x1F;
	p1 =	slt.s32 s9, $0x1;
	p0 =	sne.s32 s10, $0x0  }
0xa1: {  	s10 =	sshrl.u32 s26, $0x1C;
	p0 =	por !p1, !p0  }
0xa2: {  	v61 =	vor.u32 s7, v2;
	[tilespmem:v7+s15+$0x0] =	vst.idx.msk vm3, v8;
	s28 =	sadd.s32 s10, s9;
	s9 =	simm.s32 $0x1;
	p0 =	por !p0, !p0  }
0xa3: {  	[tilespmem:v7+s16+$0x0] =	vst.idx.msk vm3, v61;
	s7 =	sshra.s32 s28, $0x4;
	s9 =	simm.s32 @!p0 $0x0  }
0xa4: {  	[tilespmem:v9+s17+$0x0] =	vst.idx.msk vm2, v8;
	s7 =	ssub.s32 s7, s9  }
0xa5: {  	[tilespmem:v9+s18+$0x0] =	vst.idx.msk vm2, v61;
	s9 =	sshll.u32 s7, $0x4  }
0xa6: {  	v7 =	vld [tilespmem:s9+$0x20F0]  }
0xa7: {  	v8 =	vld [tilespmem:s9+$0x41F0]  }
0xa8: {  	s29 =	sadd.s32 $0xFFFFFFF0, s9  }
0xa9: {  	v62 =	vor.u32 s29, v2  }
0xaa: {  	s30 =	sadd.s32 $0x3FFFFFF0, s9;
	vm2 =	vlt.s32 v62, s3  }
0xab: {  	v63 =	vor.u32 s30, v2;
	v7 =	vnsel vm2, $0x0, v7  }
0xac: {  	[tilespmem:s9+$0x20F0] =	vst v7;
	v7 =	vsel vm2, v8, v63  }
0xad: {  	s31 =	sadd.s32 s2, s25;
	s2 =	simm.s32 $0x40;
	s3 =	simm.s32 $0x0;
	[tilespmem:s9+$0x41F0] =	vst v7  }
.LBB2_13:
0xae: {  	p0 =	seq.s32 s2, $0x3FC0;
	[tilespmem:s3+$0xA500] =	vst v1;
	s3 =	smov.u32 s2;
	s2 =	sadd.s32 $0x40, s2  }
.Ltmp6:
0xaf: {  	(pc) =	sbr.rel @!p0 .LBB2_13-.Ltmp6, $2  }
0xb0: {  	_ =	sdelay $0x2  }
0xb1: {  	s3 =	sshra.s32 s3, $0x2  }
0xb2: {  	p0 =	sgt.s32 s7, $0x0  }
.Ltmp7:
0xb3: {  	_ = 	snop;
	(pc) =	sbr.rel @!p0 .LBB2_18-.Ltmp7, $2  }
0xb4: {  	_ =	sdelay $0x2  }
0xb5: {  	[tilespmem:s3+$0xA500] =	vst v1;
	s2 =	simm.s32 $0x2100  }
0xb6: {  	p0 =	sne.s32 s7, $0x1  }
.Ltmp8:
0xb7: {  	_ = 	snop;
	(pc) =	sbr.rel @!p0 .LBB2_17-.Ltmp8, $2  }
0xb8: {  	_ =	sdelay $0x2  }
0xb9: {  	v7 =	vld [tilespmem:s2+$0x0];
	s3 =	sadd.s32 $0xFFFFFFFF, s7  }
.LBB2_16:
0xba: {  	p0 =	sne.s32 s3, $0x1;
	_ =	sdelay $0x3  }
0xbb: {  	v7 =	vshrl.u32 v7, $0xC  }
0xbc: {  	v7 =	vand.u32 $0xFF0, v7  }
0xbd: {  	v7 =	vor.u32 v2, v7;
	_ =	sdelay $0x1  }
.Ltmp9:
0xbe: {  	(pc) =	sbr.rel @p0 .LBB2_16-.Ltmp9, $3  }
0xbf: {  	_ =	sdelay $0x1  }
0xc0: {  	s2 =	sadd.s32 $0x10, s2;
	[tilespmem:v7+s14+$0x0] =	vst.idx.add.s32.msk $0xffff, v3  }
0xc1: {  	s3 =	sadd.s32 $0xFFFFFFFF, s3;
	v7 =	vld [tilespmem:s2+$0x0]  }
.LBB2_17:
0xc2: {  	_ =	sdelay $0x3  }
0xc3: {  	v7 =	vshrl.u32 v7, $0xC  }
0xc4: {  	v7 =	vand.u32 $0xFF0, v7  }
0xc5: {  	v7 =	vor.u32 v2, v7;
	_ =	sdelay $0x4  }
0xc6: {  	[tilespmem:v7+s14+$0x0] =	vst.idx.add.s32.msk $0xffff, v3  }
.LBB2_18:
0xc7: {  	s2 =	simm.s32 $0xB4F0  }
0xc8: {  	v7 =	vld [tilespmem:s2+$0x0];
	_ =	sdelay $0x4  }
0xc9: {  	(xrf0) =	vadd.scan.msk.s32 $0xffff, v7;
	_ =	sdelay $0x5  }
0xca: {  	v7, _, _ =	vpop (xrf0)  }
0xcb: {  	s23 =	simm.s32 $0xB4E0;
	(v2sf) =	vpush v7, $0xF  }
0xcc: {  	v7 =	vld [tilespmem:s23+$0x0]  }
0xcd: {  	s24 =	simm.s32 $0xB4D0  }
0xce: {  	v8 =	vld [tilespmem:s24+$0x0];
	_ =	sdelay $0x2  }
0xcf: {  	(xrf0) =	vadd.scan.msk.s32 $0xffff, v7;
	_ =	sdelay $0x1  }
0xd0: {  	(xrf0) =	vadd.scan.msk.s32 $0xffff, v8;
	_ =	sdelay $0x2  }
0xd1: {  	s25 =	simm.s32 $0xB4C0  }
0xd2: {  	v9 =	vld [tilespmem:s25+$0x0];
	v8, _, _ =	vpop (xrf0)  }
0xd3: {  	(v2sf) =	vpush v8, $0xF  }
0xd4: {  	v8, _, _ =	vpop (xrf0)  }
0xd5: {  	s30 =	spop (v2sf);
	(v2sf) =	vpush v8, $0xF;
	_ =	sdelay $0x1  }
0xd6: {  	s26 =	simm.s32 $0xB4B0;
	(xrf0) =	vadd.scan.msk.s32 $0xffff, v9  }
0xd7: {  	v7 =	vld [tilespmem:s26+$0x0]  }
0xd8: {  	s0 =	ssub.s32 $0x12C, s0;
	s12 =	simm.s32 $0x0;
	s9 =	simm.s32 $0xFF  }
0xd9: {  	s8 =	simm.s32 $0xFD;
	s3 =	simm.s32 $0xFC;
	s11 =	simm.s32 $0xFB  }
0xda: {  	s28 =	simm.s32 $0xFA;
	s29 =	simm.s32 $0xB4A0;
	p1 =	por $0x1, $0x1  }
0xdb: {  	s10 =	simm.s32 $0x0;
	s24 =	simm.s32 $0xFE;
	s25 =	sadd.s32 $0x0, s30  }
0xdc: {  	s2 =	simm.s32 $0x0;
	s26 =	simm.s32 $0x0;
	(xrf0) =	vadd.scan.msk.s32 $0xffff, v7;
	v7, _, _ =	vpop (xrf0);
	p2 =	sge.s32 s25, s0  }
.LBB2_19:
0xdd: {  	p0 =	sne.s32 s28, $0x0;
	p1 =	por !p1, !p2;
	s5 =	smov.u32 s11  }
0xde: {  	v8 =	vld [tilespmem:s29+$0x0];
	(v2sf) =	vpush v7, $0xF;
	s11 =	smov.u32 s28;
	s28 =	sadd.s32 $0xFFFFFFFF, s28;
	s23 =	smov.u32 s26  }
.Ltmp10:
0xdf: {  	s26 =	smov.u32 s25;
	p1 =	por !p1, !p1;
	(pc) =	sbr.rel @p0 .LBB2_19-.Ltmp10, $4  }
0xe0: {  	s12 =	smov.u32 @p1 s9;
	s10 =	simm.s32 @p1 $0x1;
	s9 =	smov.u32 s24  }
0xe1: {  	s2 =	smov.u32 @p1 s23;
	s24 =	smov.u32 s8;
	s30 =	spop (v2sf)  }
0xe2: {  	s8 =	smov.u32 s3;
	s3 =	smov.u32 s5;
	s25 =	sadd.s32 s25, s30  }
0xe3: {  	s29 =	sadd.s32 $0xFFFFFFF0, s29;
	p1 =	seq.s32 s10, $0x0;
	(xrf0) =	vadd.scan.msk.s32 $0xffff, v8;
	v7, _, _ =	vpop (xrf0);
	p2 =	sge.s32 s25, s0  }
0xe4: {  	_ =	sdelay $0x1  }
0xe5: {  	(v2sf) =	vpush v7, $0xF;
	_ =	sdelay $0x2  }
0xe6: {  	v7, _, _ =	vpop (xrf0)  }
0xe7: {  	(v2sf) =	vpush v7, $0xF;
	_ =	sdelay $0x1  }
0xe8: {  	p0 =	por !p1, !p2  }
0xe9: {  	s5 =	spop (v2sf);
	p0 =	por !p0, !p0  }
0xea: {  	s5 =	sadd.s32 s25, s5;
	s10 =	simm.s32 @p0 $0x1  }
0xeb: {  	p4 =	sge.s32 s5, s0;
	p3 =	seq.s32 s10, $0x0  }
0xec: {  	p1 =	por !p3, !p4  }
0xed: {  	p1 =	por !p1, !p1;
	s23 =	spop (v2sf)  }
0xee: {  	s10 =	simm.s32 @p1 $0x1;
	s23 =	sadd.s32 s5, s23  }
0xef: {  	p5 =	seq.s32 s10, $0x0;
	p3 =	sge.s32 s23, s0  }
0xf0: {  	p2 =	por !p5, !p3  }
0xf1: {  	p2 =	por !p2, !p2;
	s28 =	spop (v2sf)  }
0xf2: {  	s10 =	simm.s32 @p2 $0x1;
	s28 =	sadd.s32 s23, s28  }
0xf3: {  	p6 =	seq.s32 s10, $0x0;
	p4 =	sge.s32 s28, s0  }
0xf4: {  	s12 =	smov.u32 @p0 s9;
	s2 =	smov.u32 @p0 s26;
	p4 =	por !p6, !p4  }
0xf5: {  	s12 =	smov.u32 @p1 s24;
	p0 =	por !p4, !p4;
	s30 =	spop (v2sf)  }
0xf6: {  	s2 =	smov.u32 @p1 s25;
	s10 =	simm.s32 @p0 $0x1;
	s9 =	sadd.s32 s28, s30  }
0xf7: {  	s12 =	smov.u32 @p2 s8;
	p5 =	seq.s32 s10, $0x0;
	p6 =	sge.s32 s9, s0  }
0xf8: {  	s2 =	smov.u32 @p2 s5;
	s12 =	smov.u32 @p0 s3;
	p1 =	por !p5, !p6  }
0xf9: {  	s2 =	smov.u32 @p0 s23;
	p0 =	por !p1, !p1;
	p1 =	slt.s32 s7, $0x1  }
.Ltmp11:
0xfa: {  	_ = 	snop;
	(pc) =	sbr.rel @p1 .LBB2_27-.Ltmp11, $2  }
0xfb: {  	_ =	sdelay $0x2  }
0xfc: {  	s3 =	simm.s32 $0x0;
	s12 =	smov.u32 @p0 s11;
	s2 =	smov.u32 @p0 s28  }
0xfd: {  	s3 =	simm.s32 $0x2100  }
0xfe: {  	v7 =	vld [tilespmem:s3+$0x0]  }
0xff: {  	p1 =	sne.s32 s7, $0x1  }
.Ltmp12:
0x100: {  	_ = 	snop;
	(pc) =	sbr.rel @!p1 .LBB2_22-.Ltmp12, $3  }
0x101: {  	_ =	sdelay $0x1  }
0x102: {  	s11 =	simm.s32 $0x0;
	v9 =	vshrl.u32 v7, $0x10  }
0x103: {  	v8 =	vmov s12;
	s12 =	simm.s32 $0x4200;
	p0 =	por $0x0, $0x0;
	s3 =	sadd.s32 $0xFFFFFFFF, s7;
	v9 =	vand.u32 $0xFF, v9  }
0x104: {  	vm2 =	vgt.u32 v9, v8  }
0x105: {  	v10 =	vsel vm2, $0x1, v1  }
0x106: {  	(xrf0) =	vadd.scan.msk.s32 $0xffff, v10;
	_ =	sdelay $0x5  }
0x107: {  	v11, _, _ =	vpop (xrf0)  }
0x108: {  	(v2sf) =	vpush v11, $0xF;
	_ =	sdelay $0x5  }
0x109: {  	vm3 =	veq.s32 v9, v8  }
0x10a: {  	v9 =	vsel vm3, $0x1, v1  }
0x10b: {  	(xrf0) =	vadd.scan.msk.s32 $0xffff, v9;
	_ =	sdelay $0x1  }
0x10c: {  	v9 =	vmov s31  }
0x10d: {  	v9 =	vadd.s32 $0xFFFFFFFF, v9  }
0x10e: {  	v10 =	vmov s11;
	v9 =	vbroadcast v9, $0x0  }
0x10f: {  	v10 =	vadd.s32 $0xFFFFFFFF, v10  }
0x110: {  	v10 =	vbroadcast v10, $0x0;
	v9 =	vadd.s32 v11, v9;
	v11, _, _ =	vpop (xrf0)  }
0x111: {  	v12 =	vld [tilespmem:s12+$0x0];
	s24 =	spop (v2sf);
	(v2sf) =	vpush v11, $0xF  }
0x112: {  	v10 =	vadd.s32 v11, v10;
	_ =	sdelay $0x2  }
0x113: {  	[tilespmem:v9+s15+$0x0] =	vst.idx.msk vm2, v7  }
0x114: {  	[tilespmem:v9+s16+$0x0] =	vst.idx.msk vm2, v12  }
0x115: {  	[tilespmem:v10+s20+$0x0] =	vst.idx.msk vm3, v7  }
0x116: {  	s9 =	simm.s32 $0x2110;
	[tilespmem:v10+s21+$0x0] =	vst.idx.msk vm3, v12  }
0x117: {  	v7 =	vld [tilespmem:s9+$0x0]  }
0x118: {  	p1 =	sne.s32 s3, $0x1  }
.Ltmp13:
0x119: {  	_ = 	snop;
	(pc) =	sbr.rel @!p1 .LBB2_24-.Ltmp13, $3  }
0x11a: {  	_ =	sdelay $0x1  }
0x11b: {  	s10 =	sadd.s32 $0xFFFFFFFF, s3;
	p0 =	por $0x1, $0x1;
	v9 =	vshrl.u32 v7, $0x10  }
0x11c: {  	s3 =	smov.u32 s31;
	s7 =	simm.s32 $0x4200;
	s8 =	simm.s32 $0x0;
	v9 =	vand.u32 $0xFF, v9  }
.LBB2_25:
0x11d: {  	vm3 =	vgt.u32 v9, v8;
	vm2 =	veq.s32 v9, v8;
	s3 =	sadd.s32 s3, s24;
	s7 =	sadd.s32 $0x10, s7;
	s5 =	spop (v2sf)  }
0x11e: {  	p1 =	sne.s32 s10, $0x1;
	s10 =	sadd.s32 $0xFFFFFFFF, s10;
	v9 =	vsel vm3, $0x1, v1;
	v10 =	vsel vm2, $0x1, v1;
	v11 =	vmov s3;
	s8 =	sadd.s32 s8, s5  }
0x11f: {  	v11 =	vadd.s32 $0xFFFFFFFF, v11;
	v12 =	vmov s8;
	(xrf0) =	vadd.scan.msk.s32 $0xffff, v9  }
0x120: {  	v9 =	vadd.s32 $0xFFFFFFFF, v12;
	(xrf0) =	vadd.scan.msk.s32 $0xffff, v10;
	_ =	sdelay $0x3  }
0x121: {  	v10 =	vbroadcast v11, $0x0  }
0x122: {  	v11, _, _ =	vpop (xrf0)  }
0x123: {  	v9 =	vbroadcast v9, $0x0;
	v10 =	vadd.s32 v11, v10;
	v12, _, _ =	vpop (xrf0);
	(v2sf) =	vpush v11, $0xF  }
0x124: {  	v11 =	vld [tilespmem:s7+$0x0];
	(v2sf) =	vpush v12, $0xF  }
0x125: {  	v9 =	vadd.s32 v12, v9;
	_ =	sdelay $0x2  }
0x126: {  	[tilespmem:v10+s15+$0x0] =	vst.idx.msk vm3, v7  }
0x127: {  	[tilespmem:v10+s16+$0x0] =	vst.idx.msk vm3, v11  }
0x128: {  	[tilespmem:v9+s20+$0x0] =	vst.idx.msk vm2, v7  }
0x129: {  	s9 =	sadd.s32 $0x10, s9;
	[tilespmem:v9+s21+$0x0] =	vst.idx.msk vm2, v11  }
0x12a: {  	v7 =	vld [tilespmem:s9+$0x0];
	_ =	sdelay $0x1  }
.Ltmp14:
0x12b: {  	(pc) =	sbr.rel @p1 .LBB2_25-.Ltmp14, $3  }
0x12c: {  	_ =	sdelay $0x1  }
0x12d: {  	v9 =	vshrl.u32 v7, $0x10  }
0x12e: {  	v9 =	vand.u32 $0xFF, v9;
	s24 =	spop (v2sf)  }
.LBB2_26:
0x12f: {  	vm2 =	vgt.u32 v9, v8  }
0x130: {  	vm3 =	veq.s32 v9, v8;
	v8 =	vsel vm2, $0x1, v1  }
0x131: {  	v9 =	vsel vm3, $0x1, v1;
	(xrf0) =	vadd.scan.msk.s32 $0xffff, v8  }
0x132: {  	(xrf0) =	vadd.scan.msk.s32 $0xffff, v9;
	_ =	sdelay $0x4  }
0x133: {  	v8, _, _ =	vpop (xrf0)  }
0x134: {  	v9, _, _ =	vpop (xrf0);
	(v2sf) =	vpush v8, $0xF  }
0x135: {  	(v2sf) =	vpush v9, $0xF;
	_ =	sdelay $0x1  }
0x136: {  	s3 =	sadd.s32 @p0 s3, s24  }
0x137: {  	s5 =	spop @p0 (v2sf);
	s31 =	smov.u32 @p0 s3  }
0x138: {  	s3 =	sadd.s32 @p0 s8, s5;
	v10 =	vmov s31  }
0x139: {  	s11 =	smov.u32 @p0 s3;
	v10 =	vadd.s32 $0xFFFFFFFF, v10  }
0x13a: {  	v11 =	vmov s11;
	v10 =	vbroadcast v10, $0x0  }
0x13b: {  	s3 =	sadd.s32 @p0 $0x10, s7;
	v11 =	vadd.s32 $0xFFFFFFFF, v11  }
0x13c: {  	s12 =	smov.u32 @p0 s3;
	v62 =	vbroadcast v11, $0x0;
	v8 =	vadd.s32 v8, v10  }
0x13d: {  	v63 =	vld [tilespmem:s12+$0x0]  }
0x13e: {  	v9 =	vadd.s32 v9, v62;
	_ =	sdelay $0x2  }
0x13f: {  	[tilespmem:v8+s15+$0x0] =	vst.idx.msk vm2, v7  }
0x140: {  	[tilespmem:v8+s16+$0x0] =	vst.idx.msk vm2, v63;
	s29 =	spop (v2sf)  }
0x141: {  	[tilespmem:v9+s20+$0x0] =	vst.idx.msk vm3, v7;
	s30 =	spop (v2sf)  }
0x142: {  	[tilespmem:v9+s21+$0x0] =	vst.idx.msk vm3, v63;
	s31 =	sadd.s32 s31, s29;
	s3 =	sadd.s32 s11, s30  }
.LBB2_27:
0x143: {  	s5 =	sadd.s32 $0xF, s3  }
0x144: {  	s7 =	sand.u32 $0xF, s5  }
0x145: {  	s8 =	sshra.s32 s5, $0x1F;
	p0 =	slt.s32 s5, $0x1;
	p1 =	sne.s32 s7, $0x0  }
0x146: {  	s28 =	sshrl.u32 s8, $0x1C;
	p0 =	por !p0, !p1  }
0x147: {  	s7 =	simm.s32 $0x1;
	s5 =	sadd.s32 s28, s5;
	p0 =	por !p0, !p0  }
0x148: {  	s5 =	sshra.s32 s5, $0x4;
	s7 =	simm.s32 @!p0 $0x0  }
0x149: {  	s7 =	ssub.s32 s5, s7  }
0x14a: {  	s5 =	sshll.u32 s7, $0x4  }
0x14b: {  	v7 =	vld [tilespmem:s5+$0x62F0]  }
0x14c: {  	v8 =	vld [tilespmem:s5+$0x83F0]  }
0x14d: {  	s29 =	sadd.s32 $0xFFFFFFF0, s5  }
0x14e: {  	v9 =	vor.u32 s29, v2  }
0x14f: {  	s30 =	sadd.s32 $0x3FFFFFF0, s5;
	vm2 =	vlt.s32 v9, s3  }
0x150: {  	v63 =	vor.u32 s30, v2;
	v7 =	vnsel vm2, $0x0, v7  }
0x151: {  	[tilespmem:s5+$0x62F0] =	vst v7;
	v7 =	vsel vm2, v8, v63  }
0x152: {  	s0 =	ssub.s32 s0, s2;
	s2 =	simm.s32 $0x40;
	s3 =	simm.s32 $0x0;
	[tilespmem:s5+$0x83F0] =	vst v7  }
.LBB2_28:
0x153: {  	p0 =	seq.s32 s2, $0x3FC0;
	[tilespmem:s3+$0xA500] =	vst v1;
	s3 =	smov.u32 s2;
	s2 =	sadd.s32 $0x40, s2  }
.Ltmp15:
0x154: {  	(pc) =	sbr.rel @!p0 .LBB2_28-.Ltmp15, $2  }
0x155: {  	_ =	sdelay $0x2  }
0x156: {  	s3 =	sshra.s32 s3, $0x2  }
0x157: {  	p0 =	sgt.s32 s7, $0x0  }
.Ltmp16:
0x158: {  	_ = 	snop;
	(pc) =	sbr.rel @!p0 .LBB2_33-.Ltmp16, $2  }
0x159: {  	_ =	sdelay $0x2  }
0x15a: {  	[tilespmem:s3+$0xA500] =	vst v1;
	s2 =	simm.s32 $0x6300  }
0x15b: {  	p0 =	sne.s32 s7, $0x1  }
.Ltmp17:
0x15c: {  	_ = 	snop;
	(pc) =	sbr.rel @!p0 .LBB2_32-.Ltmp17, $2  }
0x15d: {  	_ =	sdelay $0x2  }
0x15e: {  	v7 =	vld [tilespmem:s2+$0x0];
	s3 =	sadd.s32 $0xFFFFFFFF, s7  }
.LBB2_31:
0x15f: {  	p0 =	sne.s32 s3, $0x1;
	_ =	sdelay $0x3  }
0x160: {  	v7 =	vshrl.u32 v7, $0x4  }
0x161: {  	v7 =	vand.u32 $0xFF0, v7  }
0x162: {  	v7 =	vor.u32 v2, v7;
	_ =	sdelay $0x1  }
.Ltmp18:
0x163: {  	(pc) =	sbr.rel @p0 .LBB2_31-.Ltmp18, $3  }
0x164: {  	_ =	sdelay $0x1  }
0x165: {  	s2 =	sadd.s32 $0x10, s2;
	[tilespmem:v7+s14+$0x0] =	vst.idx.add.s32.msk $0xffff, v3  }
0x166: {  	s3 =	sadd.s32 $0xFFFFFFFF, s3;
	v7 =	vld [tilespmem:s2+$0x0]  }
.LBB2_32:
0x167: {  	_ =	sdelay $0x3  }
0x168: {  	v7 =	vshrl.u32 v7, $0x4  }
0x169: {  	v7 =	vand.u32 $0xFF0, v7  }
0x16a: {  	v7 =	vor.u32 v2, v7;
	_ =	sdelay $0x4  }
0x16b: {  	[tilespmem:v7+s14+$0x0] =	vst.idx.add.s32.msk $0xffff, v3  }
.LBB2_33:
0x16c: {  	s2 =	simm.s32 $0xB4F0  }
0x16d: {  	v7 =	vld [tilespmem:s2+$0x0];
	_ =	sdelay $0x4  }
0x16e: {  	(xrf0) =	vadd.scan.msk.s32 $0xffff, v7;
	_ =	sdelay $0x5  }
0x16f: {  	v7, _, _ =	vpop (xrf0)  }
0x170: {  	s23 =	simm.s32 $0xB4E0;
	(v2sf) =	vpush v7, $0xF  }
0x171: {  	v7 =	vld [tilespmem:s23+$0x0]  }
0x172: {  	s24 =	simm.s32 $0xB4D0  }
0x173: {  	v8 =	vld [tilespmem:s24+$0x0];
	_ =	sdelay $0x2  }
0x174: {  	(xrf0) =	vadd.scan.msk.s32 $0xffff, v7;
	_ =	sdelay $0x1  }
0x175: {  	(xrf0) =	vadd.scan.msk.s32 $0xffff, v8;
	_ =	sdelay $0x2  }
0x176: {  	s25 =	simm.s32 $0xB4C0  }
0x177: {  	v9 =	vld [tilespmem:s25+$0x0];
	v8, _, _ =	vpop (xrf0)  }
0x178: {  	(v2sf) =	vpush v8, $0xF  }
0x179: {  	v8, _, _ =	vpop (xrf0)  }
0x17a: {  	s30 =	spop (v2sf);
	(v2sf) =	vpush v8, $0xF;
	_ =	sdelay $0x1  }
0x17b: {  	s26 =	simm.s32 $0xB4B0;
	(xrf0) =	vadd.scan.msk.s32 $0xffff, v9  }
0x17c: {  	v7 =	vld [tilespmem:s26+$0x0]  }
0x17d: {  	s12 =	simm.s32 $0x0;
	s9 =	simm.s32 $0xFF  }
0x17e: {  	s8 =	simm.s32 $0xFD;
	s3 =	simm.s32 $0xFC;
	s11 =	simm.s32 $0xFB  }
0x17f: {  	s28 =	simm.s32 $0xFA;
	s29 =	simm.s32 $0xB4A0;
	p1 =	por $0x1, $0x1  }
0x180: {  	s10 =	simm.s32 $0x0;
	s24 =	simm.s32 $0xFE;
	s25 =	sadd.s32 $0x0, s30  }
0x181: {  	s2 =	simm.s32 $0x0;
	s26 =	simm.s32 $0x0;
	(xrf0) =	vadd.scan.msk.s32 $0xffff, v7;
	v7, _, _ =	vpop (xrf0);
	p2 =	sge.s32 s25, s0  }
.LBB2_34:
0x182: {  	p0 =	sne.s32 s28, $0x0;
	p1 =	por !p1, !p2;
	s5 =	smov.u32 s11  }
0x183: {  	v8 =	vld [tilespmem:s29+$0x0];
	(v2sf) =	vpush v7, $0xF;
	s11 =	smov.u32 s28;
	s28 =	sadd.s32 $0xFFFFFFFF, s28;
	s23 =	smov.u32 s26  }
.Ltmp19:
0x184: {  	s26 =	smov.u32 s25;
	p1 =	por !p1, !p1;
	(pc) =	sbr.rel @p0 .LBB2_34-.Ltmp19, $4  }
0x185: {  	s12 =	smov.u32 @p1 s9;
	s10 =	simm.s32 @p1 $0x1;
	s9 =	smov.u32 s24  }
0x186: {  	s2 =	smov.u32 @p1 s23;
	s24 =	smov.u32 s8;
	s30 =	spop (v2sf)  }
0x187: {  	s8 =	smov.u32 s3;
	s3 =	smov.u32 s5;
	s25 =	sadd.s32 s25, s30  }
0x188: {  	s29 =	sadd.s32 $0xFFFFFFF0, s29;
	p1 =	seq.s32 s10, $0x0;
	(xrf0) =	vadd.scan.msk.s32 $0xffff, v8;
	v7, _, _ =	vpop (xrf0);
	p2 =	sge.s32 s25, s0  }
0x189: {  	_ =	sdelay $0x1  }
0x18a: {  	(v2sf) =	vpush v7, $0xF;
	_ =	sdelay $0x2  }
0x18b: {  	v7, _, _ =	vpop (xrf0)  }
0x18c: {  	(v2sf) =	vpush v7, $0xF;
	_ =	sdelay $0x1  }
0x18d: {  	p0 =	por !p1, !p2  }
0x18e: {  	s5 =	spop (v2sf);
	p0 =	por !p0, !p0  }
0x18f: {  	s5 =	sadd.s32 s25, s5;
	s10 =	simm.s32 @p0 $0x1  }
0x190: {  	p4 =	sge.s32 s5, s0;
	p3 =	seq.s32 s10, $0x0  }
0x191: {  	p1 =	por !p3, !p4  }
0x192: {  	p1 =	por !p1, !p1;
	s23 =	spop (v2sf)  }
0x193: {  	s10 =	simm.s32 @p1 $0x1;
	s23 =	sadd.s32 s5, s23  }
0x194: {  	p5 =	seq.s32 s10, $0x0;
	p3 =	sge.s32 s23, s0  }
0x195: {  	p2 =	por !p5, !p3  }
0x196: {  	p2 =	por !p2, !p2;
	s28 =	spop (v2sf)  }
0x197: {  	s10 =	simm.s32 @p2 $0x1;
	s28 =	sadd.s32 s23, s28  }
0x198: {  	p6 =	seq.s32 s10, $0x0;
	p4 =	sge.s32 s28, s0  }
0x199: {  	s12 =	smov.u32 @p0 s9;
	s2 =	smov.u32 @p0 s26;
	p4 =	por !p6, !p4  }
0x19a: {  	s12 =	smov.u32 @p1 s24;
	p0 =	por !p4, !p4;
	s30 =	spop (v2sf)  }
0x19b: {  	s2 =	smov.u32 @p1 s25;
	s10 =	simm.s32 @p0 $0x1;
	s9 =	sadd.s32 s28, s30  }
0x19c: {  	s12 =	smov.u32 @p2 s8;
	p5 =	seq.s32 s10, $0x0;
	p6 =	sge.s32 s9, s0  }
0x19d: {  	s2 =	smov.u32 @p2 s5;
	s12 =	smov.u32 @p0 s3;
	p1 =	por !p5, !p6  }
0x19e: {  	s2 =	smov.u32 @p0 s23;
	p0 =	por !p1, !p1;
	p1 =	slt.s32 s7, $0x1  }
.Ltmp20:
0x19f: {  	_ = 	snop;
	(pc) =	sbr.rel @p1 .LBB2_42-.Ltmp20, $2  }
0x1a0: {  	_ =	sdelay $0x2  }
0x1a1: {  	s3 =	simm.s32 $0x0;
	s12 =	smov.u32 @p0 s11;
	s2 =	smov.u32 @p0 s28  }
0x1a2: {  	s3 =	simm.s32 $0x6300  }
0x1a3: {  	v7 =	vld [tilespmem:s3+$0x0]  }
0x1a4: {  	p1 =	sne.s32 s7, $0x1  }
.Ltmp21:
0x1a5: {  	_ = 	snop;
	(pc) =	sbr.rel @!p1 .LBB2_37-.Ltmp21, $3  }
0x1a6: {  	_ =	sdelay $0x1  }
0x1a7: {  	s11 =	simm.s32 $0x0;
	v9 =	vshrl.u32 v7, $0x8  }
0x1a8: {  	v8 =	vmov s12;
	s12 =	simm.s32 $0x8400;
	p0 =	por $0x0, $0x0;
	s3 =	sadd.s32 $0xFFFFFFFF, s7;
	v9 =	vand.u32 $0xFF, v9  }
0x1a9: {  	vm2 =	vgt.u32 v9, v8  }
0x1aa: {  	v10 =	vsel vm2, $0x1, v1  }
0x1ab: {  	(xrf0) =	vadd.scan.msk.s32 $0xffff, v10;
	_ =	sdelay $0x5  }
0x1ac: {  	v11, _, _ =	vpop (xrf0)  }
0x1ad: {  	(v2sf) =	vpush v11, $0xF;
	_ =	sdelay $0x5  }
0x1ae: {  	vm3 =	veq.s32 v9, v8  }
0x1af: {  	v9 =	vsel vm3, $0x1, v1  }
0x1b0: {  	(xrf0) =	vadd.scan.msk.s32 $0xffff, v9;
	_ =	sdelay $0x1  }
0x1b1: {  	v9 =	vmov s31  }
0x1b2: {  	v9 =	vadd.s32 $0xFFFFFFFF, v9  }
0x1b3: {  	v10 =	vmov s11;
	v9 =	vbroadcast v9, $0x0  }
0x1b4: {  	v10 =	vadd.s32 $0xFFFFFFFF, v10  }
0x1b5: {  	v10 =	vbroadcast v10, $0x0;
	v9 =	vadd.s32 v11, v9;
	v11, _, _ =	vpop (xrf0)  }
0x1b6: {  	v12 =	vld [tilespmem:s12+$0x0];
	s24 =	spop (v2sf);
	(v2sf) =	vpush v11, $0xF  }
0x1b7: {  	v10 =	vadd.s32 v11, v10;
	_ =	sdelay $0x2  }
0x1b8: {  	[tilespmem:v9+s15+$0x0] =	vst.idx.msk vm2, v7  }
0x1b9: {  	[tilespmem:v9+s16+$0x0] =	vst.idx.msk vm2, v12  }
0x1ba: {  	[tilespmem:v10+s17+$0x0] =	vst.idx.msk vm3, v7  }
0x1bb: {  	s9 =	simm.s32 $0x6310;
	[tilespmem:v10+s18+$0x0] =	vst.idx.msk vm3, v12  }
0x1bc: {  	v7 =	vld [tilespmem:s9+$0x0]  }
0x1bd: {  	p1 =	sne.s32 s3, $0x1  }
.Ltmp22:
0x1be: {  	_ = 	snop;
	(pc) =	sbr.rel @!p1 .LBB2_39-.Ltmp22, $3  }
0x1bf: {  	_ =	sdelay $0x1  }
0x1c0: {  	s10 =	sadd.s32 $0xFFFFFFFF, s3;
	p0 =	por $0x1, $0x1;
	v9 =	vshrl.u32 v7, $0x8  }
0x1c1: {  	s3 =	smov.u32 s31;
	s7 =	simm.s32 $0x8400;
	s8 =	simm.s32 $0x0;
	v9 =	vand.u32 $0xFF, v9  }
.LBB2_40:
0x1c2: {  	vm3 =	vgt.u32 v9, v8;
	vm2 =	veq.s32 v9, v8;
	s3 =	sadd.s32 s3, s24;
	s7 =	sadd.s32 $0x10, s7;
	s5 =	spop (v2sf)  }
0x1c3: {  	p1 =	sne.s32 s10, $0x1;
	s10 =	sadd.s32 $0xFFFFFFFF, s10;
	v9 =	vsel vm3, $0x1, v1;
	v10 =	vsel vm2, $0x1, v1;
	v11 =	vmov s3;
	s8 =	sadd.s32 s8, s5  }
0x1c4: {  	v11 =	vadd.s32 $0xFFFFFFFF, v11;
	v12 =	vmov s8;
	(xrf0) =	vadd.scan.msk.s32 $0xffff, v9  }
0x1c5: {  	v9 =	vadd.s32 $0xFFFFFFFF, v12;
	(xrf0) =	vadd.scan.msk.s32 $0xffff, v10;
	_ =	sdelay $0x3  }
0x1c6: {  	v10 =	vbroadcast v11, $0x0  }
0x1c7: {  	v11, _, _ =	vpop (xrf0)  }
0x1c8: {  	v9 =	vbroadcast v9, $0x0;
	v10 =	vadd.s32 v11, v10;
	v12, _, _ =	vpop (xrf0);
	(v2sf) =	vpush v11, $0xF  }
0x1c9: {  	v11 =	vld [tilespmem:s7+$0x0];
	(v2sf) =	vpush v12, $0xF  }
0x1ca: {  	v9 =	vadd.s32 v12, v9;
	_ =	sdelay $0x2  }
0x1cb: {  	[tilespmem:v10+s15+$0x0] =	vst.idx.msk vm3, v7  }
0x1cc: {  	[tilespmem:v10+s16+$0x0] =	vst.idx.msk vm3, v11  }
0x1cd: {  	[tilespmem:v9+s17+$0x0] =	vst.idx.msk vm2, v7  }
0x1ce: {  	s9 =	sadd.s32 $0x10, s9;
	[tilespmem:v9+s18+$0x0] =	vst.idx.msk vm2, v11  }
0x1cf: {  	v7 =	vld [tilespmem:s9+$0x0];
	_ =	sdelay $0x1  }
.Ltmp23:
0x1d0: {  	(pc) =	sbr.rel @p1 .LBB2_40-.Ltmp23, $3  }
0x1d1: {  	_ =	sdelay $0x1  }
0x1d2: {  	v9 =	vshrl.u32 v7, $0x8  }
0x1d3: {  	v9 =	vand.u32 $0xFF, v9;
	s24 =	spop (v2sf)  }
.LBB2_41:
0x1d4: {  	vm2 =	vgt.u32 v9, v8  }
0x1d5: {  	vm3 =	veq.s32 v9, v8;
	v8 =	vsel vm2, $0x1, v1  }
0x1d6: {  	v9 =	vsel vm3, $0x1, v1;
	(xrf0) =	vadd.scan.msk.s32 $0xffff, v8  }
0x1d7: {  	(xrf0) =	vadd.scan.msk.s32 $0xffff, v9;
	_ =	sdelay $0x4  }
0x1d8: {  	v8, _, _ =	vpop (xrf0)  }
0x1d9: {  	v9, _, _ =	vpop (xrf0);
	(v2sf) =	vpush v8, $0xF  }
0x1da: {  	(v2sf) =	vpush v9, $0xF;
	_ =	sdelay $0x1  }
0x1db: {  	s3 =	sadd.s32 @p0 s3, s24  }
0x1dc: {  	s5 =	spop @p0 (v2sf);
	s31 =	smov.u32 @p0 s3  }
0x1dd: {  	s3 =	sadd.s32 @p0 s8, s5;
	v10 =	vmov s31  }
0x1de: {  	s11 =	smov.u32 @p0 s3;
	v10 =	vadd.s32 $0xFFFFFFFF, v10  }
0x1df: {  	v11 =	vmov s11;
	v10 =	vbroadcast v10, $0x0  }
0x1e0: {  	s3 =	sadd.s32 @p0 $0x10, s7;
	v11 =	vadd.s32 $0xFFFFFFFF, v11  }
0x1e1: {  	s12 =	smov.u32 @p0 s3;
	v62 =	vbroadcast v11, $0x0;
	v8 =	vadd.s32 v8, v10  }
0x1e2: {  	v63 =	vld [tilespmem:s12+$0x0]  }
0x1e3: {  	v9 =	vadd.s32 v9, v62;
	_ =	sdelay $0x2  }
0x1e4: {  	[tilespmem:v8+s15+$0x0] =	vst.idx.msk vm2, v7  }
0x1e5: {  	[tilespmem:v8+s16+$0x0] =	vst.idx.msk vm2, v63;
	s29 =	spop (v2sf)  }
0x1e6: {  	[tilespmem:v9+s17+$0x0] =	vst.idx.msk vm3, v7;
	s30 =	spop (v2sf)  }
0x1e7: {  	[tilespmem:v9+s18+$0x0] =	vst.idx.msk vm3, v63;
	s31 =	sadd.s32 s31, s29;
	s3 =	sadd.s32 s11, s30  }
.LBB2_42:
0x1e8: {  	s5 =	sadd.s32 $0xF, s3  }
0x1e9: {  	s7 =	sand.u32 $0xF, s5  }
0x1ea: {  	s8 =	sshra.s32 s5, $0x1F;
	p0 =	slt.s32 s5, $0x1;
	p1 =	sne.s32 s7, $0x0  }
0x1eb: {  	s28 =	sshrl.u32 s8, $0x1C;
	p0 =	por !p0, !p1  }
0x1ec: {  	s7 =	simm.s32 $0x1;
	s5 =	sadd.s32 s28, s5;
	p0 =	por !p0, !p0  }
0x1ed: {  	s5 =	sshra.s32 s5, $0x4;
	s7 =	simm.s32 @!p0 $0x0  }
0x1ee: {  	s7 =	ssub.s32 s5, s7  }
0x1ef: {  	s5 =	sshll.u32 s7, $0x4  }
0x1f0: {  	v7 =	vld [tilespmem:s5+$0x20F0]  }
0x1f1: {  	v8 =	vld [tilespmem:s5+$0x41F0]  }
0x1f2: {  	s29 =	sadd.s32 $0xFFFFFFF0, s5  }
0x1f3: {  	v9 =	vor.u32 s29, v2  }
0x1f4: {  	s30 =	sadd.s32 $0x3FFFFFF0, s5;
	vm2 =	vlt.s32 v9, s3  }
0x1f5: {  	v63 =	vor.u32 s30, v2;
	v7 =	vnsel vm2, $0x0, v7  }
0x1f6: {  	[tilespmem:s5+$0x20F0] =	vst v7;
	v7 =	vsel vm2, v8, v63  }
0x1f7: {  	s0 =	ssub.s32 s0, s2;
	s2 =	simm.s32 $0x40;
	s3 =	simm.s32 $0x0;
	[tilespmem:s5+$0x41F0] =	vst v7  }
.LBB2_43:
0x1f8: {  	p0 =	seq.s32 s2, $0x3FC0;
	[tilespmem:s3+$0xA500] =	vst v1;
	s3 =	smov.u32 s2;
	s2 =	sadd.s32 $0x40, s2  }
.Ltmp24:
0x1f9: {  	(pc) =	sbr.rel @!p0 .LBB2_43-.Ltmp24, $2  }
0x1fa: {  	_ =	sdelay $0x2  }
0x1fb: {  	s3 =	sshra.s32 s3, $0x2  }
0x1fc: {  	p0 =	sgt.s32 s7, $0x0  }
.Ltmp25:
0x1fd: {  	_ = 	snop;
	(pc) =	sbr.rel @!p0 .LBB2_48-.Ltmp25, $2  }
0x1fe: {  	_ =	sdelay $0x2  }
0x1ff: {  	[tilespmem:s3+$0xA500] =	vst v1;
	s2 =	simm.s32 $0x2100  }
0x200: {  	p0 =	sne.s32 s7, $0x1  }
.Ltmp26:
0x201: {  	_ = 	snop;
	(pc) =	sbr.rel @!p0 .LBB2_47-.Ltmp26, $2  }
0x202: {  	_ =	sdelay $0x2  }
0x203: {  	v7 =	vld [tilespmem:s2+$0x0];
	s3 =	sadd.s32 $0xFFFFFFFF, s7  }
.LBB2_46:
0x204: {  	p0 =	sne.s32 s3, $0x1;
	_ =	sdelay $0x3  }
0x205: {  	v7 =	vshll.u32 v7, $0x4  }
0x206: {  	v7 =	vor.u32 v2, v7  }
0x207: {  	v7 =	vand.u32 $0xFFF, v7;
	_ =	sdelay $0x1  }
.Ltmp27:
0x208: {  	(pc) =	sbr.rel @p0 .LBB2_46-.Ltmp27, $3  }
0x209: {  	_ =	sdelay $0x1  }
0x20a: {  	s2 =	sadd.s32 $0x10, s2;
	[tilespmem:v7+s14+$0x0] =	vst.idx.add.s32.msk $0xffff, v3  }
0x20b: {  	s3 =	sadd.s32 $0xFFFFFFFF, s3;
	v7 =	vld [tilespmem:s2+$0x0]  }
.LBB2_47:
0x20c: {  	_ =	sdelay $0x3  }
0x20d: {  	v7 =	vshll.u32 v7, $0x4  }
0x20e: {  	v7 =	vor.u32 v2, v7  }
0x20f: {  	v7 =	vand.u32 $0xFFF, v7;
	_ =	sdelay $0x4  }
0x210: {  	[tilespmem:v7+s14+$0x0] =	vst.idx.add.s32.msk $0xffff, v3  }
.LBB2_48:
0x211: {  	s2 =	simm.s32 $0xB4F0  }
0x212: {  	v7 =	vld [tilespmem:s2+$0x0];
	_ =	sdelay $0x4  }
0x213: {  	(xrf0) =	vadd.scan.msk.s32 $0xffff, v7;
	_ =	sdelay $0x5  }
0x214: {  	v7, _, _ =	vpop (xrf0)  }
0x215: {  	s24 =	simm.s32 $0xB4E0;
	(v2sf) =	vpush v7, $0xF  }
0x216: {  	v7 =	vld [tilespmem:s24+$0x0]  }
0x217: {  	s25 =	simm.s32 $0xB4D0  }
0x218: {  	v8 =	vld [tilespmem:s25+$0x0];
	_ =	sdelay $0x2  }
0x219: {  	(xrf0) =	vadd.scan.msk.s32 $0xffff, v7;
	_ =	sdelay $0x1  }
0x21a: {  	(xrf0) =	vadd.scan.msk.s32 $0xffff, v8;
	_ =	sdelay $0x2  }
0x21b: {  	s26 =	simm.s32 $0xB4C0  }
0x21c: {  	v9 =	vld [tilespmem:s26+$0x0];
	v8, _, _ =	vpop (xrf0)  }
0x21d: {  	(v2sf) =	vpush v8, $0xF  }
0x21e: {  	v8, _, _ =	vpop (xrf0)  }
0x21f: {  	s5 =	spop (v2sf);
	(v2sf) =	vpush v8, $0xF;
	_ =	sdelay $0x1  }
0x220: {  	s30 =	simm.s32 $0xB4B0;
	(xrf0) =	vadd.scan.msk.s32 $0xffff, v9  }
0x221: {  	v7 =	vld [tilespmem:s30+$0x0]  }
0x222: {  	s9 =	simm.s32 $0xFF;
	s8 =	simm.s32 $0xFD  }
0x223: {  	s3 =	simm.s32 $0xFC;
	s11 =	simm.s32 $0xFB;
	s28 =	simm.s32 $0xFA  }
0x224: {  	s29 =	simm.s32 $0xB4A0;
	p1 =	por $0x1, $0x1;
	s10 =	simm.s32 $0x0  }
0x225: {  	s12 =	simm.s32 $0x0;
	s2 =	simm.s32 $0x0;
	s25 =	sadd.s32 $0x0, s5  }
0x226: {  	s26 =	simm.s32 $0x0;
	s24 =	simm.s32 $0xFE;
	(xrf0) =	vadd.scan.msk.s32 $0xffff, v7;
	v7, _, _ =	vpop (xrf0);
	p2 =	sge.s32 s25, s0  }
.LBB2_49:
0x227: {  	p0 =	sne.s32 s28, $0x0;
	p1 =	por !p1, !p2;
	s5 =	smov.u32 s11  }
0x228: {  	v8 =	vld [tilespmem:s29+$0x0];
	(v2sf) =	vpush v7, $0xF;
	s11 =	smov.u32 s28;
	s28 =	sadd.s32 $0xFFFFFFFF, s28;
	s23 =	smov.u32 s26  }
.Ltmp28:
0x229: {  	s26 =	smov.u32 s25;
	p1 =	por !p1, !p1;
	(pc) =	sbr.rel @p0 .LBB2_49-.Ltmp28, $4  }
0x22a: {  	s2 =	smov.u32 @p1 s9;
	s10 =	simm.s32 @p1 $0x1;
	s9 =	smov.u32 s24  }
0x22b: {  	s12 =	smov.u32 @p1 s23;
	s24 =	smov.u32 s8;
	s30 =	spop (v2sf)  }
0x22c: {  	s8 =	smov.u32 s3;
	s3 =	smov.u32 s5;
	s25 =	sadd.s32 s25, s30  }
0x22d: {  	s29 =	sadd.s32 $0xFFFFFFF0, s29;
	p1 =	seq.s32 s10, $0x0;
	(xrf0) =	vadd.scan.msk.s32 $0xffff, v8;
	v7, _, _ =	vpop (xrf0);
	p2 =	sge.s32 s25, s0  }
0x22e: {  	_ =	sdelay $0x1  }
0x22f: {  	(v2sf) =	vpush v7, $0xF;
	_ =	sdelay $0x2  }
0x230: {  	v7, _, _ =	vpop (xrf0)  }
0x231: {  	(v2sf) =	vpush v7, $0xF;
	_ =	sdelay $0x1  }
0x232: {  	p0 =	por !p1, !p2  }
0x233: {  	s5 =	spop (v2sf);
	p0 =	por !p0, !p0  }
0x234: {  	s5 =	sadd.s32 s25, s5;
	s10 =	simm.s32 @p0 $0x1  }
0x235: {  	p4 =	sge.s32 s5, s0;
	p3 =	seq.s32 s10, $0x0  }
0x236: {  	p1 =	por !p3, !p4  }
0x237: {  	p1 =	por !p1, !p1;
	s23 =	spop (v2sf)  }
0x238: {  	s10 =	simm.s32 @p1 $0x1;
	s23 =	sadd.s32 s5, s23  }
0x239: {  	p5 =	seq.s32 s10, $0x0;
	p3 =	sge.s32 s23, s0  }
0x23a: {  	p2 =	por !p5, !p3  }
0x23b: {  	p2 =	por !p2, !p2;
	s28 =	spop (v2sf)  }
0x23c: {  	s10 =	simm.s32 @p2 $0x1;
	s28 =	sadd.s32 s23, s28  }
0x23d: {  	p6 =	seq.s32 s10, $0x0;
	p4 =	sge.s32 s28, s0  }
0x23e: {  	s2 =	smov.u32 @p0 s9;
	s12 =	smov.u32 @p0 s26;
	p4 =	por !p6, !p4  }
0x23f: {  	s2 =	smov.u32 @p1 s24;
	p0 =	por !p4, !p4;
	s30 =	spop (v2sf)  }
0x240: {  	s12 =	smov.u32 @p1 s25;
	s10 =	simm.s32 @p0 $0x1;
	s9 =	sadd.s32 s28, s30  }
0x241: {  	s2 =	smov.u32 @p2 s8;
	p5 =	seq.s32 s10, $0x0;
	p6 =	sge.s32 s9, s0  }
0x242: {  	s12 =	smov.u32 @p2 s5;
	s2 =	smov.u32 @p0 s3;
	p1 =	por !p5, !p6  }
0x243: {  	s12 =	smov.u32 @p0 s23;
	p0 =	por !p1, !p1;
	p1 =	slt.s32 s7, $0x1  }
.Ltmp29:
0x244: {  	_ = 	snop;
	(pc) =	sbr.rel @p1 .LBB2_57-.Ltmp29, $2  }
0x245: {  	_ =	sdelay $0x2  }
0x246: {  	s2 =	smov.u32 @p0 s11;
	s12 =	smov.u32 @p0 s28  }
0x247: {  	p1 =	sne.s32 s7, $0x1  }
.Ltmp30:
0x248: {  	_ = 	snop;
	(pc) =	sbr.rel @!p1 .LBB2_52-.Ltmp30, $3  }
0x249: {  	_ =	sdelay $0x1  }
0x24a: {  	s0 =	ssub.s32 s0, s12;
	s11 =	simm.s32 $0x0;
	s3 =	simm.s32 $0x2100  }
0x24b: {  	v8 =	vmov s2;
	s2 =	sadd.s32 $0xFFFFFFFF, s7;
	p0 =	por $0x0, $0x0;
	v9 =	vmov s0;
	s0 =	simm.s32 $0x4200;
	v7 =	vld [tilespmem:s3+$0x0]  }
0x24c: {  	_ =	sdelay $0x3  }
0x24d: {  	v10 =	vand.u32 $0xFF, v7  }
0x24e: {  	vm2 =	veq.s32 v10, v8  }
0x24f: {  	v11 =	vsel vm2, $0x1, v1  }
0x250: {  	(xrf0) =	vadd.scan.msk.s32 $0xffff, v11;
	_ =	sdelay $0x5  }
0x251: {  	v11, _, _ =	vpop (xrf0)  }
0x252: {  	(v2sf) =	vpush v11, $0xF;
	_ =	sdelay $0x2  }
0x253: {  	v12 =	vadd.s32 s11, v11  }
0x254: {  	vm3 =	vle.s32 v12, v9  }
0x255: {  	vm4 =	vgt.u32 v10, v8;
	vm2 =	vmand vm2, vm3  }
0x256: {  	vm2 =	vmor vm4, vm2  }
0x257: {  	v10 =	vsel vm2, $0x1, v1  }
0x258: {  	(xrf0) =	vadd.scan.msk.s32 $0xffff, v10;
	_ =	sdelay $0x2  }
0x259: {  	v10 =	vmov s31  }
0x25a: {  	v10 =	vadd.s32 $0xFFFFFFFF, v10  }
0x25b: {  	v10 =	vbroadcast v10, $0x0  }
0x25c: {  	v11, _, _ =	vpop (xrf0)  }
0x25d: {  	v10 =	vadd.s32 v11, v10;
	s3 =	spop (v2sf);
	(v2sf) =	vpush v11, $0xF  }
0x25e: {  	v63 =	vld [tilespmem:s0+$0x0]  }
0x25f: {  	p1 =	sne.s32 s2, $0x1  }
.Ltmp31:
0x260: {  	_ = 	snop;
	(pc) =	sbr.rel @!p1 .LBB2_54-.Ltmp31, $4  }
0x261: {  	_ = 	snop  }
0x262: {  	[tilespmem:v10+s15+$0x0] =	vst.idx.msk vm2, v7  }
0x263: {  	s8 =	sadd.s32 $0xFFFFFFFF, s2;
	s11 =	sadd.s32 $0x0, s3;
	s3 =	simm.s32 $0x2110;
	[tilespmem:v10+s16+$0x0] =	vst.idx.msk vm2, v63  }
0x264: {  	p0 =	por $0x1, $0x1;
	s7 =	smov.u32 s31;
	s2 =	simm.s32 $0x4200;
	v7 =	vld [tilespmem:s3+$0x0]  }
.LBB2_55:
0x265: {  	p1 =	sne.s32 s8, $0x1;
	_ =	sdelay $0x3  }
0x266: {  	v10 =	vand.u32 $0xFF, v7  }
0x267: {  	vm2 =	vgt.u32 v10, v8;
	vm3 =	veq.s32 v10, v8  }
0x268: {  	v10 =	vsel vm3, $0x1, v1  }
0x269: {  	(xrf0) =	vadd.scan.msk.s32 $0xffff, v10;
	s5 =	spop (v2sf)  }
0x26a: {  	s7 =	sadd.s32 s7, s5  }
0x26b: {  	v10 =	vmov s7  }
0x26c: {  	v10 =	vadd.s32 $0xFFFFFFFF, v10  }
0x26d: {  	v10 =	vbroadcast v10, $0x0;
	_ =	sdelay $0x1  }
0x26e: {  	v11, _, _ =	vpop (xrf0)  }
0x26f: {  	v12 =	vadd.s32 s11, v11;
	(v2sf) =	vpush v11, $0xF  }
0x270: {  	vm4 =	vle.s32 v12, v9  }
0x271: {  	vm3 =	vmand vm3, vm4  }
0x272: {  	vm2 =	vmor vm2, vm3  }
0x273: {  	v11 =	vsel vm2, $0x1, v1  }
0x274: {  	(xrf0) =	vadd.scan.msk.s32 $0xffff, v11;
	_ =	sdelay $0x5  }
0x275: {  	v11, _, _ =	vpop (xrf0)  }
0x276: {  	s2 =	sadd.s32 $0x10, s2;
	v10 =	vadd.s32 v11, v10;
	(v2sf) =	vpush v11, $0xF  }
0x277: {  	v11 =	vld [tilespmem:s2+$0x0];
	_ =	sdelay $0x1  }
.Ltmp32:
0x278: {  	s5 =	spop (v2sf);
	(pc) =	sbr.rel @p1 .LBB2_55-.Ltmp32, $4  }
0x279: {  	s11 =	sadd.s32 s11, s5  }
0x27a: {  	[tilespmem:v10+s15+$0x0] =	vst.idx.msk vm2, v7  }
0x27b: {  	s3 =	sadd.s32 $0x10, s3;
	[tilespmem:v10+s16+$0x0] =	vst.idx.msk vm2, v11  }
0x27c: {  	s8 =	sadd.s32 $0xFFFFFFFF, s8;
	v7 =	vld [tilespmem:s3+$0x0]  }
.LBB2_56:
0x27d: {  	_ =	sdelay $0x3  }
0x27e: {  	v10 =	vand.u32 $0xFF, v7  }
0x27f: {  	vm2 =	veq.s32 v10, v8  }
0x280: {  	v11 =	vsel vm2, $0x1, v1  }
0x281: {  	(xrf0) =	vadd.scan.msk.s32 $0xffff, v11;
	_ =	sdelay $0x5  }
0x282: {  	v11, _, _ =	vpop (xrf0)  }
0x283: {  	v12 =	vadd.s32 s11, v11  }
0x284: {  	vm3 =	vle.s32 v12, v9  }
0x285: {  	vm4 =	vgt.u32 v10, v8;
	vm2 =	vmand vm2, vm3  }
0x286: {  	vm2 =	vmor vm4, vm2  }
0x287: {  	v8 =	vsel vm2, $0x1, v1  }
0x288: {  	(xrf0) =	vadd.scan.msk.s32 $0xffff, v8;
	_ =	sdelay $0x5  }
0x289: {  	(v2sf) =	vpush v11, $0xF;
	v8, _, _ =	vpop (xrf0)  }
0x28a: {  	(v2sf) =	vpush v8, $0xF;
	_ =	sdelay $0x1  }
0x28b: {  	s3 =	spop @p0 (v2sf)  }
0x28c: {  	s3 =	sadd.s32 @p0 s7, s3  }
0x28d: {  	s31 =	smov.u32 @p0 s3  }
0x28e: {  	v62 =	vmov s31  }
0x28f: {  	v9 =	vadd.s32 $0xFFFFFFFF, v62  }
0x290: {  	v9 =	vbroadcast v9, $0x0  }
0x291: {  	s2 =	sadd.s32 @p0 $0x10, s2  }
0x292: {  	s0 =	smov.u32 @p0 s2;
	v8 =	vadd.s32 v8, v9  }
0x293: {  	v63 =	vld [tilespmem:s0+$0x0];
	_ =	sdelay $0x3  }
0x294: {  	s30 =	spop (v2sf);
	[tilespmem:v8+s15+$0x0] =	vst.idx.msk vm2, v7  }
0x295: {  	[tilespmem:v8+s16+$0x0] =	vst.idx.msk vm2, v63;
	s31 =	spop (v2sf)  }
.LBB2_57:
0x296: {  	s0 =	simm.s32 $0x0  }
.LBB2_58:
0x297: {  	s2 =	sand.u32 $0x1F0, s0  }
0x298: {  	v7 =	vld [tilespmem:s2+$0xB500]  }
0x299: {  	v8 =	vld [tilespmem:s2+$0xB680]  }
0x29a: {  	s31 =	sand.u32 $0xF, s0  }
0x29b: {  	v9 =	vmov s31  }
0x29c: {  	vm2 =	veq.s32 v9, v2  }
0x29d: {  	v7 =	vnsel vm2, $0x0, v7  }
0x29e: {  	(xrf0) =	vadd.scan.msk.s32 $0xffff, v7;
	v7 =	vnsel vm2, $0x0, v8  }
0x29f: {  	(xrf0) =	vadd.scan.msk.s32 $0xffff, v7;
	_ =	sdelay $0x4  }
0x2a0: {  	s3 =	simm.s32 $0x0;
	v7, _, _ =	vpop (xrf0)  }
0x2a1: {  	v9 =	vld [tilespmem:s3+$0xB500];
	v11, _, _ =	vpop (xrf0)  }
0x2a2: {  	v10 =	vbroadcast v7, $0xF;
	v7 =	vbroadcast v11, $0xF;
	v11 =	vld [tilespmem:s3+$0xB680];
	_ =	sdelay $0x1  }
0x2a3: {  	s2 =	simm.s32 $0x40;
	v8 =	vimm.s32 $0x0  }
.LBB2_59:
0x2a4: {  	p0 =	sne.s32 s2, $0x480  }
.Ltmp33:
0x2a5: {  	s3 =	sshra.s32 s2, $0x2;
	(pc) =	sbr.rel @p0 .LBB2_59-.Ltmp33, $4  }
0x2a6: {  	s2 =	sadd.s32 $0x40, s2;
	vm2 =	vgt.u32 v9, v10;
	vm3 =	veq.s32 v9, v10;
	v9 =	vld [tilespmem:s3+$0xB500];
	vm4 =	vlt.s32 v11, v7  }
0x2a7: {  	v12 =	vsel vm2, $0x1, v1;
	v11 =	vld [tilespmem:s3+$0xB680];
	vm2 =	vmand vm3, vm4  }
0x2a8: {  	v8 =	vadd.s32 v12, v8;
	v13 =	vsel vm2, $0x1, v1  }
0x2a9: {  	v8 =	vadd.s32 v13, v8  }
0x2aa: {  	_ =	sdelay $0x1  }
0x2ab: {  	vm2 =	vgt.u32 v9, v10;
	vm3 =	veq.s32 v9, v10;
	vm4 =	vlt.s32 v11, v7  }
0x2ac: {  	v62 =	vsel vm2, $0x1, v1;
	vm2 =	vmand vm3, vm4  }
0x2ad: {  	v8 =	vadd.s32 v62, v8;
	v63 =	vsel vm2, $0x1, v1  }
0x2ae: {  	v8 =	vadd.s32 v63, v8  }
0x2af: {  	(xrf0) =	vadd.scan.msk.s32 $0xffff, v8;
	_ =	sdelay $0x5  }
0x2b0: {  	v8, _, _ =	vpop (xrf0)  }
0x2b1: {  	s0 =	sadd.s32 $0x1, s0;
	v8 =	vbroadcast v8, $0xF  }
0x2b2: {  	p0 =	sne.s32 s0, $0x130  }
.Ltmp34:
0x2b3: {  	_ = 	snop;
	(pc) =	sbr.rel @p0 .LBB2_58-.Ltmp34, $2  }
0x2b4: {  	_ =	sdelay $0x2  }
0x2b5: {  	[tilespmem:v8+s22+$0x0] =	vst.idx.msk $0x1, v7  }
0x2b6: {  	v7 =	vld [tilespmem:$0xB920]  }
0x2b7: {  	v8 =	vld [tilespmem:$0xB800]  }
0x2b8: {  	v9 =	vld [tilespmem:$0xB810]  }
0x2b9: {  	v10 =	vld [tilespmem:$0xB820]  }
0x2ba: {  	v48 =	vld [tilespmem:$0xB850]  }
0x2bb: {  	v50 =	vld [tilespmem:$0xB860]  }
0x2bc: {  	v52 =	vld [tilespmem:$0xB890];
	[tilespmem:$0xBB80] =	vst v8  }
0x2bd: {  	[tilespmem:$0xBB90] =	vst v9  }
0x2be: {  	[tilespmem:$0xBBA0] =	vst v10  }
0x2bf: {  	[tilespmem:$0xBBD0] =	vst v48  }
0x2c0: {  	v54 =	vld [tilespmem:$0xB8A0];
	[tilespmem:$0xBBE0] =	vst v50  }
0x2c1: {  	v56 =	vld [tilespmem:$0xB8D0];
	v7 =	vnsel vm0, $0x0, v7;
	[tilespmem:$0xBC10] =	vst v52  }
0x2c2: {  	v58 =	vld [tilespmem:$0xB8E0];
	[tilespmem:$0xB920] =	vst v7;
	v7 =	vadd.s32 v0, v8  }
0x2c3: {  	v8 =	vadd.s32 v0, v9;
	[tilespmem:$0xB980] =	vst v7;
	v7 =	vld [tilespmem:$0xB830]  }
0x2c4: {  	[tilespmem:$0xB990] =	vst v8;
	v8 =	vld [tilespmem:$0xB840]  }
0x2c5: {  	[tilespmem:$0xBC80] =	vst v54  }
0x2c6: {  	[tilespmem:$0xBCB0] =	vst v56  }
0x2c7: {  	v60 =	vld [tilespmem:$0xB910];
	[tilespmem:$0xBCC0] =	vst v58  }
0x2c8: {  	[tilespmem:$0xBBB0] =	vst v7  }
0x2c9: {  	v49 =	vadd.s32 v0, v7;
	v7 =	vadd.s32 v0, v8;
	[tilespmem:$0xBBC0] =	vst v8  }
0x2ca: {  	v8 =	vadd.s32 v0, v48;
	[tilespmem:$0xB9C0] =	vst v7;
	v7 =	vld [tilespmem:$0xB870]  }
0x2cb: {  	[tilespmem:$0xB9D0] =	vst v8;
	v8 =	vld [tilespmem:$0xB880]  }
0x2cc: {  	v47 =	vadd.s32 v0, v10;
	[tilespmem:$0xBCF0] =	vst v60  }
0x2cd: {  	v51 =	vadd.s32 v0, v50;
	[tilespmem:$0xB9A0] =	vst v47  }
0x2ce: {  	[tilespmem:$0xB9E0] =	vst v51  }
0x2cf: {  	[tilespmem:$0xBBF0] =	vst v7  }
0x2d0: {  	v62 =	vld [tilespmem:$0xB920];
	v53 =	vadd.s32 v0, v7;
	v7 =	vadd.s32 v0, v8;
	[tilespmem:$0xBC00] =	vst v8  }
0x2d1: {  	v8 =	vadd.s32 v0, v52;
	[tilespmem:$0xBA00] =	vst v7;
	v7 =	vld [tilespmem:$0xB8B0]  }
0x2d2: {  	v55 =	vadd.s32 v0, v54;
	[tilespmem:$0xBA10] =	vst v8;
	v8 =	vld [tilespmem:$0xB8C0]  }
0x2d3: {  	v59 =	vadd.s32 v0, v58;
	[tilespmem:$0xBA80] =	vst v55  }
0x2d4: {  	[tilespmem:$0xBAC0] =	vst v59;
	v11 =	vld [tilespmem:$0xB980]  }
0x2d5: {  	[tilespmem:$0xBD00] =	vst v62  }
0x2d6: {  	[tilespmem:$0xBC90] =	vst v7  }
0x2d7: {  	v57 =	vadd.s32 v0, v7;
	v7 =	vadd.s32 v0, v8;
	[tilespmem:$0xBCA0] =	vst v8  }
0x2d8: {  	v8 =	vadd.s32 v0, v56;
	[tilespmem:$0xBAA0] =	vst v7;
	v7 =	vld [tilespmem:$0xB8F0]  }
0x2d9: {  	v12 =	vshll.u32 v11, $0x1;
	[tilespmem:$0xBAB0] =	vst v8;
	v8 =	vld [tilespmem:$0xB900]  }
0x2da: {  	[tilespmem:$0xB9B0] =	vst v49;
	v11 =	vand.u32 $0x7, v11;
	v12 =	vand.u32 $0xFFFFFFF0, v12  }
0x2db: {  	v11 =	vor.u32 v11, v12;
	[tilespmem:$0xB9F0] =	vst v53  }
0x2dc: {  	v12 =	vperm.xlane v11, v4;
	[tilespmem:$0xBA90] =	vst v57  }
0x2dd: {  	v11 =	vperm.xlane v11, v6;
	[tilespmem:$0xBCD0] =	vst v7  }
0x2de: {  	v61 =	vadd.s32 v0, v7;
	v7 =	vadd.s32 v0, v8;
	[tilespmem:$0xBCE0] =	vst v8;
	v8 =	vadd.s32 v5, v12  }
0x2df: {  	[tilespmem:$0xBAD0] =	vst v61  }
0x2e0: {  	v63 =	vadd.s32 v5, v11;
	[tilespmem:$0xBAE0] =	vst v7;
	v7 =	vadd.s32 v0, v60  }
0x2e1: {  	[tilespmem:$0xBAF0] =	vst v7;
	v7 =	vadd.s32 v0, v62  }
0x2e2: {  	s2 =	simm.s32 $0xBD80;
	[tilespmem:$0xBB00] =	vst v7  }
0x2e3: {  	[tilespmem:s2], [sflag:$0x1] =	stream.indirect_vreg.gather [hbm4b:s1+s4], $0x80, v8, vm1, $0xb8;
	[tilespmem:$0x1AD80] =	vst v63  }
0x2e4: {  	s3 =	simm.s32 $0xC580  }
0x2e5: {  	[tilespmem:s3], [sflag:$0x1] =	stream.indirect_vreg.gather [hbm4b:s1+s4], $0x80, v63, vm1, $0xb8;
	[tilespmem:$0x1AD80] =	vst v63  }
0x2e6: {  	v7 =	vld [tilespmem:$0xB990];
	_ =	sdelay $0x4  }
0x2e7: {  	v8 =	vshll.u32 v7, $0x1  }
0x2e8: {  	v7 =	vand.u32 $0x7, v7;
	v8 =	vand.u32 $0xFFFFFFF0, v8  }
0x2e9: {  	v7 =	vor.u32 v7, v8  }
0x2ea: {  	v8 =	vperm.xlane v7, v4;
	_ =	sdelay $0x1  }
0x2eb: {  	v7 =	vperm.xlane v7, v6;
	v8 =	vadd.s32 v5, v8;
	_ =	sdelay $0x1  }
0x2ec: {  	v7 =	vadd.s32 v5, v7;
	_ =	sdelay $0x1  }
0x2ed: {  	s5 =	simm.s32 $0xCD80  }
0x2ee: {  	[tilespmem:s5], [sflag:$0x1] =	stream.indirect_vreg.gather [hbm4b:s1+s4], $0x80, v8, vm1, $0xb8;
	[tilespmem:$0x1AD80] =	vst v63  }
0x2ef: {  	s7 =	simm.s32 $0xD580  }
0x2f0: {  	[tilespmem:s7], [sflag:$0x1] =	stream.indirect_vreg.gather [hbm4b:s1+s4], $0x80, v7, vm1, $0xb8;
	[tilespmem:$0x1AD80] =	vst v63  }
0x2f1: {  	v7 =	vld [tilespmem:$0xB9A0];
	_ =	sdelay $0x4  }
0x2f2: {  	v8 =	vshll.u32 v7, $0x1  }
0x2f3: {  	v7 =	vand.u32 $0x7, v7;
	v8 =	vand.u32 $0xFFFFFFF0, v8  }
0x2f4: {  	v7 =	vor.u32 v7, v8  }
0x2f5: {  	v8 =	vperm.xlane v7, v4;
	_ =	sdelay $0x1  }
0x2f6: {  	v7 =	vperm.xlane v7, v6;
	v8 =	vadd.s32 v5, v8;
	_ =	sdelay $0x1  }
0x2f7: {  	v7 =	vadd.s32 v5, v7;
	_ =	sdelay $0x1  }
0x2f8: {  	s8 =	simm.s32 $0xDD80  }
0x2f9: {  	[tilespmem:s8], [sflag:$0x1] =	stream.indirect_vreg.gather [hbm4b:s1+s4], $0x80, v8, vm1, $0xb8;
	[tilespmem:$0x1AD80] =	vst v63  }
0x2fa: {  	s9 =	simm.s32 $0xE580  }
0x2fb: {  	[tilespmem:s9], [sflag:$0x1] =	stream.indirect_vreg.gather [hbm4b:s1+s4], $0x80, v7, vm1, $0xb8;
	[tilespmem:$0x1AD80] =	vst v63  }
0x2fc: {  	v7 =	vld [tilespmem:$0xB9B0];
	_ =	sdelay $0x4  }
0x2fd: {  	v8 =	vshll.u32 v7, $0x1  }
0x2fe: {  	v7 =	vand.u32 $0x7, v7;
	v8 =	vand.u32 $0xFFFFFFF0, v8  }
0x2ff: {  	v7 =	vor.u32 v7, v8  }
0x300: {  	v8 =	vperm.xlane v7, v4;
	_ =	sdelay $0x1  }
0x301: {  	v7 =	vperm.xlane v7, v6;
	v8 =	vadd.s32 v5, v8;
	_ =	sdelay $0x1  }
0x302: {  	v7 =	vadd.s32 v5, v7;
	_ =	sdelay $0x1  }
0x303: {  	s10 =	simm.s32 $0xED80  }
0x304: {  	[tilespmem:s10], [sflag:$0x1] =	stream.indirect_vreg.gather [hbm4b:s1+s4], $0x80, v8, vm1, $0xb8;
	[tilespmem:$0x1AD80] =	vst v63  }
0x305: {  	s11 =	simm.s32 $0xF580  }
0x306: {  	[tilespmem:s11], [sflag:$0x1] =	stream.indirect_vreg.gather [hbm4b:s1+s4], $0x80, v7, vm1, $0xb8;
	[tilespmem:$0x1AD80] =	vst v63  }
0x307: {  	v7 =	vld [tilespmem:$0xB9C0];
	_ =	sdelay $0x4  }
0x308: {  	v8 =	vshll.u32 v7, $0x1  }
0x309: {  	v7 =	vand.u32 $0x7, v7;
	v8 =	vand.u32 $0xFFFFFFF0, v8  }
0x30a: {  	v7 =	vor.u32 v7, v8  }
0x30b: {  	v8 =	vperm.xlane v7, v4;
	_ =	sdelay $0x1  }
0x30c: {  	v7 =	vperm.xlane v7, v6;
	v8 =	vadd.s32 v5, v8;
	_ =	sdelay $0x1  }
0x30d: {  	v7 =	vadd.s32 v5, v7;
	_ =	sdelay $0x1  }
0x30e: {  	s12 =	simm.s32 $0xFD80  }
0x30f: {  	[tilespmem:s12], [sflag:$0x1] =	stream.indirect_vreg.gather [hbm4b:s1+s4], $0x80, v8, vm1, $0xb8;
	[tilespmem:$0x1AD80] =	vst v63  }
0x310: {  	s23 =	simm.s32 $0x10580  }
0x311: {  	[tilespmem:s23], [sflag:$0x1] =	stream.indirect_vreg.gather [hbm4b:s1+s4], $0x80, v7, vm1, $0xb8;
	[tilespmem:$0x1AD80] =	vst v63  }
0x312: {  	v7 =	vld [tilespmem:$0xB9D0];
	_ =	sdelay $0x4  }
0x313: {  	v8 =	vshll.u32 v7, $0x1  }
0x314: {  	v7 =	vand.u32 $0x7, v7;
	v8 =	vand.u32 $0xFFFFFFF0, v8  }
0x315: {  	v7 =	vor.u32 v7, v8  }
0x316: {  	v8 =	vperm.xlane v7, v4;
	_ =	sdelay $0x1  }
0x317: {  	v7 =	vperm.xlane v7, v6;
	v8 =	vadd.s32 v5, v8;
	_ =	sdelay $0x1  }
0x318: {  	v7 =	vadd.s32 v5, v7;
	_ =	sdelay $0x1  }
0x319: {  	s24 =	simm.s32 $0x10D80  }
0x31a: {  	[tilespmem:s24], [sflag:$0x1] =	stream.indirect_vreg.gather [hbm4b:s1+s4], $0x80, v8, vm1, $0xb8;
	[tilespmem:$0x1AD80] =	vst v63  }
0x31b: {  	s25 =	simm.s32 $0x11580  }
0x31c: {  	[tilespmem:s25], [sflag:$0x1] =	stream.indirect_vreg.gather [hbm4b:s1+s4], $0x80, v7, vm1, $0xb8;
	[tilespmem:$0x1AD80] =	vst v63  }
0x31d: {  	v7 =	vld [tilespmem:$0xB9E0];
	_ =	sdelay $0x4  }
0x31e: {  	v8 =	vshll.u32 v7, $0x1  }
0x31f: {  	v7 =	vand.u32 $0x7, v7;
	v8 =	vand.u32 $0xFFFFFFF0, v8  }
0x320: {  	v7 =	vor.u32 v7, v8  }
0x321: {  	v8 =	vperm.xlane v7, v4;
	_ =	sdelay $0x1  }
0x322: {  	v7 =	vperm.xlane v7, v6;
	v8 =	vadd.s32 v5, v8;
	_ =	sdelay $0x1  }
0x323: {  	v7 =	vadd.s32 v5, v7;
	_ =	sdelay $0x1  }
0x324: {  	s26 =	simm.s32 $0x11D80  }
0x325: {  	[tilespmem:s26], [sflag:$0x1] =	stream.indirect_vreg.gather [hbm4b:s1+s4], $0x80, v8, vm1, $0xb8;
	[tilespmem:$0x1AD80] =	vst v63  }
0x326: {  	s28 =	simm.s32 $0x12580  }
0x327: {  	[tilespmem:s28], [sflag:$0x1] =	stream.indirect_vreg.gather [hbm4b:s1+s4], $0x80, v7, vm1, $0xb8;
	[tilespmem:$0x1AD80] =	vst v63  }
0x328: {  	v7 =	vld [tilespmem:$0xB9F0];
	_ =	sdelay $0x4  }
0x329: {  	v8 =	vshll.u32 v7, $0x1  }
0x32a: {  	v7 =	vand.u32 $0x7, v7;
	v8 =	vand.u32 $0xFFFFFFF0, v8  }
0x32b: {  	v7 =	vor.u32 v7, v8  }
0x32c: {  	v8 =	vperm.xlane v7, v4;
	_ =	sdelay $0x1  }
0x32d: {  	v7 =	vperm.xlane v7, v6;
	v8 =	vadd.s32 v5, v8;
	_ =	sdelay $0x1  }
0x32e: {  	v7 =	vadd.s32 v5, v7;
	_ =	sdelay $0x1  }
0x32f: {  	s29 =	simm.s32 $0x12D80  }
0x330: {  	[tilespmem:s29], [sflag:$0x1] =	stream.indirect_vreg.gather [hbm4b:s1+s4], $0x80, v8, vm1, $0xb8;
	[tilespmem:$0x1AD80] =	vst v63  }
0x331: {  	s30 =	simm.s32 $0x13580  }
0x332: {  	[tilespmem:s30], [sflag:$0x1] =	stream.indirect_vreg.gather [hbm4b:s1+s4], $0x80, v7, vm1, $0xb8;
	[tilespmem:$0x1AD80] =	vst v63  }
0x333: {  	v7 =	vld [tilespmem:$0xBA00];
	_ =	sdelay $0x4  }
0x334: {  	v8 =	vshll.u32 v7, $0x1  }
0x335: {  	v7 =	vand.u32 $0x7, v7;
	v8 =	vand.u32 $0xFFFFFFF0, v8  }
0x336: {  	v7 =	vor.u32 v7, v8  }
0x337: {  	v8 =	vperm.xlane v7, v4;
	_ =	sdelay $0x1  }
0x338: {  	v7 =	vperm.xlane v7, v6;
	v8 =	vadd.s32 v5, v8;
	_ =	sdelay $0x1  }
0x339: {  	v7 =	vadd.s32 v5, v7;
	_ =	sdelay $0x1  }
0x33a: {  	s31 =	simm.s32 $0x13D80  }
0x33b: {  	[tilespmem:s31], [sflag:$0x1] =	stream.indirect_vreg.gather [hbm4b:s1+s4], $0x80, v8, vm1, $0xb8;
	[tilespmem:$0x1AD80] =	vst v63  }
0x33c: {  	_ = 	snop  }
0x33d: {  	[tilespmem:s19], [sflag:$0x1] =	stream.indirect_vreg.gather [hbm4b:s1+s4], $0x80, v7, vm1, $0xb8;
	[tilespmem:$0x1AD80] =	vst v63  }
0x33e: {  	v7 =	vld [tilespmem:$0xBA10];
	_ =	sdelay $0x4  }
0x33f: {  	v8 =	vshll.u32 v7, $0x1  }
0x340: {  	v7 =	vand.u32 $0x7, v7;
	v8 =	vand.u32 $0xFFFFFFF0, v8  }
0x341: {  	v7 =	vor.u32 v7, v8  }
0x342: {  	v8 =	vperm.xlane v7, v4;
	_ =	sdelay $0x1  }
0x343: {  	v7 =	vperm.xlane v7, v6;
	v8 =	vadd.s32 v5, v8;
	_ =	sdelay $0x1  }
0x344: {  	v7 =	vadd.s32 v5, v7;
	_ =	sdelay $0x1  }
0x345: {  	s0 =	simm.s32 $0x14D80  }
0x346: {  	[tilespmem:s0], [sflag:$0x1] =	stream.indirect_vreg.gather [hbm4b:s1+s4], $0x80, v8, vm1, $0xb8;
	[tilespmem:$0x1AD80] =	vst v63  }
0x347: {  	s0 =	simm.s32 $0x15580  }
0x348: {  	[tilespmem:s0], [sflag:$0x1] =	stream.indirect_vreg.gather [hbm4b:s1+s4], $0x80, v7, vm1, $0xb8;
	[tilespmem:$0x1AD80] =	vst v63  }
0x349: {  	_ =	swait.ge [sflag:s6], $0xA000  }
0x34a: {  	[sflag:s6] =	ssyncset.done $0x0  }
0x34b: {  	s0 =	rddreg [dreg:$0x5];
	[sflag:s6] =	ssyncadd.s32 $0xFFFF6000  }
0x34c: {  	[hbm4b:s0+s4] =	stream.linear.scatter [tilespmem:s2], [sflag:$0x2], $0xA000, $0x38;
	[tilespmem:$0x1AD80] =	vst v63  }
0x34d: {  	_ =	swait.ge [sflag:s13], $0xA000  }
0x34e: {  	[sflag:s13] =	ssyncset.done $0x0  }
0x34f: {  	[sflag:s13] =	ssyncadd.s32 $0xFFFF6000  }
0x350: {  	v7 =	vld [tilespmem:$0xBA80];
	_ =	sdelay $0x4  }
0x351: {  	v8 =	vshll.u32 v7, $0x1  }
0x352: {  	v7 =	vand.u32 $0x7, v7;
	v8 =	vand.u32 $0xFFFFFFF0, v8  }
0x353: {  	v7 =	vor.u32 v7, v8  }
0x354: {  	v8 =	vperm.xlane v7, v4;
	_ =	sdelay $0x1  }
0x355: {  	v7 =	vperm.xlane v7, v6;
	v8 =	vadd.s32 v5, v8;
	_ =	sdelay $0x1  }
0x356: {  	v7 =	vadd.s32 v5, v7;
	_ =	sdelay $0x2  }
0x357: {  	[tilespmem:s2], [sflag:$0x1] =	stream.indirect_vreg.gather [hbm4b:s1+s4], $0x80, v8, vm1, $0xb8;
	[tilespmem:$0x1AD80] =	vst v63  }
0x358: {  	_ = 	snop  }
0x359: {  	[tilespmem:s3], [sflag:$0x1] =	stream.indirect_vreg.gather [hbm4b:s1+s4], $0x80, v7, vm1, $0xb8;
	[tilespmem:$0x1AD80] =	vst v63  }
0x35a: {  	v7 =	vld [tilespmem:$0xBA90];
	_ =	sdelay $0x4  }
0x35b: {  	v8 =	vshll.u32 v7, $0x1  }
0x35c: {  	v7 =	vand.u32 $0x7, v7;
	v8 =	vand.u32 $0xFFFFFFF0, v8  }
0x35d: {  	v7 =	vor.u32 v7, v8  }
0x35e: {  	v8 =	vperm.xlane v7, v4;
	_ =	sdelay $0x1  }
0x35f: {  	v7 =	vperm.xlane v7, v6;
	v8 =	vadd.s32 v5, v8;
	_ =	sdelay $0x1  }
0x360: {  	v7 =	vadd.s32 v5, v7;
	_ =	sdelay $0x2  }
0x361: {  	[tilespmem:s5], [sflag:$0x1] =	stream.indirect_vreg.gather [hbm4b:s1+s4], $0x80, v8, vm1, $0xb8;
	[tilespmem:$0x1AD80] =	vst v63  }
0x362: {  	_ = 	snop  }
0x363: {  	[tilespmem:s7], [sflag:$0x1] =	stream.indirect_vreg.gather [hbm4b:s1+s4], $0x80, v7, vm1, $0xb8;
	[tilespmem:$0x1AD80] =	vst v63  }
0x364: {  	v7 =	vld [tilespmem:$0xBAA0];
	_ =	sdelay $0x4  }
0x365: {  	v8 =	vshll.u32 v7, $0x1  }
0x366: {  	v7 =	vand.u32 $0x7, v7;
	v8 =	vand.u32 $0xFFFFFFF0, v8  }
0x367: {  	v7 =	vor.u32 v7, v8  }
0x368: {  	v8 =	vperm.xlane v7, v4;
	_ =	sdelay $0x1  }
0x369: {  	v7 =	vperm.xlane v7, v6;
	v8 =	vadd.s32 v5, v8;
	_ =	sdelay $0x1  }
0x36a: {  	v7 =	vadd.s32 v5, v7;
	_ =	sdelay $0x2  }
0x36b: {  	[tilespmem:s8], [sflag:$0x1] =	stream.indirect_vreg.gather [hbm4b:s1+s4], $0x80, v8, vm1, $0xb8;
	[tilespmem:$0x1AD80] =	vst v63  }
0x36c: {  	_ = 	snop  }
0x36d: {  	[tilespmem:s9], [sflag:$0x1] =	stream.indirect_vreg.gather [hbm4b:s1+s4], $0x80, v7, vm1, $0xb8;
	[tilespmem:$0x1AD80] =	vst v63  }
0x36e: {  	v7 =	vld [tilespmem:$0xBAB0];
	_ =	sdelay $0x4  }
0x36f: {  	v8 =	vshll.u32 v7, $0x1  }
0x370: {  	v7 =	vand.u32 $0x7, v7;
	v8 =	vand.u32 $0xFFFFFFF0, v8  }
0x371: {  	v7 =	vor.u32 v7, v8  }
0x372: {  	v8 =	vperm.xlane v7, v4;
	_ =	sdelay $0x1  }
0x373: {  	v7 =	vperm.xlane v7, v6;
	v8 =	vadd.s32 v5, v8;
	_ =	sdelay $0x1  }
0x374: {  	v7 =	vadd.s32 v5, v7;
	_ =	sdelay $0x2  }
0x375: {  	[tilespmem:s10], [sflag:$0x1] =	stream.indirect_vreg.gather [hbm4b:s1+s4], $0x80, v8, vm1, $0xb8;
	[tilespmem:$0x1AD80] =	vst v63  }
0x376: {  	_ = 	snop  }
0x377: {  	[tilespmem:s11], [sflag:$0x1] =	stream.indirect_vreg.gather [hbm4b:s1+s4], $0x80, v7, vm1, $0xb8;
	[tilespmem:$0x1AD80] =	vst v63  }
0x378: {  	v7 =	vld [tilespmem:$0xBAC0];
	_ =	sdelay $0x4  }
0x379: {  	v8 =	vshll.u32 v7, $0x1  }
0x37a: {  	v7 =	vand.u32 $0x7, v7;
	v8 =	vand.u32 $0xFFFFFFF0, v8  }
0x37b: {  	v7 =	vor.u32 v7, v8  }
0x37c: {  	v8 =	vperm.xlane v7, v4;
	_ =	sdelay $0x1  }
0x37d: {  	v7 =	vperm.xlane v7, v6;
	v8 =	vadd.s32 v5, v8;
	_ =	sdelay $0x1  }
0x37e: {  	v7 =	vadd.s32 v5, v7;
	_ =	sdelay $0x2  }
0x37f: {  	[tilespmem:s12], [sflag:$0x1] =	stream.indirect_vreg.gather [hbm4b:s1+s4], $0x80, v8, vm1, $0xb8;
	[tilespmem:$0x1AD80] =	vst v63  }
0x380: {  	_ = 	snop  }
0x381: {  	[tilespmem:s23], [sflag:$0x1] =	stream.indirect_vreg.gather [hbm4b:s1+s4], $0x80, v7, vm1, $0xb8;
	[tilespmem:$0x1AD80] =	vst v63  }
0x382: {  	v7 =	vld [tilespmem:$0xBAD0];
	_ =	sdelay $0x4  }
0x383: {  	v8 =	vshll.u32 v7, $0x1  }
0x384: {  	v7 =	vand.u32 $0x7, v7;
	v8 =	vand.u32 $0xFFFFFFF0, v8  }
0x385: {  	v7 =	vor.u32 v7, v8  }
0x386: {  	v8 =	vperm.xlane v7, v4;
	_ =	sdelay $0x1  }
0x387: {  	v7 =	vperm.xlane v7, v6;
	v8 =	vadd.s32 v5, v8;
	_ =	sdelay $0x1  }
0x388: {  	v7 =	vadd.s32 v5, v7;
	_ =	sdelay $0x2  }
0x389: {  	[tilespmem:s24], [sflag:$0x1] =	stream.indirect_vreg.gather [hbm4b:s1+s4], $0x80, v8, vm1, $0xb8;
	[tilespmem:$0x1AD80] =	vst v63  }
0x38a: {  	_ = 	snop  }
0x38b: {  	[tilespmem:s25], [sflag:$0x1] =	stream.indirect_vreg.gather [hbm4b:s1+s4], $0x80, v7, vm1, $0xb8;
	[tilespmem:$0x1AD80] =	vst v63  }
0x38c: {  	v7 =	vld [tilespmem:$0xBAE0];
	_ =	sdelay $0x4  }
0x38d: {  	v8 =	vshll.u32 v7, $0x1  }
0x38e: {  	v7 =	vand.u32 $0x7, v7;
	v8 =	vand.u32 $0xFFFFFFF0, v8  }
0x38f: {  	v7 =	vor.u32 v7, v8  }
0x390: {  	v8 =	vperm.xlane v7, v4;
	_ =	sdelay $0x1  }
0x391: {  	v7 =	vperm.xlane v7, v6;
	v8 =	vadd.s32 v5, v8;
	_ =	sdelay $0x1  }
0x392: {  	v7 =	vadd.s32 v5, v7;
	_ =	sdelay $0x2  }
0x393: {  	[tilespmem:s26], [sflag:$0x1] =	stream.indirect_vreg.gather [hbm4b:s1+s4], $0x80, v8, vm1, $0xb8;
	[tilespmem:$0x1AD80] =	vst v63  }
0x394: {  	_ = 	snop  }
0x395: {  	[tilespmem:s28], [sflag:$0x1] =	stream.indirect_vreg.gather [hbm4b:s1+s4], $0x80, v7, vm1, $0xb8;
	[tilespmem:$0x1AD80] =	vst v63  }
0x396: {  	v7 =	vld [tilespmem:$0xBAF0];
	_ =	sdelay $0x4  }
0x397: {  	v8 =	vshll.u32 v7, $0x1  }
0x398: {  	v7 =	vand.u32 $0x7, v7;
	v8 =	vand.u32 $0xFFFFFFF0, v8  }
0x399: {  	v7 =	vor.u32 v7, v8  }
0x39a: {  	v8 =	vperm.xlane v7, v4;
	_ =	sdelay $0x1  }
0x39b: {  	v7 =	vperm.xlane v7, v6;
	v8 =	vadd.s32 v5, v8;
	_ =	sdelay $0x1  }
0x39c: {  	v7 =	vadd.s32 v5, v7;
	_ =	sdelay $0x2  }
0x39d: {  	[tilespmem:s29], [sflag:$0x1] =	stream.indirect_vreg.gather [hbm4b:s1+s4], $0x80, v8, vm1, $0xb8;
	[tilespmem:$0x1AD80] =	vst v63  }
0x39e: {  	_ = 	snop  }
0x39f: {  	[tilespmem:s30], [sflag:$0x1] =	stream.indirect_vreg.gather [hbm4b:s1+s4], $0x80, v7, vm1, $0xb8;
	[tilespmem:$0x1AD80] =	vst v63  }
0x3a0: {  	v7 =	vld [tilespmem:$0xBB00];
	_ =	sdelay $0x4  }
0x3a1: {  	v8 =	vshll.u32 v7, $0x1  }
0x3a2: {  	v7 =	vand.u32 $0x7, v7;
	v8 =	vand.u32 $0xFFFFFFF0, v8  }
0x3a3: {  	v7 =	vor.u32 v7, v8  }
0x3a4: {  	v8 =	vperm.xlane v7, v4;
	_ =	sdelay $0x1  }
0x3a5: {  	v7 =	vperm.xlane v7, v6;
	v8 =	vadd.s32 v5, v8;
	_ =	sdelay $0x1  }
0x3a6: {  	v7 =	vadd.s32 v5, v7;
	_ =	sdelay $0x2  }
0x3a7: {  	[tilespmem:s31], [sflag:$0x1] =	stream.indirect_vreg.gather [hbm4b:s1+s4], $0x80, v8, vm1, $0xb8;
	[tilespmem:$0x1AD80] =	vst v63  }
0x3a8: {  	_ = 	snop  }
0x3a9: {  	[tilespmem:s19], [sflag:$0x1] =	stream.indirect_vreg.gather [hbm4b:s1+s4], $0x80, v7, vm1, $0xb8;
	[tilespmem:$0x1AD80] =	vst v63  }
0x3aa: {  	_ =	swait.ge [sflag:s6], $0x9000  }
0x3ab: {  	[sflag:s6] =	ssyncset.done $0x0  }
0x3ac: {  	s10 =	rddreg [dreg:$0x6];
	[sflag:s6] =	ssyncadd.s32 $0xFFFF7000  }
0x3ad: {  	[hbm4b:s10+s4] =	stream.linear.scatter [tilespmem:s2], [sflag:$0x2], $0x9000, $0x38;
	[tilespmem:$0x1AD80] =	vst v63  }
0x3ae: {  	_ =	swait.ge [sflag:s13], $0x9000  }
0x3af: {  	[sflag:s13] =	ssyncset.done $0x0  }
0x3b0: {  	s12 =	simm.s32 $0xA0;
	[sflag:s13] =	ssyncadd.s32 $0xFFFF7000  }
0x3b1: {  	s23 =	simm.s32 $0xBB80;
	s24 =	simm.s32 $0x15D80;
	s11 =	rddreg [dreg:$0x2]  }
0x3b2: {  	[tilespmem:s24], [sflag:$0x1] =	stream.indirect.gather [hbm4b:s11+s12], $0x80, s23, s12, $0xb8;
	[tilespmem:$0x1AD80] =	vst v63  }
0x3b3: {  	_ =	swait.ge [sflag:s6], $0x5000  }
0x3b4: {  	[sflag:s6] =	ssyncset.done $0x0  }
0x3b5: {  	s25 =	rddreg [dreg:$0x7];
	[sflag:s6] =	ssyncadd.s32 $0xFFFFB000  }
0x3b6: {  	[hbm4b:s25+s4] =	stream.linear.scatter [tilespmem:s24], [sflag:$0x2], $0x5000, $0x38;
	[tilespmem:$0x1AD80] =	vst v63  }
0x3b7: {  	_ =	swait.ge [sflag:s13], $0x5000  }
0x3b8: {  	[sflag:s13] =	ssyncset.done $0x0  }
0x3b9: {  	s26 =	simm.s32 $0x90;
	s28 =	simm.s32 $0xBC80;
	[sflag:s13] =	ssyncadd.s32 $0xFFFFB000  }
0x3ba: {  	[tilespmem:s24], [sflag:$0x1] =	stream.indirect.gather [hbm4b:s11+s26], $0x80, s28, s26, $0xb8;
	[tilespmem:$0x1AD80] =	vst v63  }
0x3bb: {  	_ =	swait.ge [sflag:s6], $0x4800  }
0x3bc: {  	[sflag:s6] =	ssyncset.done $0x0  }
0x3bd: {  	s29 =	rddreg [dreg:$0x8];
	[sflag:s6] =	ssyncadd.s32 $0xFFFFB800  }
0x3be: {  	[hbm4b:s29+s4] =	stream.linear.scatter [tilespmem:s24], [sflag:$0x2], $0x4800, $0x38;
	[tilespmem:$0x1AD80] =	vst v63  }
0x3bf: {  	_ =	swait.ge [sflag:s13], $0x4800  }
0x3c0: {  	s30 =	rddreg [dreg:$0xb]  }
0x3c1: {  	s31 =	rddreg [dreg:$0xa];
	s2 =	sadd.s32 $0x1, s30  }
0x3c2: {  	p0 =	sne.s32 s2, s31  }
.Ltmp35:
0x3c3: {  	_ = 	snop;
	(pc) =	sbr.rel @p0 .LBB2_2-.Ltmp35, $4  }
.Ltmp36:
0x3c4: {  	_ = 	snop;
	(pc) =	sbr.rel @!p0 .LBB2_62-.Ltmp36, $4  }
0x3c5: {  	_ = 	snop  }
0x3c6: {  	[sflag:s13] =	ssyncset.done $0x0  }
0x3c7: {  	[sflag:s13] =	ssyncadd.s32 $0xFFFFB800  }
0x3c8: {  	_ = 	snop  }
.LBB2_22:
.Ltmp37:
0x3c9: {  	(pc) =	sbr.rel .LBB2_26-.Ltmp37, $2  }
0x3ca: {  	_ =	sdelay $0x2  }
0x3cb: {  	s3 =	smov.u32 s31;
	s7 =	simm.s32 $0x4200;
	s8 =	simm.s32 $0x0  }
.LBB2_37:
.Ltmp38:
0x3cc: {  	(pc) =	sbr.rel .LBB2_41-.Ltmp38, $2  }
0x3cd: {  	_ =	sdelay $0x2  }
0x3ce: {  	s3 =	smov.u32 s31;
	s7 =	simm.s32 $0x8400;
	s8 =	simm.s32 $0x0  }
.LBB2_52:
.Ltmp39:
0x3cf: {  	(pc) =	sbr.rel .LBB2_56-.Ltmp39, $2  }
0x3d0: {  	_ =	sdelay $0x2  }
0x3d1: {  	s7 =	smov.u32 s31;
	s2 =	simm.s32 $0x4200  }
.LBB2_24:
.Ltmp40:
0x3d2: {  	(pc) =	sbr.rel .LBB2_26-.Ltmp40, $2  }
0x3d3: {  	_ =	sdelay $0x2  }
0x3d4: {  	s3 =	smov.u32 s31;
	s7 =	simm.s32 $0x4200;
	s8 =	simm.s32 $0x0  }
.LBB2_39:
.Ltmp41:
0x3d5: {  	(pc) =	sbr.rel .LBB2_41-.Ltmp41, $2  }
0x3d6: {  	_ =	sdelay $0x2  }
0x3d7: {  	s3 =	smov.u32 s31;
	s7 =	simm.s32 $0x8400;
	s8 =	simm.s32 $0x0  }
.LBB2_54:
.Ltmp42:
0x3d8: {  	(pc) =	sbr.rel .LBB2_56-.Ltmp42, $2  }
0x3d9: {  	_ =	sdelay $0x2  }
0x3da: {  	s7 =	smov.u32 s31;
	s2 =	simm.s32 $0x4200  }
.LBB2_62:
0x3db: {  	_ =	sfence.sel $0x180000  }
0x3dc: {  	[bflag:$0x0] =	sbarrier.arrive $0xFFFF  }
0x3dd: {  	_ =	strace $0x90000047  }
0x3de: {  	s0 =	stileid.u32;
	[bflag:$0x2] =	sbarrier.arrive $0xFFFF  }
0x3df: {  	p0 =	sne.s32 s0, $0x0;
	s0 =	rddreg [dreg:$0x4]  }
0x3e0: {  	s0 =	sadd.s32 @!p0 $0x100000, s0  }
0x3e1: {  	[sflag:s0] =	ssyncadd.tile.s32 @!p0 $0x1;
	_ =	shalt  }
.Lfunc_end2:
_tile_overlayer_lowered:
.L_overlay_start_2:
0x3e2: {  	(tag) =	ssettag $0x2  }
0x3e3: {  	s0 =	rddreg [dreg:$0x0];
	s2 =	stileid.u32  }
0x3e4: {  	s1 =	rddreg [dreg:$0x1];
	p0 =	sne.s32 s2, $0x0  }
0x3e5: {  	s3 =	rddreg [dreg:$0x2];
	[bflag:$0x3] =	sbarrier.arrive $0xFFFF;
	s2 =	simm.s32 @!p0 $0x1C02  }
0x3e6: {  	[timem:s3], [sflag:s2] =	dma.local @!p0 [hbm:s0], s1  }
0x3e7: {  	s0 =	simm.s32 @!p0 $0x2  }
0x3e8: {  	_ =	swait.ge @!p0 [sflag:s0], s1  }
0x3e9: {  	s1 =	ssub.s32 @!p0 $0x0, s1;
	[sflag:s0] =	ssyncset.done @!p0 $0x0  }
0x3ea: {  	[sflag:s0] =	ssyncadd.s32 @!p0 s1  }
0x3eb: {  	[bflag:$0x3] =	sbarrier.arrive $0xFFFF  }
0x3ec: {  	_ =	shalt  }

</sc_bundles>
